<compile_context>
chip_gen: v7x
topology: tpu7x:2x2x1
jax: 0.10.2.dev20260603
libtpu: 0.0.44.dev20260713+nightly
codegen_flags: <defaults>
</compile_context>

<pallas_src>
import functools

import jax
import jax.numpy as jnp
from jax import lax
from jax.experimental import pallas as pl
from jax.experimental.pallas import tpu as pltpu
from jax.experimental.pallas import tpu_sc as plsc

N = 10000
E = 320000
DIN = 128
DHID = 128
DOUT = 64
G = 128

NP = 10240
NC = 2
NS = 16
NW = NC * NS
CH = 128
NCHUNK = 80
EP = NW * NCHUNK * CH
NCH2 = EP // (NS * CH)
RPT = NP // NS
DDEG = 16


def _get_mesh():
    return plsc.VectorSubcoreMesh(core_axis_name="c", subcore_axis_name="s",
                                  num_cores=NC, num_subcores=NS)


def _make_edge_scatter_cs(D):

    @functools.partial(
        pl.kernel,
        out_type=jax.ShapeDtypeStruct((NC * NP, D), jnp.float32),
        mesh=_get_mesh(),
        compiler_params=pltpu.CompilerParams(use_tc_tiling_on_sc=False),
        scratch_types=[
            pltpu.VMEM((NCH2, CH), jnp.int32),
            pltpu.VMEM((NCH2, CH), jnp.int32),
            pltpu.VMEM((CH, D), jnp.float32),
            pltpu.VMEM((CH, D), jnp.float32),
            pltpu.VMEM((CH, D), jnp.float32),
            pltpu.VMEM((CH, D), jnp.float32),
            pltpu.VMEM_SHARED((NP, D), jnp.float32),
            pltpu.SemaphoreType.DMA,
            pltpu.SemaphoreType.DMA,
            pltpu.SemaphoreType.DMA,
            pltpu.SemaphoreType.DMA,
            pltpu.SemaphoreType.DMA,
            pltpu.SemaphoreType.DMA,
            pltpu.SemaphoreType.DMA,
            pltpu.SemaphoreType.DMA,
        ],
    )
    def k(src_hbm, dst_hbm, y_hbm, out_hbm, src_v, dst_v, rows0,
          rows1, rows2, rows3, acc, sg0, sg1, sg2, sg3, ss0, ss1, ss2, ss3):
        c = lax.axis_index("c")
        s = lax.axis_index("s")
        pltpu.sync_copy(src_hbm.at[c, s], src_v)
        pltpu.sync_copy(dst_hbm.at[s], dst_v)

        zv = jnp.zeros((16,), jnp.float32)

        def zbody(r, carry):
            for cc in range(D // 16):
                rows0[r, pl.ds(cc * 16, 16)] = zv
                rows1[r, pl.ds(cc * 16, 16)] = zv
                rows3[r, pl.ds(cc * 16, 16)] = zv
            return carry

        lax.fori_loop(0, CH, zbody, 0)
        for p in range(RPT // CH):
            pltpu.sync_copy(rows0, acc.at[pl.ds(s * RPT + p * CH, CH)])
        plsc.subcore_barrier()

        pltpu.async_copy(rows1, acc.at[dst_v.at[0]], ss1, add=True)
        pltpu.async_copy(rows3, acc.at[dst_v.at[0]], ss3, add=True)
        pltpu.async_copy(y_hbm.at[src_v.at[0]], rows0, sg0)
        pltpu.async_copy(y_hbm.at[src_v.at[1]], rows2, sg2)

        def body(k2, carry):
            a = 4 * k2
            pltpu.make_async_copy(y_hbm.at[src_v.at[a]], rows0, sg0).wait()
            pltpu.async_copy(rows0, acc.at[dst_v.at[a]], ss0, add=True)
            pltpu.make_async_copy(y_hbm.at[src_v.at[0]], rows2, sg2).wait()
            pltpu.async_copy(rows2, acc.at[dst_v.at[a + 1]], ss2, add=True)
            pltpu.make_async_copy(rows1, acc.at[dst_v.at[0]], ss1).wait()
            pltpu.async_copy(y_hbm.at[src_v.at[a + 2]], rows1, sg1)
            pltpu.make_async_copy(rows3, acc.at[dst_v.at[0]], ss3).wait()
            pltpu.async_copy(y_hbm.at[src_v.at[a + 3]], rows3, sg3)
            pltpu.make_async_copy(y_hbm.at[src_v.at[0]], rows1, sg1).wait()
            pltpu.async_copy(rows1, acc.at[dst_v.at[a + 2]], ss1, add=True)
            pltpu.make_async_copy(y_hbm.at[src_v.at[0]], rows3, sg3).wait()
            pltpu.async_copy(rows3, acc.at[dst_v.at[a + 3]], ss3, add=True)
            pltpu.make_async_copy(rows0, acc.at[dst_v.at[0]], ss0).wait()
            na = lax.rem(a + 4, NCH2)
            pltpu.async_copy(y_hbm.at[src_v.at[na]], rows0, sg0)
            pltpu.make_async_copy(rows2, acc.at[dst_v.at[0]], ss2).wait()
            nb = lax.rem(a + 5, NCH2)
            pltpu.async_copy(y_hbm.at[src_v.at[nb]], rows2, sg2)
            return carry

        lax.fori_loop(0, NCH2 // 4, body, 0)
        pltpu.make_async_copy(y_hbm.at[src_v.at[0]], rows0, sg0).wait()
        pltpu.make_async_copy(y_hbm.at[src_v.at[0]], rows2, sg2).wait()
        pltpu.make_async_copy(rows1, acc.at[dst_v.at[0]], ss1).wait()
        pltpu.make_async_copy(rows3, acc.at[dst_v.at[0]], ss3).wait()
        plsc.subcore_barrier()
        pltpu.sync_copy(acc.at[pl.ds(s * RPT, RPT)],
                        out_hbm.at[pl.ds(c * NP + s * RPT, RPT)])

    return k


def _make_deg_kernel():
    @functools.partial(
        pl.kernel,
        out_type=jax.ShapeDtypeStruct((NC, NP, DDEG), jnp.float32),
        mesh=_get_mesh(),
        scratch_types=[
            pltpu.VMEM((NCHUNK, CH), jnp.int32),
            pltpu.VMEM((CH, DDEG), jnp.float32),
            pltpu.VMEM((CH, DDEG), jnp.float32),
            pltpu.VMEM_SHARED((NP, DDEG), jnp.float32),
        ],
    )
    def k(dst_hbm, out_hbm, dst_v, ones_v, zero_v, acc):
        c = lax.axis_index("c")
        s = lax.axis_index("s")
        wid = c * NS + s
        pltpu.sync_copy(dst_hbm.at[wid], dst_v)

        ov = jnp.full((16,), 1.0, jnp.float32)
        zv = jnp.zeros((16,), jnp.float32)

        def fbody(r, carry):
            ones_v[r, pl.ds(0, DDEG)] = ov
            zero_v[r, pl.ds(0, DDEG)] = zv
            return carry

        lax.fori_loop(0, CH, fbody, 0)
        for p in range(RPT // CH):
            pltpu.sync_copy(zero_v, acc.at[pl.ds(s * RPT + p * CH, CH)])
        plsc.subcore_barrier()

        def body(j, carry):
            pltpu.sync_copy(ones_v, acc.at[dst_v.at[j]], add=True)
            return carry

        lax.fori_loop(0, NCHUNK, body, 0)
        plsc.subcore_barrier()
        pltpu.sync_copy(acc.at[pl.ds(s * RPT, RPT)],
                        out_hbm.at[c, pl.ds(s * RPT, RPT)])

    return k


_BR = 512
_NB = NP // _BR


def _dinv_block(d0_ref, d1_ref):
    deg = d0_ref[:, 0:1] + d1_ref[:, 0:1] + 1.0
    return lax.rsqrt(deg)


def _tc_y1(x, W1s, d0, d1):
    H = DHID // 2

    def body(x_ref, w_ref, d0_ref, d1_ref, y_ref):
        dinv = _dinv_block(d0_ref, d1_ref)
        y_ref[...] = dinv * jnp.dot(x_ref[...], w_ref[0],
                                    preferred_element_type=jnp.float32)

    return pl.pallas_call(
        body,
        grid=(_NB, 2),
        in_specs=[
            pl.BlockSpec((_BR, DIN), lambda i, j: (i, 0)),
            pl.BlockSpec((1, DIN, H), lambda i, j: (j, 0, 0)),
            pl.BlockSpec((_BR, DDEG), lambda i, j: (i, 0)),
            pl.BlockSpec((_BR, DDEG), lambda i, j: (i, 0)),
        ],
        out_specs=pl.BlockSpec((_BR, H), lambda i, j: (j * _NB + i, 0)),
        out_shape=jax.ShapeDtypeStruct((NC * NP, H), jnp.float32),
    )(x, W1s, d0, d1)


def _tc_y2(s1f, y1f, d0, d1, b1, W2s):
    H1 = DHID // 2
    H2 = DOUT // 2

    def body(s1a_ref, s1b_ref, y1a_ref, y1b_ref, d0_ref, d1_ref, b1_ref,
             w_ref, y2_ref):
        dinv = _dinv_block(d0_ref, d1_ref)
        t = jnp.concatenate(
            [s1a_ref[...] + y1a_ref[...], s1b_ref[...] + y1b_ref[...]],
            axis=1)
        h = jax.nn.relu(dinv * t + b1_ref[...])
        y2_ref[...] = dinv * jnp.dot(h, w_ref[0],
                                     preferred_element_type=jnp.float32)

    return pl.pallas_call(
        body,
        grid=(_NB, 2),
        in_specs=[
            pl.BlockSpec((_BR, H1), lambda i, j: (i, 0)),
            pl.BlockSpec((_BR, H1), lambda i, j: (_NB + i, 0)),
            pl.BlockSpec((_BR, H1), lambda i, j: (i, 0)),
            pl.BlockSpec((_BR, H1), lambda i, j: (_NB + i, 0)),
            pl.BlockSpec((_BR, DDEG), lambda i, j: (i, 0)),
            pl.BlockSpec((_BR, DDEG), lambda i, j: (i, 0)),
            pl.BlockSpec((1, DHID), lambda i, j: (0, 0)),
            pl.BlockSpec((1, DHID, H2), lambda i, j: (j, 0, 0)),
        ],
        out_specs=pl.BlockSpec((_BR, H2), lambda i, j: (j * _NB + i, 0)),
        out_shape=jax.ShapeDtypeStruct((NC * NP, H2), jnp.float32),
    )(s1f, s1f, y1f, y1f, d0, d1, b1, W2s)


def _tc_final(s2f, y2f, d0, d1, b2, batch2d, Wlp, bl2d):
    H2 = DOUT // 2

    def body(s2a_ref, s2b_ref, y2a_ref, y2b_ref, d0_ref, d1_ref, b2_ref,
             bt_ref, wl_ref, bl_ref, out_ref, acc_ref):
        i = pl.program_id(0)

        @pl.when(i == 0)
        def _():
            acc_ref[...] = jnp.zeros_like(acc_ref)

        dinv = _dinv_block(d0_ref, d1_ref)
        t = jnp.concatenate(
            [s2a_ref[...] + y2a_ref[...], s2b_ref[...] + y2b_ref[...]],
            axis=1)
        h2 = dinv * t + b2_ref[...]
        iota = lax.broadcasted_iota(jnp.int32, (G, _BR), 0)
        oh = (bt_ref[...] == iota).astype(jnp.float32)
        acc_ref[:, 0:DOUT] = acc_ref[:, 0:DOUT] + jnp.dot(
            oh, h2, preferred_element_type=jnp.float32)
        acc_ref[:, DOUT:DOUT + 1] = (acc_ref[:, DOUT:DOUT + 1]
                                     + jnp.sum(oh, axis=1, keepdims=True))

        @pl.when(i == _NB - 1)
        def _():
            cnt = jnp.maximum(acc_ref[:, DOUT:DOUT + 1], 1.0)
            g = acc_ref[:, 0:DOUT] / cnt
            out_ref[...] = jnp.dot(g, wl_ref[...],
                                   preferred_element_type=jnp.float32) \
                + bl_ref[0, 0]

    return pl.pallas_call(
        body,
        grid=(_NB,),
        in_specs=[
            pl.BlockSpec((_BR, H2), lambda i: (i, 0)),
            pl.BlockSpec((_BR, H2), lambda i: (_NB + i, 0)),
            pl.BlockSpec((_BR, H2), lambda i: (i, 0)),
            pl.BlockSpec((_BR, H2), lambda i: (_NB + i, 0)),
            pl.BlockSpec((_BR, DDEG), lambda i: (i, 0)),
            pl.BlockSpec((_BR, DDEG), lambda i: (i, 0)),
            pl.BlockSpec((1, DOUT), lambda i: (0, 0)),
            pl.BlockSpec((1, _BR), lambda i: (0, i)),
            pl.BlockSpec((DOUT, 128), lambda i: (0, 0)),
            pl.BlockSpec((1, 1), lambda i: (0, 0)),
        ],
        out_specs=pl.BlockSpec((G, 128), lambda i: (0, 0)),
        out_shape=jax.ShapeDtypeStruct((G, 128), jnp.float32),
        scratch_shapes=[pltpu.VMEM((G, 128), jnp.float32)],
    )(s2f, s2f, y2f, y2f, d0, d1, b2, batch2d, Wlp, bl2d)


_sc_cache = {}


def _deg_kernel(dst_slab):
    if "deg" not in _sc_cache:
        _sc_cache["deg"] = _make_deg_kernel()
    return _sc_cache["deg"](dst_slab)


def _scatter_l1(src_slab, dst_slab, y):
    if 1 not in _sc_cache:
        _sc_cache[1] = _make_edge_scatter_cs(DHID // 2)
    return _sc_cache[1](src_slab, dst_slab, y)


def _scatter_l2(src_slab, dst_slab, y):
    if 2 not in _sc_cache:
        _sc_cache[2] = _make_edge_scatter_cs(DOUT // 2)
    return _sc_cache[2](src_slab, dst_slab, y)


def kernel(x, edge_index, batch, W1, b1, W2, b2, Wl, bl):
    src = edge_index[0]
    dst = edge_index[1]
    pad = jnp.full((EP - E,), N, dtype=jnp.int32)
    srcp = jnp.concatenate([src, pad])
    dstp = jnp.concatenate([dst, pad])
    dst_deg_slab = dstp.reshape(NW, NCHUNK, CH)
    src_base = srcp.reshape(NS, NCH2, CH)
    src_slab = jnp.stack([src_base, src_base + NP])
    dst_slab = dstp.reshape(NS, NCH2, CH)

    xp = jnp.zeros((NP, DIN), jnp.float32).at[:N].set(x)
    batchp = jnp.full((NP,), G, jnp.int32).at[:N].set(batch).reshape(1, NP)
    W1s = jnp.stack([W1[:, :DHID // 2], W1[:, DHID // 2:]])
    W2s = jnp.stack([W2[:, :DOUT // 2], W2[:, DOUT // 2:]])

    deg = _deg_kernel(dst_deg_slab)
    d0, d1 = deg[0], deg[1]

    y1f = _tc_y1(xp, W1s, d0, d1)
    s1f = _scatter_l1(src_slab, dst_slab, y1f)
    y2f = _tc_y2(s1f, y1f, d0, d1, b1.reshape(1, DHID), W2s)
    s2f = _scatter_l2(src_slab, dst_slab, y2f)

    Wlp = jnp.zeros((DOUT, 128), jnp.float32).at[:, 0].set(Wl[:, 0])
    out2 = _tc_final(s2f, y2f, d0, d1, b2.reshape(1, DOUT), batchp,
                     Wlp, bl.reshape(1, 1))
    return out2[:, 0:1]

# --- scband reference (transcript-rebuilt; emitter-appended) ---
"""Pipeline reference for scband-gcn-15298673508536 (READ-ONLY COPY).

The authoritative reference and input builder live on the scoring server;
editing this copy changes nothing except your own understanding.
"""

import jax, jax.numpy as jnp
import numpy as np

N_NODES = 10000
N_EDGES = 320000
D_IN = 128
D_HID = 128
D_OUT = 64
N_GRAPHS = 128


def gcn_conv(x, edge_index, W, b):
    n = x.shape[0]
    src = edge_index[0]
    dst = edge_index[1]
    # add self-loops (PyG GCNConv default add_self_loops=True)
    loop = jnp.arange(n, dtype=src.dtype)
    src = jnp.concatenate([src, loop])
    dst = jnp.concatenate([dst, loop])
    # symmetric normalization: deg computed on target nodes, edge_weight=1
    deg = jnp.zeros((n,), dtype=x.dtype).at[dst].add(1.0)
    deg_inv_sqrt = jnp.where(deg > 0, 1.0 / jnp.sqrt(deg), 0.0)
    norm = deg_inv_sqrt[src] * deg_inv_sqrt[dst]
    xw = x @ W
    msg = xw[src] * norm[:, None]
    out = jnp.zeros((n, W.shape[1]), dtype=x.dtype).at[dst].add(msg)
    return out + b


def global_mean_pool(x, batch, num_graphs):
    sums = jax.ops.segment_sum(x, batch, num_segments=num_graphs)
    counts = jax.ops.segment_sum(jnp.ones((x.shape[0],), dtype=x.dtype), batch, num_segments=num_graphs)
    counts = jnp.maximum(counts, 1.0)
    return sums / counts[:, None]


def setup_inputs(seed: int = 0) -> dict:
    key = jax.random.key(seed)
    k = jax.random.split(key, 10)
    x = jax.random.normal(k[0], (N_NODES, D_IN), dtype=jnp.float32)
    edge_index = jax.random.randint(k[1], (2, N_EDGES), 0, N_NODES, dtype=jnp.int64 if jax.config.jax_enable_x64 else jnp.int32).astype(jnp.int32)
    batch = jnp.sort(jax.random.randint(k[2], (N_NODES,), 0, N_GRAPHS).astype(jnp.int32))
    W1 = jax.random.normal(k[3], (D_IN, D_HID), dtype=jnp.float32) * (1.0 / np.sqrt(D_IN))
    b1 = jnp.zeros((D_HID,), dtype=jnp.float32)
    W2 = jax.random.normal(k[4], (D_HID, D_OUT), dtype=jnp.float32) * (1.0 / np.sqrt(D_HID))
    b2 = jnp.zeros((D_OUT,), dtype=jnp.float32)
    Wl = jax.random.normal(k[5], (D_OUT, 1), dtype=jnp.float32) * (1.0 / np.sqrt(D_OUT))
    bl = jnp.zeros((1,), dtype=jnp.float32)
    return {"x": x, "edge_index": edge_index, "batch": batch, "W1": W1, "b1": b1, "W2": W2, "b2": b2, "Wl": Wl, "bl": bl}


def reference(x, edge_index, batch, W1, b1, W2, b2, Wl, bl):
    h = gcn_conv(x, edge_index, W1, b1)
    h = jax.nn.relu(h)
    h = gcn_conv(h, edge_index, W2, b2)
    g = global_mean_pool(h, batch, N_GRAPHS)
    # dropout is identity in eval mode
    out = g @ Wl + bl
    return out

if __name__ == "__main__":
    import jax
    _d = setup_inputs()
    print(jax.jit(kernel)(*tuple(_d.values())))

</pallas_src>

<mosaic_0001>
#map = affine_map<(d0, d1) -> (0, 0, 0)>
module attributes {stable_mosaic.version = 14 : i64} {
  func.func @k(%arg0: i32, %arg1: i32, %arg2: memref<32x80x128xi32, #tpu.memory_space<hbm>>, %arg3: memref<2x10240x16xf32, #tpu.memory_space<hbm>>, %arg4: memref<80x128xi32, #tpu.memory_space<vmem>>, %arg5: memref<128x16xf32, #tpu.memory_space<vmem>>, %arg6: memref<128x16xf32, #tpu.memory_space<vmem>>, %arg7: memref<10240x16xf32, #tpu.memory_space<vmem_shared>>) attributes {dimension_semantics = [#tpu.dimension_semantics<core_parallel>, #tpu.dimension_semantics<subcore_parallel>], iteration_bounds = array<i64: 2, 16>, scalar_prefetch = 0 : i64, scratch_operands = 4 : i64, tpu.core_type = #tpu.core_type<sc_vector_subcore>, window_params = [{transform_indices = #map}, {transform_indices = #map}]} {
    %mul3A = arith.constant 16 : i32
    %mul3A_0 = arith.muli %arg0, %mul3A : i32
    %add3A = arith.addi %mul3A_0, %arg1 : i32
    "tpu.region"() ({
      %run_scoped3A = tpu.sem_alloc : memref<!tpu.dma_semaphore, #tpu.memory_space<semaphore_mem>>
      %dma_start3A = arith.constant 0 : i32
      %dma_start3A_40 = arith.constant 0 : i32
      %dma_start3A_41 = tpu.memref_slice %arg2[%add3A, %dma_start3A, %dma_start3A_40] : memref<32x80x128xi32, #tpu.memory_space<hbm>> -> memref<1x80x128xi32, #tpu.memory_space<hbm>>
      %dma_start3A_42 = tpu.memref_squeeze %dma_start3A_41 : memref<1x80x128xi32, #tpu.memory_space<hbm>> -> memref<80x128xi32, #tpu.memory_space<hbm>>
      %dma_start3A_43 = arith.constant 0 : i32
      %dma_start3A_44 = arith.constant 0 : i32
      %dma_start3A_45 = tpu.memref_slice %arg2[%add3A, %dma_start3A_43, %dma_start3A_44] : memref<32x80x128xi32, #tpu.memory_space<hbm>> -> memref<1x80x128xi32, #tpu.memory_space<hbm>>
      %dma_start3A_46 = tpu.memref_squeeze %dma_start3A_45 : memref<1x80x128xi32, #tpu.memory_space<hbm>> -> memref<80x128xi32, #tpu.memory_space<hbm>>
      tpu.enqueue_dma source(%dma_start3A_46 : memref<80x128xi32, #tpu.memory_space<hbm>>) target(%arg4 : memref<80x128xi32, #tpu.memory_space<vmem>>) target_semaphore(%run_scoped3A : memref<!tpu.dma_semaphore, #tpu.memory_space<semaphore_mem>>)
      %dma_wait3A = arith.constant 0 : i32
      %dma_wait3A_47 = arith.constant 0 : i32
      %dma_wait3A_48 = tpu.memref_slice %arg2[%add3A, %dma_wait3A, %dma_wait3A_47] : memref<32x80x128xi32, #tpu.memory_space<hbm>> -> memref<1x80x128xi32, #tpu.memory_space<hbm>>
      %dma_wait3A_49 = tpu.memref_squeeze %dma_wait3A_48 : memref<1x80x128xi32, #tpu.memory_space<hbm>> -> memref<80x128xi32, #tpu.memory_space<hbm>>
      %dma_wait3A_50 = arith.constant 0 : i32
      %dma_wait3A_51 = arith.constant 0 : i32
      %dma_wait3A_52 = tpu.memref_slice %arg2[%add3A, %dma_wait3A_50, %dma_wait3A_51] : memref<32x80x128xi32, #tpu.memory_space<hbm>> -> memref<1x80x128xi32, #tpu.memory_space<hbm>>
      %dma_wait3A_53 = tpu.memref_squeeze %dma_wait3A_52 : memref<1x80x128xi32, #tpu.memory_space<hbm>> -> memref<80x128xi32, #tpu.memory_space<hbm>>
      tpu.wait_dma2 semaphore(%run_scoped3A : memref<!tpu.dma_semaphore, #tpu.memory_space<semaphore_mem>>) src(%dma_wait3A_53 : memref<80x128xi32, #tpu.memory_space<hbm>>) dst(%arg4 : memref<80x128xi32, #tpu.memory_space<vmem>>)
      tpu.yield
    }) : () -> ()
    %broadcast_in_dim3A = arith.constant 1.000000e+00 : f32
    %broadcast_in_dim3A_1 = vector.broadcast %broadcast_in_dim3A : f32 to vector<16xf32>
    %broadcast_in_dim3A_2 = arith.constant 0.000000e+00 : f32
    %broadcast_in_dim3A_3 = vector.broadcast %broadcast_in_dim3A_2 : f32 to vector<16xf32>
    %scan3A = arith.constant 0 : i32
    %scan3A_4 = arith.constant 0 : i32
    %scan3A_5 = arith.constant 128 : i32
    %scan3A_6 = arith.addi %scan3A_4, %scan3A_5 : i32
    %scan3A_7 = arith.constant 1 : i32
    scf.for %scan3A_40 = %scan3A_4 to %scan3A_6 step %scan3A_7  : i32 {
      %swap3A = arith.index_cast %scan3A_40 : i32 to index
      %swap3A_41 = arith.constant 0 : index
      %swap3A_42 = tpu.vector_load %arg5[%swap3A, %swap3A_41] {strides = array<i32>} : memref<128x16xf32, #tpu.memory_space<vmem>>, vector<1x16xf32>,
      %swap3A_43 = vector.shape_cast %swap3A_42 : vector<1x16xf32> to vector<16xf32>
      %swap3A_44 = vector.shape_cast %broadcast_in_dim3A_1 : vector<16xf32> to vector<1x16xf32>
      tpu.vector_store %arg5[%swap3A, %swap3A_41], %swap3A_44 {strides = array<i32>} : memref<128x16xf32, #tpu.memory_space<vmem>>, vector<1x16xf32>,
      %swap3A_45 = arith.index_cast %scan3A_40 : i32 to index
      %swap3A_46 = arith.constant 0 : index
      %swap3A_47 = tpu.vector_load %arg6[%swap3A_45, %swap3A_46] {strides = array<i32>} : memref<128x16xf32, #tpu.memory_space<vmem>>, vector<1x16xf32>,
      %swap3A_48 = vector.shape_cast %swap3A_47 : vector<1x16xf32> to vector<16xf32>
      %swap3A_49 = vector.shape_cast %broadcast_in_dim3A_3 : vector<16xf32> to vector<1x16xf32>
      tpu.vector_store %arg6[%swap3A_45, %swap3A_46], %swap3A_49 {strides = array<i32>} : memref<128x16xf32, #tpu.memory_space<vmem>>, vector<1x16xf32>,
    }
    %scan3A_8 = arith.constant 128 : i32
    %mul3A_9 = arith.constant 640 : i32
    %mul3A_10 = arith.muli %arg1, %mul3A_9 : i32
    %add3A_11 = arith.constant 0 : i32
    %add3A_12 = arith.addi %mul3A_10, %add3A_11 : i32
    "tpu.region"() ({
      %run_scoped3A = tpu.sem_alloc : memref<!tpu.dma_semaphore, #tpu.memory_space<semaphore_mem>>
      %dma_start3A = arith.constant 0 : i32
      %dma_start3A_40 = tpu.memref_slice %arg7[%add3A_12, %dma_start3A] : memref<10240x16xf32, #tpu.memory_space<vmem_shared>> -> memref<128x16xf32, #tpu.memory_space<vmem_shared>>
      %dma_start3A_41 = arith.constant 0 : i32
      %dma_start3A_42 = tpu.memref_slice %arg7[%add3A_12, %dma_start3A_41] : memref<10240x16xf32, #tpu.memory_space<vmem_shared>> -> memref<128x16xf32, #tpu.memory_space<vmem_shared>>
      tpu.enqueue_dma source(%arg6 : memref<128x16xf32, #tpu.memory_space<vmem>>) target(%dma_start3A_42 : memref<128x16xf32, #tpu.memory_space<vmem_shared>>) target_semaphore(%run_scoped3A : memref<!tpu.dma_semaphore, #tpu.memory_space<semaphore_mem>>)
      %dma_wait3A = arith.constant 0 : i32
      %dma_wait3A_43 = tpu.memref_slice %arg7[%add3A_12, %dma_wait3A] : memref<10240x16xf32, #tpu.memory_space<vmem_shared>> -> memref<128x16xf32, #tpu.memory_space<vmem_shared>>
      %dma_wait3A_44 = arith.constant 0 : i32
      %dma_wait3A_45 = tpu.memref_slice %arg7[%add3A_12, %dma_wait3A_44] : memref<10240x16xf32, #tpu.memory_space<vmem_shared>> -> memref<128x16xf32, #tpu.memory_space<vmem_shared>>
      tpu.wait_dma2 semaphore(%run_scoped3A : memref<!tpu.dma_semaphore, #tpu.memory_space<semaphore_mem>>) src(%arg6 : memref<128x16xf32, #tpu.memory_space<vmem>>) dst(%dma_wait3A_45 : memref<128x16xf32, #tpu.memory_space<vmem_shared>>)
      tpu.yield
    }) : () -> ()
    %mul3A_13 = arith.constant 640 : i32
    %mul3A_14 = arith.muli %arg1, %mul3A_13 : i32
    %add3A_15 = arith.constant 128 : i32
    %add3A_16 = arith.addi %mul3A_14, %add3A_15 : i32
    "tpu.region"() ({
      %run_scoped3A = tpu.sem_alloc : memref<!tpu.dma_semaphore, #tpu.memory_space<semaphore_mem>>
      %dma_start3A = arith.constant 0 : i32
      %dma_start3A_40 = tpu.memref_slice %arg7[%add3A_16, %dma_start3A] : memref<10240x16xf32, #tpu.memory_space<vmem_shared>> -> memref<128x16xf32, #tpu.memory_space<vmem_shared>>
      %dma_start3A_41 = arith.constant 0 : i32
      %dma_start3A_42 = tpu.memref_slice %arg7[%add3A_16, %dma_start3A_41] : memref<10240x16xf32, #tpu.memory_space<vmem_shared>> -> memref<128x16xf32, #tpu.memory_space<vmem_shared>>
      tpu.enqueue_dma source(%arg6 : memref<128x16xf32, #tpu.memory_space<vmem>>) target(%dma_start3A_42 : memref<128x16xf32, #tpu.memory_space<vmem_shared>>) target_semaphore(%run_scoped3A : memref<!tpu.dma_semaphore, #tpu.memory_space<semaphore_mem>>)
      %dma_wait3A = arith.constant 0 : i32
      %dma_wait3A_43 = tpu.memref_slice %arg7[%add3A_16, %dma_wait3A] : memref<10240x16xf32, #tpu.memory_space<vmem_shared>> -> memref<128x16xf32, #tpu.memory_space<vmem_shared>>
      %dma_wait3A_44 = arith.constant 0 : i32
      %dma_wait3A_45 = tpu.memref_slice %arg7[%add3A_16, %dma_wait3A_44] : memref<10240x16xf32, #tpu.memory_space<vmem_shared>> -> memref<128x16xf32, #tpu.memory_space<vmem_shared>>
      tpu.wait_dma2 semaphore(%run_scoped3A : memref<!tpu.dma_semaphore, #tpu.memory_space<semaphore_mem>>) src(%arg6 : memref<128x16xf32, #tpu.memory_space<vmem>>) dst(%dma_wait3A_45 : memref<128x16xf32, #tpu.memory_space<vmem_shared>>)
      tpu.yield
    }) : () -> ()
    %mul3A_17 = arith.constant 640 : i32
    %mul3A_18 = arith.muli %arg1, %mul3A_17 : i32
    %add3A_19 = arith.constant 256 : i32
    %add3A_20 = arith.addi %mul3A_18, %add3A_19 : i32
    "tpu.region"() ({
      %run_scoped3A = tpu.sem_alloc : memref<!tpu.dma_semaphore, #tpu.memory_space<semaphore_mem>>
      %dma_start3A = arith.constant 0 : i32
      %dma_start3A_40 = tpu.memref_slice %arg7[%add3A_20, %dma_start3A] : memref<10240x16xf32, #tpu.memory_space<vmem_shared>> -> memref<128x16xf32, #tpu.memory_space<vmem_shared>>
      %dma_start3A_41 = arith.constant 0 : i32
      %dma_start3A_42 = tpu.memref_slice %arg7[%add3A_20, %dma_start3A_41] : memref<10240x16xf32, #tpu.memory_space<vmem_shared>> -> memref<128x16xf32, #tpu.memory_space<vmem_shared>>
      tpu.enqueue_dma source(%arg6 : memref<128x16xf32, #tpu.memory_space<vmem>>) target(%dma_start3A_42 : memref<128x16xf32, #tpu.memory_space<vmem_shared>>) target_semaphore(%run_scoped3A : memref<!tpu.dma_semaphore, #tpu.memory_space<semaphore_mem>>)
      %dma_wait3A = arith.constant 0 : i32
      %dma_wait3A_43 = tpu.memref_slice %arg7[%add3A_20, %dma_wait3A] : memref<10240x16xf32, #tpu.memory_space<vmem_shared>> -> memref<128x16xf32, #tpu.memory_space<vmem_shared>>
      %dma_wait3A_44 = arith.constant 0 : i32
      %dma_wait3A_45 = tpu.memref_slice %arg7[%add3A_20, %dma_wait3A_44] : memref<10240x16xf32, #tpu.memory_space<vmem_shared>> -> memref<128x16xf32, #tpu.memory_space<vmem_shared>>
      tpu.wait_dma2 semaphore(%run_scoped3A : memref<!tpu.dma_semaphore, #tpu.memory_space<semaphore_mem>>) src(%arg6 : memref<128x16xf32, #tpu.memory_space<vmem>>) dst(%dma_wait3A_45 : memref<128x16xf32, #tpu.memory_space<vmem_shared>>)
      tpu.yield
    }) : () -> ()
    %mul3A_21 = arith.constant 640 : i32
    %mul3A_22 = arith.muli %arg1, %mul3A_21 : i32
    %add3A_23 = arith.constant 384 : i32
    %add3A_24 = arith.addi %mul3A_22, %add3A_23 : i32
    "tpu.region"() ({
      %run_scoped3A = tpu.sem_alloc : memref<!tpu.dma_semaphore, #tpu.memory_space<semaphore_mem>>
      %dma_start3A = arith.constant 0 : i32
      %dma_start3A_40 = tpu.memref_slice %arg7[%add3A_24, %dma_start3A] : memref<10240x16xf32, #tpu.memory_space<vmem_shared>> -> memref<128x16xf32, #tpu.memory_space<vmem_shared>>
      %dma_start3A_41 = arith.constant 0 : i32
      %dma_start3A_42 = tpu.memref_slice %arg7[%add3A_24, %dma_start3A_41] : memref<10240x16xf32, #tpu.memory_space<vmem_shared>> -> memref<128x16xf32, #tpu.memory_space<vmem_shared>>
      tpu.enqueue_dma source(%arg6 : memref<128x16xf32, #tpu.memory_space<vmem>>) target(%dma_start3A_42 : memref<128x16xf32, #tpu.memory_space<vmem_shared>>) target_semaphore(%run_scoped3A : memref<!tpu.dma_semaphore, #tpu.memory_space<semaphore_mem>>)
      %dma_wait3A = arith.constant 0 : i32
      %dma_wait3A_43 = tpu.memref_slice %arg7[%add3A_24, %dma_wait3A] : memref<10240x16xf32, #tpu.memory_space<vmem_shared>> -> memref<128x16xf32, #tpu.memory_space<vmem_shared>>
      %dma_wait3A_44 = arith.constant 0 : i32
      %dma_wait3A_45 = tpu.memref_slice %arg7[%add3A_24, %dma_wait3A_44] : memref<10240x16xf32, #tpu.memory_space<vmem_shared>> -> memref<128x16xf32, #tpu.memory_space<vmem_shared>>
      tpu.wait_dma2 semaphore(%run_scoped3A : memref<!tpu.dma_semaphore, #tpu.memory_space<semaphore_mem>>) src(%arg6 : memref<128x16xf32, #tpu.memory_space<vmem>>) dst(%dma_wait3A_45 : memref<128x16xf32, #tpu.memory_space<vmem_shared>>)
      tpu.yield
    }) : () -> ()
    %mul3A_25 = arith.constant 640 : i32
    %mul3A_26 = arith.muli %arg1, %mul3A_25 : i32
    %add3A_27 = arith.constant 512 : i32
    %add3A_28 = arith.addi %mul3A_26, %add3A_27 : i32
    "tpu.region"() ({
      %run_scoped3A = tpu.sem_alloc : memref<!tpu.dma_semaphore, #tpu.memory_space<semaphore_mem>>
      %dma_start3A = arith.constant 0 : i32
      %dma_start3A_40 = tpu.memref_slice %arg7[%add3A_28, %dma_start3A] : memref<10240x16xf32, #tpu.memory_space<vmem_shared>> -> memref<128x16xf32, #tpu.memory_space<vmem_shared>>
      %dma_start3A_41 = arith.constant 0 : i32
      %dma_start3A_42 = tpu.memref_slice %arg7[%add3A_28, %dma_start3A_41] : memref<10240x16xf32, #tpu.memory_space<vmem_shared>> -> memref<128x16xf32, #tpu.memory_space<vmem_shared>>
      tpu.enqueue_dma source(%arg6 : memref<128x16xf32, #tpu.memory_space<vmem>>) target(%dma_start3A_42 : memref<128x16xf32, #tpu.memory_space<vmem_shared>>) target_semaphore(%run_scoped3A : memref<!tpu.dma_semaphore, #tpu.memory_space<semaphore_mem>>)
      %dma_wait3A = arith.constant 0 : i32
      %dma_wait3A_43 = tpu.memref_slice %arg7[%add3A_28, %dma_wait3A] : memref<10240x16xf32, #tpu.memory_space<vmem_shared>> -> memref<128x16xf32, #tpu.memory_space<vmem_shared>>
      %dma_wait3A_44 = arith.constant 0 : i32
      %dma_wait3A_45 = tpu.memref_slice %arg7[%add3A_28, %dma_wait3A_44] : memref<10240x16xf32, #tpu.memory_space<vmem_shared>> -> memref<128x16xf32, #tpu.memory_space<vmem_shared>>
      tpu.wait_dma2 semaphore(%run_scoped3A : memref<!tpu.dma_semaphore, #tpu.memory_space<semaphore_mem>>) src(%arg6 : memref<128x16xf32, #tpu.memory_space<vmem>>) dst(%dma_wait3A_45 : memref<128x16xf32, #tpu.memory_space<vmem_shared>>)
      tpu.yield
    }) : () -> ()
    %barrier3A = arith.constant 0 : index
    tpu.barrier barrier_id(%barrier3A)
    %scan3A_29 = arith.constant 0 : i32
    %scan3A_30 = arith.constant 0 : i32
    %scan3A_31 = arith.constant 80 : i32
    %scan3A_32 = arith.addi %scan3A_30, %scan3A_31 : i32
    %scan3A_33 = arith.constant 1 : i32
    scf.for %scan3A_40 = %scan3A_30 to %scan3A_32 step %scan3A_33  : i32 {
      "tpu.region"() ({
        %run_scoped3A = tpu.sem_alloc : memref<!tpu.dma_semaphore, #tpu.memory_space<semaphore_mem>>
        %dma_start3A = arith.constant 0 : i32
        %dma_start3A_41 = tpu.memref_slice %arg4[%scan3A_40, %dma_start3A] : memref<80x128xi32, #tpu.memory_space<vmem>> -> memref<1x128xi32, #tpu.memory_space<vmem>>
        %dma_start3A_42 = tpu.memref_squeeze %dma_start3A_41 : memref<1x128xi32, #tpu.memory_space<vmem>> -> memref<128xi32, #tpu.memory_space<vmem>>
        %dma_start3A_43 = arith.constant 0 : i32
        %dma_start3A_44 = arith.constant 0 : i32
        %dma_start3A_45 = tpu.memref_slice %arg7[%dma_start3A_43, %dma_start3A_44] : memref<10240x16xf32, #tpu.memory_space<vmem_shared>> -> memref<10240x16xf32, #tpu.memory_space<vmem_shared>>
        tpu.enqueue_indirect_dma source(%arg5 : memref<128x16xf32, #tpu.memory_space<vmem>>) target(%dma_start3A_45 : memref<10240x16xf32, #tpu.memory_space<vmem_shared>>) offsets(%dma_start3A_42 : memref<128xi32, #tpu.memory_space<vmem>>) semaphore(%run_scoped3A : memref<!tpu.dma_semaphore, #tpu.memory_space<semaphore_mem>>) {add = true}
        %dma_wait3A = arith.constant 0 : i32
        %dma_wait3A_46 = tpu.memref_slice %arg4[%scan3A_40, %dma_wait3A] : memref<80x128xi32, #tpu.memory_space<vmem>> -> memref<1x128xi32, #tpu.memory_space<vmem>>
        %dma_wait3A_47 = tpu.memref_squeeze %dma_wait3A_46 : memref<1x128xi32, #tpu.memory_space<vmem>> -> memref<128xi32, #tpu.memory_space<vmem>>
        %dma_wait3A_48 = arith.constant 0 : i32
        %dma_wait3A_49 = arith.constant 0 : i32
        %dma_wait3A_50 = tpu.memref_slice %arg7[%dma_wait3A_48, %dma_wait3A_49] : memref<10240x16xf32, #tpu.memory_space<vmem_shared>> -> memref<10240x16xf32, #tpu.memory_space<vmem_shared>>
        tpu.wait_indirect_dma semaphore(%run_scoped3A : memref<!tpu.dma_semaphore, #tpu.memory_space<semaphore_mem>>) src(%arg5 : memref<128x16xf32, #tpu.memory_space<vmem>>) dst(%dma_wait3A_50 : memref<10240x16xf32, #tpu.memory_space<vmem_shared>>)
        tpu.yield
      }) : () -> ()
    }
    %scan3A_34 = arith.constant 80 : i32
    %barrier3A_35 = arith.constant 0 : index
    tpu.barrier barrier_id(%barrier3A_35)
    %mul3A_36 = arith.constant 640 : i32
    %mul3A_37 = arith.muli %arg1, %mul3A_36 : i32
    %mul3A_38 = arith.constant 640 : i32
    %mul3A_39 = arith.muli %arg1, %mul3A_38 : i32
    "tpu.region"() ({
      %run_scoped3A = tpu.sem_alloc : memref<!tpu.dma_semaphore, #tpu.memory_space<semaphore_mem>>
      %dma_start3A = arith.constant 0 : i32
      %dma_start3A_40 = tpu.memref_slice %arg3[%arg0, %mul3A_39, %dma_start3A] : memref<2x10240x16xf32, #tpu.memory_space<hbm>> -> memref<1x640x16xf32, #tpu.memory_space<hbm>>
      %dma_start3A_41 = tpu.memref_squeeze %dma_start3A_40 : memref<1x640x16xf32, #tpu.memory_space<hbm>> -> memref<640x16xf32, #tpu.memory_space<hbm>>
      %dma_start3A_42 = arith.constant 0 : i32
      %dma_start3A_43 = tpu.memref_slice %arg7[%mul3A_37, %dma_start3A_42] : memref<10240x16xf32, #tpu.memory_space<vmem_shared>> -> memref<640x16xf32, #tpu.memory_space<vmem_shared>>
      tpu.enqueue_dma source(%dma_start3A_43 : memref<640x16xf32, #tpu.memory_space<vmem_shared>>) target(%dma_start3A_41 : memref<640x16xf32, #tpu.memory_space<hbm>>) target_semaphore(%run_scoped3A : memref<!tpu.dma_semaphore, #tpu.memory_space<semaphore_mem>>)
      %dma_wait3A = arith.constant 0 : i32
      %dma_wait3A_44 = tpu.memref_slice %arg3[%arg0, %mul3A_39, %dma_wait3A] : memref<2x10240x16xf32, #tpu.memory_space<hbm>> -> memref<1x640x16xf32, #tpu.memory_space<hbm>>
      %dma_wait3A_45 = tpu.memref_squeeze %dma_wait3A_44 : memref<1x640x16xf32, #tpu.memory_space<hbm>> -> memref<640x16xf32, #tpu.memory_space<hbm>>
      %dma_wait3A_46 = arith.constant 0 : i32
      %dma_wait3A_47 = tpu.memref_slice %arg7[%mul3A_37, %dma_wait3A_46] : memref<10240x16xf32, #tpu.memory_space<vmem_shared>> -> memref<640x16xf32, #tpu.memory_space<vmem_shared>>
      tpu.wait_dma2 semaphore(%run_scoped3A : memref<!tpu.dma_semaphore, #tpu.memory_space<semaphore_mem>>) src(%dma_wait3A_47 : memref<640x16xf32, #tpu.memory_space<vmem_shared>>) dst(%dma_wait3A_45 : memref<640x16xf32, #tpu.memory_space<hbm>>)
      tpu.yield
    }) : () -> ()
    return
  }
}

#map = affine_map<(d0, d1) -> (0, 0, 0, 0)>
#map1 = affine_map<(d0, d1) -> (0, 0, 0)>
#map2 = affine_map<(d0, d1) -> (0, 0)>
module attributes {stable_mosaic.version = 14 : i64} {
  func.func @k(%arg0: i32, %arg1: i32, %arg2: memref<2x16x160x128xi32, #tpu.memory_space<hbm>>, %arg3: memref<16x160x128xi32, #tpu.memory_space<hbm>>, %arg4: memref<20480x32xf32, #tpu.memory_space<hbm>>, %arg5: memref<20480x32xf32, #tpu.memory_space<hbm>>, %arg6: memref<160x128xi32, #tpu.memory_space<vmem>>, %arg7: memref<160x128xi32, #tpu.memory_space<vmem>>, %arg8: memref<128x32xf32, #tpu.memory_space<vmem>>, %arg9: memref<128x32xf32, #tpu.memory_space<vmem>>, %arg10: memref<128x32xf32, #tpu.memory_space<vmem>>, %arg11: memref<128x32xf32, #tpu.memory_space<vmem>>, %arg12: memref<10240x32xf32, #tpu.memory_space<vmem_shared>>, %arg13: memref<!tpu.dma_semaphore, #tpu.memory_space<semaphore_mem>>, %arg14: memref<!tpu.dma_semaphore, #tpu.memory_space<semaphore_mem>>, %arg15: memref<!tpu.dma_semaphore, #tpu.memory_space<semaphore_mem>>, %arg16: memref<!tpu.dma_semaphore, #tpu.memory_space<semaphore_mem>>, %arg17: memref<!tpu.dma_semaphore, #tpu.memory_space<semaphore_mem>>, %arg18: memref<!tpu.dma_semaphore, #tpu.memory_space<semaphore_mem>>, %arg19: memref<!tpu.dma_semaphore, #tpu.memory_space<semaphore_mem>>, %arg20: memref<!tpu.dma_semaphore, #tpu.memory_space<semaphore_mem>>) attributes {dimension_semantics = [#tpu.dimension_semantics<core_parallel>, #tpu.dimension_semantics<subcore_parallel>], iteration_bounds = array<i64: 2, 16>, scalar_prefetch = 0 : i64, scratch_operands = 15 : i64, tpu.core_type = #tpu.core_type<sc_vector_subcore>, window_params = [{transform_indices = #map}, {transform_indices = #map1}, {transform_indices = #map2}, {transform_indices = #map2}]} {
    "tpu.region"() ({
      %run_scoped3A = tpu.sem_alloc : memref<!tpu.dma_semaphore, #tpu.memory_space<semaphore_mem>>
      %dma_start3A_92 = arith.constant 0 : i32
      %dma_start3A_93 = arith.constant 0 : i32
      %dma_start3A_94 = tpu.memref_slice %arg2[%arg0, %arg1, %dma_start3A_92, %dma_start3A_93] : memref<2x16x160x128xi32, #tpu.memory_space<hbm>> -> memref<1x1x160x128xi32, #tpu.memory_space<hbm>>
      %dma_start3A_95 = tpu.memref_squeeze %dma_start3A_94 : memref<1x1x160x128xi32, #tpu.memory_space<hbm>> -> memref<160x128xi32, #tpu.memory_space<hbm>>
      %dma_start3A_96 = arith.constant 0 : i32
      %dma_start3A_97 = arith.constant 0 : i32
      %dma_start3A_98 = tpu.memref_slice %arg2[%arg0, %arg1, %dma_start3A_96, %dma_start3A_97] : memref<2x16x160x128xi32, #tpu.memory_space<hbm>> -> memref<1x1x160x128xi32, #tpu.memory_space<hbm>>
      %dma_start3A_99 = tpu.memref_squeeze %dma_start3A_98 : memref<1x1x160x128xi32, #tpu.memory_space<hbm>> -> memref<160x128xi32, #tpu.memory_space<hbm>>
      tpu.enqueue_dma source(%dma_start3A_99 : memref<160x128xi32, #tpu.memory_space<hbm>>) target(%arg6 : memref<160x128xi32, #tpu.memory_space<vmem>>) target_semaphore(%run_scoped3A : memref<!tpu.dma_semaphore, #tpu.memory_space<semaphore_mem>>)
      %dma_wait3A_100 = arith.constant 0 : i32
      %dma_wait3A_101 = arith.constant 0 : i32
      %dma_wait3A_102 = tpu.memref_slice %arg2[%arg0, %arg1, %dma_wait3A_100, %dma_wait3A_101] : memref<2x16x160x128xi32, #tpu.memory_space<hbm>> -> memref<1x1x160x128xi32, #tpu.memory_space<hbm>>
      %dma_wait3A_103 = tpu.memref_squeeze %dma_wait3A_102 : memref<1x1x160x128xi32, #tpu.memory_space<hbm>> -> memref<160x128xi32, #tpu.memory_space<hbm>>
      %dma_wait3A_104 = arith.constant 0 : i32
      %dma_wait3A_105 = arith.constant 0 : i32
      %dma_wait3A_106 = tpu.memref_slice %arg2[%arg0, %arg1, %dma_wait3A_104, %dma_wait3A_105] : memref<2x16x160x128xi32, #tpu.memory_space<hbm>> -> memref<1x1x160x128xi32, #tpu.memory_space<hbm>>
      %dma_wait3A_107 = tpu.memref_squeeze %dma_wait3A_106 : memref<1x1x160x128xi32, #tpu.memory_space<hbm>> -> memref<160x128xi32, #tpu.memory_space<hbm>>
      tpu.wait_dma2 semaphore(%run_scoped3A : memref<!tpu.dma_semaphore, #tpu.memory_space<semaphore_mem>>) src(%dma_wait3A_107 : memref<160x128xi32, #tpu.memory_space<hbm>>) dst(%arg6 : memref<160x128xi32, #tpu.memory_space<vmem>>)
      tpu.yield
    }) : () -> ()
    "tpu.region"() ({
      %run_scoped3A = tpu.sem_alloc : memref<!tpu.dma_semaphore, #tpu.memory_space<semaphore_mem>>
      %dma_start3A_92 = arith.constant 0 : i32
      %dma_start3A_93 = arith.constant 0 : i32
      %dma_start3A_94 = tpu.memref_slice %arg3[%arg1, %dma_start3A_92, %dma_start3A_93] : memref<16x160x128xi32, #tpu.memory_space<hbm>> -> memref<1x160x128xi32, #tpu.memory_space<hbm>>
      %dma_start3A_95 = tpu.memref_squeeze %dma_start3A_94 : memref<1x160x128xi32, #tpu.memory_space<hbm>> -> memref<160x128xi32, #tpu.memory_space<hbm>>
      %dma_start3A_96 = arith.constant 0 : i32
      %dma_start3A_97 = arith.constant 0 : i32
      %dma_start3A_98 = tpu.memref_slice %arg3[%arg1, %dma_start3A_96, %dma_start3A_97] : memref<16x160x128xi32, #tpu.memory_space<hbm>> -> memref<1x160x128xi32, #tpu.memory_space<hbm>>
      %dma_start3A_99 = tpu.memref_squeeze %dma_start3A_98 : memref<1x160x128xi32, #tpu.memory_space<hbm>> -> memref<160x128xi32, #tpu.memory_space<hbm>>
      tpu.enqueue_dma source(%dma_start3A_99 : memref<160x128xi32, #tpu.memory_space<hbm>>) target(%arg7 : memref<160x128xi32, #tpu.memory_space<vmem>>) target_semaphore(%run_scoped3A : memref<!tpu.dma_semaphore, #tpu.memory_space<semaphore_mem>>)
      %dma_wait3A_100 = arith.constant 0 : i32
      %dma_wait3A_101 = arith.constant 0 : i32
      %dma_wait3A_102 = tpu.memref_slice %arg3[%arg1, %dma_wait3A_100, %dma_wait3A_101] : memref<16x160x128xi32, #tpu.memory_space<hbm>> -> memref<1x160x128xi32, #tpu.memory_space<hbm>>
      %dma_wait3A_103 = tpu.memref_squeeze %dma_wait3A_102 : memref<1x160x128xi32, #tpu.memory_space<hbm>> -> memref<160x128xi32, #tpu.memory_space<hbm>>
      %dma_wait3A_104 = arith.constant 0 : i32
      %dma_wait3A_105 = arith.constant 0 : i32
      %dma_wait3A_106 = tpu.memref_slice %arg3[%arg1, %dma_wait3A_104, %dma_wait3A_105] : memref<16x160x128xi32, #tpu.memory_space<hbm>> -> memref<1x160x128xi32, #tpu.memory_space<hbm>>
      %dma_wait3A_107 = tpu.memref_squeeze %dma_wait3A_106 : memref<1x160x128xi32, #tpu.memory_space<hbm>> -> memref<160x128xi32, #tpu.memory_space<hbm>>
      tpu.wait_dma2 semaphore(%run_scoped3A : memref<!tpu.dma_semaphore, #tpu.memory_space<semaphore_mem>>) src(%dma_wait3A_107 : memref<160x128xi32, #tpu.memory_space<hbm>>) dst(%arg7 : memref<160x128xi32, #tpu.memory_space<vmem>>)
      tpu.yield
    }) : () -> ()
    %broadcast_in_dim3A = arith.constant 0.000000e+00 : f32
    %broadcast_in_dim3A_0 = vector.broadcast %broadcast_in_dim3A : f32 to vector<16xf32>
    %scan3A = arith.constant 0 : i32
    %scan3A_1 = arith.constant 0 : i32
    %scan3A_2 = arith.constant 128 : i32
    %scan3A_3 = arith.addi %scan3A_1, %scan3A_2 : i32
    %scan3A_4 = arith.constant 1 : i32
    scf.for %scan3A_92 = %scan3A_1 to %scan3A_3 step %scan3A_4  : i32 {
      %swap3A = arith.index_cast %scan3A_92 : i32 to index
      %swap3A_93 = arith.constant 0 : index
      %swap3A_94 = tpu.vector_load %arg8[%swap3A, %swap3A_93] {strides = array<i32>} : memref<128x32xf32, #tpu.memory_space<vmem>>, vector<1x16xf32>,
      %swap3A_95 = vector.shape_cast %swap3A_94 : vector<1x16xf32> to vector<16xf32>
      %swap3A_96 = vector.shape_cast %broadcast_in_dim3A_0 : vector<16xf32> to vector<1x16xf32>
      tpu.vector_store %arg8[%swap3A, %swap3A_93], %swap3A_96 {strides = array<i32>} : memref<128x32xf32, #tpu.memory_space<vmem>>, vector<1x16xf32>,
      %swap3A_97 = arith.index_cast %scan3A_92 : i32 to index
      %swap3A_98 = arith.constant 0 : index
      %swap3A_99 = tpu.vector_load %arg9[%swap3A_97, %swap3A_98] {strides = array<i32>} : memref<128x32xf32, #tpu.memory_space<vmem>>, vector<1x16xf32>,
      %swap3A_100 = vector.shape_cast %swap3A_99 : vector<1x16xf32> to vector<16xf32>
      %swap3A_101 = vector.shape_cast %broadcast_in_dim3A_0 : vector<16xf32> to vector<1x16xf32>
      tpu.vector_store %arg9[%swap3A_97, %swap3A_98], %swap3A_101 {strides = array<i32>} : memref<128x32xf32, #tpu.memory_space<vmem>>, vector<1x16xf32>,
      %swap3A_102 = arith.index_cast %scan3A_92 : i32 to index
      %swap3A_103 = arith.constant 0 : index
      %swap3A_104 = tpu.vector_load %arg11[%swap3A_102, %swap3A_103] {strides = array<i32>} : memref<128x32xf32, #tpu.memory_space<vmem>>, vector<1x16xf32>,
      %swap3A_105 = vector.shape_cast %swap3A_104 : vector<1x16xf32> to vector<16xf32>
      %swap3A_106 = vector.shape_cast %broadcast_in_dim3A_0 : vector<16xf32> to vector<1x16xf32>
      tpu.vector_store %arg11[%swap3A_102, %swap3A_103], %swap3A_106 {strides = array<i32>} : memref<128x32xf32, #tpu.memory_space<vmem>>, vector<1x16xf32>,
      %swap3A_107 = arith.index_cast %scan3A_92 : i32 to index
      %swap3A_108 = arith.constant 16 : index
      %swap3A_109 = tpu.vector_load %arg8[%swap3A_107, %swap3A_108] {strides = array<i32>} : memref<128x32xf32, #tpu.memory_space<vmem>>, vector<1x16xf32>,
      %swap3A_110 = vector.shape_cast %swap3A_109 : vector<1x16xf32> to vector<16xf32>
      %swap3A_111 = vector.shape_cast %broadcast_in_dim3A_0 : vector<16xf32> to vector<1x16xf32>
      tpu.vector_store %arg8[%swap3A_107, %swap3A_108], %swap3A_111 {strides = array<i32>} : memref<128x32xf32, #tpu.memory_space<vmem>>, vector<1x16xf32>,
      %swap3A_112 = arith.index_cast %scan3A_92 : i32 to index
      %swap3A_113 = arith.constant 16 : index
      %swap3A_114 = tpu.vector_load %arg9[%swap3A_112, %swap3A_113] {strides = array<i32>} : memref<128x32xf32, #tpu.memory_space<vmem>>, vector<1x16xf32>,
      %swap3A_115 = vector.shape_cast %swap3A_114 : vector<1x16xf32> to vector<16xf32>
      %swap3A_116 = vector.shape_cast %broadcast_in_dim3A_0 : vector<16xf32> to vector<1x16xf32>
      tpu.vector_store %arg9[%swap3A_112, %swap3A_113], %swap3A_116 {strides = array<i32>} : memref<128x32xf32, #tpu.memory_space<vmem>>, vector<1x16xf32>,
      %swap3A_117 = arith.index_cast %scan3A_92 : i32 to index
      %swap3A_118 = arith.constant 16 : index
      %swap3A_119 = tpu.vector_load %arg11[%swap3A_117, %swap3A_118] {strides = array<i32>} : memref<128x32xf32, #tpu.memory_space<vmem>>, vector<1x16xf32>,
      %swap3A_120 = vector.shape_cast %swap3A_119 : vector<1x16xf32> to vector<16xf32>
      %swap3A_121 = vector.shape_cast %broadcast_in_dim3A_0 : vector<16xf32> to vector<1x16xf32>
      tpu.vector_store %arg11[%swap3A_117, %swap3A_118], %swap3A_121 {strides = array<i32>} : memref<128x32xf32, #tpu.memory_space<vmem>>, vector<1x16xf32>,
    }
    %scan3A_5 = arith.constant 128 : i32
    %mul3A = arith.constant 640 : i32
    %mul3A_6 = arith.muli %arg1, %mul3A : i32
    %add3A = arith.constant 0 : i32
    %add3A_7 = arith.addi %mul3A_6, %add3A : i32
    "tpu.region"() ({
      %run_scoped3A = tpu.sem_alloc : memref<!tpu.dma_semaphore, #tpu.memory_space<semaphore_mem>>
      %dma_start3A_92 = arith.constant 0 : i32
      %dma_start3A_93 = tpu.memref_slice %arg12[%add3A_7, %dma_start3A_92] : memref<10240x32xf32, #tpu.memory_space<vmem_shared>> -> memref<128x32xf32, #tpu.memory_space<vmem_shared>>
      %dma_start3A_94 = arith.constant 0 : i32
      %dma_start3A_95 = tpu.memref_slice %arg12[%add3A_7, %dma_start3A_94] : memref<10240x32xf32, #tpu.memory_space<vmem_shared>> -> memref<128x32xf32, #tpu.memory_space<vmem_shared>>
      tpu.enqueue_dma source(%arg8 : memref<128x32xf32, #tpu.memory_space<vmem>>) target(%dma_start3A_95 : memref<128x32xf32, #tpu.memory_space<vmem_shared>>) target_semaphore(%run_scoped3A : memref<!tpu.dma_semaphore, #tpu.memory_space<semaphore_mem>>)
      %dma_wait3A_96 = arith.constant 0 : i32
      %dma_wait3A_97 = tpu.memref_slice %arg12[%add3A_7, %dma_wait3A_96] : memref<10240x32xf32, #tpu.memory_space<vmem_shared>> -> memref<128x32xf32, #tpu.memory_space<vmem_shared>>
      %dma_wait3A_98 = arith.constant 0 : i32
      %dma_wait3A_99 = tpu.memref_slice %arg12[%add3A_7, %dma_wait3A_98] : memref<10240x32xf32, #tpu.memory_space<vmem_shared>> -> memref<128x32xf32, #tpu.memory_space<vmem_shared>>
      tpu.wait_dma2 semaphore(%run_scoped3A : memref<!tpu.dma_semaphore, #tpu.memory_space<semaphore_mem>>) src(%arg8 : memref<128x32xf32, #tpu.memory_space<vmem>>) dst(%dma_wait3A_99 : memref<128x32xf32, #tpu.memory_space<vmem_shared>>)
      tpu.yield
    }) : () -> ()
    %mul3A_8 = arith.constant 640 : i32
    %mul3A_9 = arith.muli %arg1, %mul3A_8 : i32
    %add3A_10 = arith.constant 128 : i32
    %add3A_11 = arith.addi %mul3A_9, %add3A_10 : i32
    "tpu.region"() ({
      %run_scoped3A = tpu.sem_alloc : memref<!tpu.dma_semaphore, #tpu.memory_space<semaphore_mem>>
      %dma_start3A_92 = arith.constant 0 : i32
      %dma_start3A_93 = tpu.memref_slice %arg12[%add3A_11, %dma_start3A_92] : memref<10240x32xf32, #tpu.memory_space<vmem_shared>> -> memref<128x32xf32, #tpu.memory_space<vmem_shared>>
      %dma_start3A_94 = arith.constant 0 : i32
      %dma_start3A_95 = tpu.memref_slice %arg12[%add3A_11, %dma_start3A_94] : memref<10240x32xf32, #tpu.memory_space<vmem_shared>> -> memref<128x32xf32, #tpu.memory_space<vmem_shared>>
      tpu.enqueue_dma source(%arg8 : memref<128x32xf32, #tpu.memory_space<vmem>>) target(%dma_start3A_95 : memref<128x32xf32, #tpu.memory_space<vmem_shared>>) target_semaphore(%run_scoped3A : memref<!tpu.dma_semaphore, #tpu.memory_space<semaphore_mem>>)
      %dma_wait3A_96 = arith.constant 0 : i32
      %dma_wait3A_97 = tpu.memref_slice %arg12[%add3A_11, %dma_wait3A_96] : memref<10240x32xf32, #tpu.memory_space<vmem_shared>> -> memref<128x32xf32, #tpu.memory_space<vmem_shared>>
      %dma_wait3A_98 = arith.constant 0 : i32
      %dma_wait3A_99 = tpu.memref_slice %arg12[%add3A_11, %dma_wait3A_98] : memref<10240x32xf32, #tpu.memory_space<vmem_shared>> -> memref<128x32xf32, #tpu.memory_space<vmem_shared>>
      tpu.wait_dma2 semaphore(%run_scoped3A : memref<!tpu.dma_semaphore, #tpu.memory_space<semaphore_mem>>) src(%arg8 : memref<128x32xf32, #tpu.memory_space<vmem>>) dst(%dma_wait3A_99 : memref<128x32xf32, #tpu.memory_space<vmem_shared>>)
      tpu.yield
    }) : () -> ()
    %mul3A_12 = arith.constant 640 : i32
    %mul3A_13 = arith.muli %arg1, %mul3A_12 : i32
    %add3A_14 = arith.constant 256 : i32
    %add3A_15 = arith.addi %mul3A_13, %add3A_14 : i32
    "tpu.region"() ({
      %run_scoped3A = tpu.sem_alloc : memref<!tpu.dma_semaphore, #tpu.memory_space<semaphore_mem>>
      %dma_start3A_92 = arith.constant 0 : i32
      %dma_start3A_93 = tpu.memref_slice %arg12[%add3A_15, %dma_start3A_92] : memref<10240x32xf32, #tpu.memory_space<vmem_shared>> -> memref<128x32xf32, #tpu.memory_space<vmem_shared>>
      %dma_start3A_94 = arith.constant 0 : i32
      %dma_start3A_95 = tpu.memref_slice %arg12[%add3A_15, %dma_start3A_94] : memref<10240x32xf32, #tpu.memory_space<vmem_shared>> -> memref<128x32xf32, #tpu.memory_space<vmem_shared>>
      tpu.enqueue_dma source(%arg8 : memref<128x32xf32, #tpu.memory_space<vmem>>) target(%dma_start3A_95 : memref<128x32xf32, #tpu.memory_space<vmem_shared>>) target_semaphore(%run_scoped3A : memref<!tpu.dma_semaphore, #tpu.memory_space<semaphore_mem>>)
      %dma_wait3A_96 = arith.constant 0 : i32
      %dma_wait3A_97 = tpu.memref_slice %arg12[%add3A_15, %dma_wait3A_96] : memref<10240x32xf32, #tpu.memory_space<vmem_shared>> -> memref<128x32xf32, #tpu.memory_space<vmem_shared>>
      %dma_wait3A_98 = arith.constant 0 : i32
      %dma_wait3A_99 = tpu.memref_slice %arg12[%add3A_15, %dma_wait3A_98] : memref<10240x32xf32, #tpu.memory_space<vmem_shared>> -> memref<128x32xf32, #tpu.memory_space<vmem_shared>>
      tpu.wait_dma2 semaphore(%run_scoped3A : memref<!tpu.dma_semaphore, #tpu.memory_space<semaphore_mem>>) src(%arg8 : memref<128x32xf32, #tpu.memory_space<vmem>>) dst(%dma_wait3A_99 : memref<128x32xf32, #tpu.memory_space<vmem_shared>>)
      tpu.yield
    }) : () -> ()
    %mul3A_16 = arith.constant 640 : i32
    %mul3A_17 = arith.muli %arg1, %mul3A_16 : i32
    %add3A_18 = arith.constant 384 : i32
    %add3A_19 = arith.addi %mul3A_17, %add3A_18 : i32
    "tpu.region"() ({
      %run_scoped3A = tpu.sem_alloc : memref<!tpu.dma_semaphore, #tpu.memory_space<semaphore_mem>>
      %dma_start3A_92 = arith.constant 0 : i32
      %dma_start3A_93 = tpu.memref_slice %arg12[%add3A_19, %dma_start3A_92] : memref<10240x32xf32, #tpu.memory_space<vmem_shared>> -> memref<128x32xf32, #tpu.memory_space<vmem_shared>>
      %dma_start3A_94 = arith.constant 0 : i32
      %dma_start3A_95 = tpu.memref_slice %arg12[%add3A_19, %dma_start3A_94] : memref<10240x32xf32, #tpu.memory_space<vmem_shared>> -> memref<128x32xf32, #tpu.memory_space<vmem_shared>>
      tpu.enqueue_dma source(%arg8 : memref<128x32xf32, #tpu.memory_space<vmem>>) target(%dma_start3A_95 : memref<128x32xf32, #tpu.memory_space<vmem_shared>>) target_semaphore(%run_scoped3A : memref<!tpu.dma_semaphore, #tpu.memory_space<semaphore_mem>>)
      %dma_wait3A_96 = arith.constant 0 : i32
      %dma_wait3A_97 = tpu.memref_slice %arg12[%add3A_19, %dma_wait3A_96] : memref<10240x32xf32, #tpu.memory_space<vmem_shared>> -> memref<128x32xf32, #tpu.memory_space<vmem_shared>>
      %dma_wait3A_98 = arith.constant 0 : i32
      %dma_wait3A_99 = tpu.memref_slice %arg12[%add3A_19, %dma_wait3A_98] : memref<10240x32xf32, #tpu.memory_space<vmem_shared>> -> memref<128x32xf32, #tpu.memory_space<vmem_shared>>
      tpu.wait_dma2 semaphore(%run_scoped3A : memref<!tpu.dma_semaphore, #tpu.memory_space<semaphore_mem>>) src(%arg8 : memref<128x32xf32, #tpu.memory_space<vmem>>) dst(%dma_wait3A_99 : memref<128x32xf32, #tpu.memory_space<vmem_shared>>)
      tpu.yield
    }) : () -> ()
    %mul3A_20 = arith.constant 640 : i32
    %mul3A_21 = arith.muli %arg1, %mul3A_20 : i32
    %add3A_22 = arith.constant 512 : i32
    %add3A_23 = arith.addi %mul3A_21, %add3A_22 : i32
    "tpu.region"() ({
      %run_scoped3A = tpu.sem_alloc : memref<!tpu.dma_semaphore, #tpu.memory_space<semaphore_mem>>
      %dma_start3A_92 = arith.constant 0 : i32
      %dma_start3A_93 = tpu.memref_slice %arg12[%add3A_23, %dma_start3A_92] : memref<10240x32xf32, #tpu.memory_space<vmem_shared>> -> memref<128x32xf32, #tpu.memory_space<vmem_shared>>
      %dma_start3A_94 = arith.constant 0 : i32
      %dma_start3A_95 = tpu.memref_slice %arg12[%add3A_23, %dma_start3A_94] : memref<10240x32xf32, #tpu.memory_space<vmem_shared>> -> memref<128x32xf32, #tpu.memory_space<vmem_shared>>
      tpu.enqueue_dma source(%arg8 : memref<128x32xf32, #tpu.memory_space<vmem>>) target(%dma_start3A_95 : memref<128x32xf32, #tpu.memory_space<vmem_shared>>) target_semaphore(%run_scoped3A : memref<!tpu.dma_semaphore, #tpu.memory_space<semaphore_mem>>)
      %dma_wait3A_96 = arith.constant 0 : i32
      %dma_wait3A_97 = tpu.memref_slice %arg12[%add3A_23, %dma_wait3A_96] : memref<10240x32xf32, #tpu.memory_space<vmem_shared>> -> memref<128x32xf32, #tpu.memory_space<vmem_shared>>
      %dma_wait3A_98 = arith.constant 0 : i32
      %dma_wait3A_99 = tpu.memref_slice %arg12[%add3A_23, %dma_wait3A_98] : memref<10240x32xf32, #tpu.memory_space<vmem_shared>> -> memref<128x32xf32, #tpu.memory_space<vmem_shared>>
      tpu.wait_dma2 semaphore(%run_scoped3A : memref<!tpu.dma_semaphore, #tpu.memory_space<semaphore_mem>>) src(%arg8 : memref<128x32xf32, #tpu.memory_space<vmem>>) dst(%dma_wait3A_99 : memref<128x32xf32, #tpu.memory_space<vmem_shared>>)
      tpu.yield
    }) : () -> ()
    %barrier3A = arith.constant 0 : index
    tpu.barrier barrier_id(%barrier3A)
    %dma_start3A = arith.constant 0 : i32
    %dma_start3A_24 = arith.constant 0 : i32
    %dma_start3A_25 = tpu.memref_slice %arg7[%dma_start3A, %dma_start3A_24] : memref<160x128xi32, #tpu.memory_space<vmem>> -> memref<1x128xi32, #tpu.memory_space<vmem>>
    %dma_start3A_26 = tpu.memref_squeeze %dma_start3A_25 : memref<1x128xi32, #tpu.memory_space<vmem>> -> memref<128xi32, #tpu.memory_space<vmem>>
    %dma_start3A_27 = arith.constant 0 : i32
    %dma_start3A_28 = arith.constant 0 : i32
    %dma_start3A_29 = tpu.memref_slice %arg12[%dma_start3A_27, %dma_start3A_28] : memref<10240x32xf32, #tpu.memory_space<vmem_shared>> -> memref<10240x32xf32, #tpu.memory_space<vmem_shared>>
    tpu.enqueue_indirect_dma source(%arg9 : memref<128x32xf32, #tpu.memory_space<vmem>>) target(%dma_start3A_29 : memref<10240x32xf32, #tpu.memory_space<vmem_shared>>) offsets(%dma_start3A_26 : memref<128xi32, #tpu.memory_space<vmem>>) semaphore(%arg18 : memref<!tpu.dma_semaphore, #tpu.memory_space<semaphore_mem>>) {add = true}
    %dma_start3A_30 = arith.constant 0 : i32
    %dma_start3A_31 = arith.constant 0 : i32
    %dma_start3A_32 = tpu.memref_slice %arg7[%dma_start3A_30, %dma_start3A_31] : memref<160x128xi32, #tpu.memory_space<vmem>> -> memref<1x128xi32, #tpu.memory_space<vmem>>
    %dma_start3A_33 = tpu.memref_squeeze %dma_start3A_32 : memref<1x128xi32, #tpu.memory_space<vmem>> -> memref<128xi32, #tpu.memory_space<vmem>>
    %dma_start3A_34 = arith.constant 0 : i32
    %dma_start3A_35 = arith.constant 0 : i32
    %dma_start3A_36 = tpu.memref_slice %arg12[%dma_start3A_34, %dma_start3A_35] : memref<10240x32xf32, #tpu.memory_space<vmem_shared>> -> memref<10240x32xf32, #tpu.memory_space<vmem_shared>>
    tpu.enqueue_indirect_dma source(%arg11 : memref<128x32xf32, #tpu.memory_space<vmem>>) target(%dma_start3A_36 : memref<10240x32xf32, #tpu.memory_space<vmem_shared>>) offsets(%dma_start3A_33 : memref<128xi32, #tpu.memory_space<vmem>>) semaphore(%arg20 : memref<!tpu.dma_semaphore, #tpu.memory_space<semaphore_mem>>) {add = true}
    %dma_start3A_37 = arith.constant 0 : i32
    %dma_start3A_38 = arith.constant 0 : i32
    %dma_start3A_39 = tpu.memref_slice %arg6[%dma_start3A_37, %dma_start3A_38] : memref<160x128xi32, #tpu.memory_space<vmem>> -> memref<1x128xi32, #tpu.memory_space<vmem>>
    %dma_start3A_40 = tpu.memref_squeeze %dma_start3A_39 : memref<1x128xi32, #tpu.memory_space<vmem>> -> memref<128xi32, #tpu.memory_space<vmem>>
    %dma_start3A_41 = arith.constant 0 : i32
    %dma_start3A_42 = arith.constant 0 : i32
    %dma_start3A_43 = tpu.memref_slice %arg4[%dma_start3A_41, %dma_start3A_42] : memref<20480x32xf32, #tpu.memory_space<hbm>> -> memref<20480x32xf32, #tpu.memory_space<hbm>>
    tpu.enqueue_indirect_dma source(%dma_start3A_43 : memref<20480x32xf32, #tpu.memory_space<hbm>>) target(%arg8 : memref<128x32xf32, #tpu.memory_space<vmem>>) offsets(%dma_start3A_40 : memref<128xi32, #tpu.memory_space<vmem>>) semaphore(%arg13 : memref<!tpu.dma_semaphore, #tpu.memory_space<semaphore_mem>>)
    %dma_start3A_44 = arith.constant 1 : i32
    %dma_start3A_45 = arith.constant 0 : i32
    %dma_start3A_46 = tpu.memref_slice %arg6[%dma_start3A_44, %dma_start3A_45] : memref<160x128xi32, #tpu.memory_space<vmem>> -> memref<1x128xi32, #tpu.memory_space<vmem>>
    %dma_start3A_47 = tpu.memref_squeeze %dma_start3A_46 : memref<1x128xi32, #tpu.memory_space<vmem>> -> memref<128xi32, #tpu.memory_space<vmem>>
    %dma_start3A_48 = arith.constant 0 : i32
    %dma_start3A_49 = arith.constant 0 : i32
    %dma_start3A_50 = tpu.memref_slice %arg4[%dma_start3A_48, %dma_start3A_49] : memref<20480x32xf32, #tpu.memory_space<hbm>> -> memref<20480x32xf32, #tpu.memory_space<hbm>>
    tpu.enqueue_indirect_dma source(%dma_start3A_50 : memref<20480x32xf32, #tpu.memory_space<hbm>>) target(%arg10 : memref<128x32xf32, #tpu.memory_space<vmem>>) offsets(%dma_start3A_47 : memref<128xi32, #tpu.memory_space<vmem>>) semaphore(%arg15 : memref<!tpu.dma_semaphore, #tpu.memory_space<semaphore_mem>>)
    %scan3A_51 = arith.constant 0 : i32
    %scan3A_52 = arith.constant 0 : i32
    %scan3A_53 = arith.constant 40 : i32
    %scan3A_54 = arith.addi %scan3A_52, %scan3A_53 : i32
    %scan3A_55 = arith.constant 1 : i32
    scf.for %scan3A_92 = %scan3A_52 to %scan3A_54 step %scan3A_55  : i32 {
      %mul3A_93 = arith.constant 4 : i32
      %mul3A_94 = arith.muli %mul3A_93, %scan3A_92 : i32
      %dma_wait3A_95 = arith.constant 0 : i32
      %dma_wait3A_96 = tpu.memref_slice %arg6[%mul3A_94, %dma_wait3A_95] : memref<160x128xi32, #tpu.memory_space<vmem>> -> memref<1x128xi32, #tpu.memory_space<vmem>>
      %dma_wait3A_97 = tpu.memref_squeeze %dma_wait3A_96 : memref<1x128xi32, #tpu.memory_space<vmem>> -> memref<128xi32, #tpu.memory_space<vmem>>
      %dma_wait3A_98 = arith.constant 0 : i32
      %dma_wait3A_99 = arith.constant 0 : i32
      %dma_wait3A_100 = tpu.memref_slice %arg4[%dma_wait3A_98, %dma_wait3A_99] : memref<20480x32xf32, #tpu.memory_space<hbm>> -> memref<20480x32xf32, #tpu.memory_space<hbm>>
      tpu.wait_indirect_dma semaphore(%arg13 : memref<!tpu.dma_semaphore, #tpu.memory_space<semaphore_mem>>) src(%dma_wait3A_100 : memref<20480x32xf32, #tpu.memory_space<hbm>>) dst(%arg8 : memref<128x32xf32, #tpu.memory_space<vmem>>)
      %dma_start3A_101 = arith.constant 0 : i32
      %dma_start3A_102 = tpu.memref_slice %arg7[%mul3A_94, %dma_start3A_101] : memref<160x128xi32, #tpu.memory_space<vmem>> -> memref<1x128xi32, #tpu.memory_space<vmem>>
      %dma_start3A_103 = tpu.memref_squeeze %dma_start3A_102 : memref<1x128xi32, #tpu.memory_space<vmem>> -> memref<128xi32, #tpu.memory_space<vmem>>
      %dma_start3A_104 = arith.constant 0 : i32
      %dma_start3A_105 = arith.constant 0 : i32
      %dma_start3A_106 = tpu.memref_slice %arg12[%dma_start3A_104, %dma_start3A_105] : memref<10240x32xf32, #tpu.memory_space<vmem_shared>> -> memref<10240x32xf32, #tpu.memory_space<vmem_shared>>
      tpu.enqueue_indirect_dma source(%arg8 : memref<128x32xf32, #tpu.memory_space<vmem>>) target(%dma_start3A_106 : memref<10240x32xf32, #tpu.memory_space<vmem_shared>>) offsets(%dma_start3A_103 : memref<128xi32, #tpu.memory_space<vmem>>) semaphore(%arg17 : memref<!tpu.dma_semaphore, #tpu.memory_space<semaphore_mem>>) {add = true}
      %dma_wait3A_107 = arith.constant 0 : i32
      %dma_wait3A_108 = arith.constant 0 : i32
      %dma_wait3A_109 = tpu.memref_slice %arg6[%dma_wait3A_107, %dma_wait3A_108] : memref<160x128xi32, #tpu.memory_space<vmem>> -> memref<1x128xi32, #tpu.memory_space<vmem>>
      %dma_wait3A_110 = tpu.memref_squeeze %dma_wait3A_109 : memref<1x128xi32, #tpu.memory_space<vmem>> -> memref<128xi32, #tpu.memory_space<vmem>>
      %dma_wait3A_111 = arith.constant 0 : i32
      %dma_wait3A_112 = arith.constant 0 : i32
      %dma_wait3A_113 = tpu.memref_slice %arg4[%dma_wait3A_111, %dma_wait3A_112] : memref<20480x32xf32, #tpu.memory_space<hbm>> -> memref<20480x32xf32, #tpu.memory_space<hbm>>
      tpu.wait_indirect_dma semaphore(%arg15 : memref<!tpu.dma_semaphore, #tpu.memory_space<semaphore_mem>>) src(%dma_wait3A_113 : memref<20480x32xf32, #tpu.memory_space<hbm>>) dst(%arg10 : memref<128x32xf32, #tpu.memory_space<vmem>>)
      %add3A_114 = arith.constant 1 : i32
      %add3A_115 = arith.addi %mul3A_94, %add3A_114 : i32
      %dma_start3A_116 = arith.constant 0 : i32
      %dma_start3A_117 = tpu.memref_slice %arg7[%add3A_115, %dma_start3A_116] : memref<160x128xi32, #tpu.memory_space<vmem>> -> memref<1x128xi32, #tpu.memory_space<vmem>>
      %dma_start3A_118 = tpu.memref_squeeze %dma_start3A_117 : memref<1x128xi32, #tpu.memory_space<vmem>> -> memref<128xi32, #tpu.memory_space<vmem>>
      %dma_start3A_119 = arith.constant 0 : i32
      %dma_start3A_120 = arith.constant 0 : i32
      %dma_start3A_121 = tpu.memref_slice %arg12[%dma_start3A_119, %dma_start3A_120] : memref<10240x32xf32, #tpu.memory_space<vmem_shared>> -> memref<10240x32xf32, #tpu.memory_space<vmem_shared>>
      tpu.enqueue_indirect_dma source(%arg10 : memref<128x32xf32, #tpu.memory_space<vmem>>) target(%dma_start3A_121 : memref<10240x32xf32, #tpu.memory_space<vmem_shared>>) offsets(%dma_start3A_118 : memref<128xi32, #tpu.memory_space<vmem>>) semaphore(%arg19 : memref<!tpu.dma_semaphore, #tpu.memory_space<semaphore_mem>>) {add = true}
      %dma_wait3A_122 = arith.constant 0 : i32
      %dma_wait3A_123 = arith.constant 0 : i32
      %dma_wait3A_124 = tpu.memref_slice %arg7[%dma_wait3A_122, %dma_wait3A_123] : memref<160x128xi32, #tpu.memory_space<vmem>> -> memref<1x128xi32, #tpu.memory_space<vmem>>
      %dma_wait3A_125 = tpu.memref_squeeze %dma_wait3A_124 : memref<1x128xi32, #tpu.memory_space<vmem>> -> memref<128xi32, #tpu.memory_space<vmem>>
      %dma_wait3A_126 = arith.constant 0 : i32
      %dma_wait3A_127 = arith.constant 0 : i32
      %dma_wait3A_128 = tpu.memref_slice %arg12[%dma_wait3A_126, %dma_wait3A_127] : memref<10240x32xf32, #tpu.memory_space<vmem_shared>> -> memref<10240x32xf32, #tpu.memory_space<vmem_shared>>
      tpu.wait_indirect_dma semaphore(%arg18 : memref<!tpu.dma_semaphore, #tpu.memory_space<semaphore_mem>>) src(%arg9 : memref<128x32xf32, #tpu.memory_space<vmem>>) dst(%dma_wait3A_128 : memref<10240x32xf32, #tpu.memory_space<vmem_shared>>)
      %add3A_129 = arith.constant 2 : i32
      %add3A_130 = arith.addi %mul3A_94, %add3A_129 : i32
      %dma_start3A_131 = arith.constant 0 : i32
      %dma_start3A_132 = tpu.memref_slice %arg6[%add3A_130, %dma_start3A_131] : memref<160x128xi32, #tpu.memory_space<vmem>> -> memref<1x128xi32, #tpu.memory_space<vmem>>
      %dma_start3A_133 = tpu.memref_squeeze %dma_start3A_132 : memref<1x128xi32, #tpu.memory_space<vmem>> -> memref<128xi32, #tpu.memory_space<vmem>>
      %dma_start3A_134 = arith.constant 0 : i32
      %dma_start3A_135 = arith.constant 0 : i32
      %dma_start3A_136 = tpu.memref_slice %arg4[%dma_start3A_134, %dma_start3A_135] : memref<20480x32xf32, #tpu.memory_space<hbm>> -> memref<20480x32xf32, #tpu.memory_space<hbm>>
      tpu.enqueue_indirect_dma source(%dma_start3A_136 : memref<20480x32xf32, #tpu.memory_space<hbm>>) target(%arg9 : memref<128x32xf32, #tpu.memory_space<vmem>>) offsets(%dma_start3A_133 : memref<128xi32, #tpu.memory_space<vmem>>) semaphore(%arg14 : memref<!tpu.dma_semaphore, #tpu.memory_space<semaphore_mem>>)
      %dma_wait3A_137 = arith.constant 0 : i32
      %dma_wait3A_138 = arith.constant 0 : i32
      %dma_wait3A_139 = tpu.memref_slice %arg7[%dma_wait3A_137, %dma_wait3A_138] : memref<160x128xi32, #tpu.memory_space<vmem>> -> memref<1x128xi32, #tpu.memory_space<vmem>>
      %dma_wait3A_140 = tpu.memref_squeeze %dma_wait3A_139 : memref<1x128xi32, #tpu.memory_space<vmem>> -> memref<128xi32, #tpu.memory_space<vmem>>
      %dma_wait3A_141 = arith.constant 0 : i32
      %dma_wait3A_142 = arith.constant 0 : i32
      %dma_wait3A_143 = tpu.memref_slice %arg12[%dma_wait3A_141, %dma_wait3A_142] : memref<10240x32xf32, #tpu.memory_space<vmem_shared>> -> memref<10240x32xf32, #tpu.memory_space<vmem_shared>>
      tpu.wait_indirect_dma semaphore(%arg20 : memref<!tpu.dma_semaphore, #tpu.memory_space<semaphore_mem>>) src(%arg11 : memref<128x32xf32, #tpu.memory_space<vmem>>) dst(%dma_wait3A_143 : memref<10240x32xf32, #tpu.memory_space<vmem_shared>>)
      %add3A_144 = arith.constant 3 : i32
      %add3A_145 = arith.addi %mul3A_94, %add3A_144 : i32
      %dma_start3A_146 = arith.constant 0 : i32
      %dma_start3A_147 = tpu.memref_slice %arg6[%add3A_145, %dma_start3A_146] : memref<160x128xi32, #tpu.memory_space<vmem>> -> memref<1x128xi32, #tpu.memory_space<vmem>>
      %dma_start3A_148 = tpu.memref_squeeze %dma_start3A_147 : memref<1x128xi32, #tpu.memory_space<vmem>> -> memref<128xi32, #tpu.memory_space<vmem>>
      %dma_start3A_149 = arith.constant 0 : i32
      %dma_start3A_150 = arith.constant 0 : i32
      %dma_start3A_151 = tpu.memref_slice %arg4[%dma_start3A_149, %dma_start3A_150] : memref<20480x32xf32, #tpu.memory_space<hbm>> -> memref<20480x32xf32, #tpu.memory_space<hbm>>
      tpu.enqueue_indirect_dma source(%dma_start3A_151 : memref<20480x32xf32, #tpu.memory_space<hbm>>) target(%arg11 : memref<128x32xf32, #tpu.memory_space<vmem>>) offsets(%dma_start3A_148 : memref<128xi32, #tpu.memory_space<vmem>>) semaphore(%arg16 : memref<!tpu.dma_semaphore, #tpu.memory_space<semaphore_mem>>)
      %dma_wait3A_152 = arith.constant 0 : i32
      %dma_wait3A_153 = arith.constant 0 : i32
      %dma_wait3A_154 = tpu.memref_slice %arg6[%dma_wait3A_152, %dma_wait3A_153] : memref<160x128xi32, #tpu.memory_space<vmem>> -> memref<1x128xi32, #tpu.memory_space<vmem>>
      %dma_wait3A_155 = tpu.memref_squeeze %dma_wait3A_154 : memref<1x128xi32, #tpu.memory_space<vmem>> -> memref<128xi32, #tpu.memory_space<vmem>>
      %dma_wait3A_156 = arith.constant 0 : i32
      %dma_wait3A_157 = arith.constant 0 : i32
      %dma_wait3A_158 = tpu.memref_slice %arg4[%dma_wait3A_156, %dma_wait3A_157] : memref<20480x32xf32, #tpu.memory_space<hbm>> -> memref<20480x32xf32, #tpu.memory_space<hbm>>
      tpu.wait_indirect_dma semaphore(%arg14 : memref<!tpu.dma_semaphore, #tpu.memory_space<semaphore_mem>>) src(%dma_wait3A_158 : memref<20480x32xf32, #tpu.memory_space<hbm>>) dst(%arg9 : memref<128x32xf32, #tpu.memory_space<vmem>>)
      %add3A_159 = arith.constant 2 : i32
      %add3A_160 = arith.addi %mul3A_94, %add3A_159 : i32
      %dma_start3A_161 = arith.constant 0 : i32
      %dma_start3A_162 = tpu.memref_slice %arg7[%add3A_160, %dma_start3A_161] : memref<160x128xi32, #tpu.memory_space<vmem>> -> memref<1x128xi32, #tpu.memory_space<vmem>>
      %dma_start3A_163 = tpu.memref_squeeze %dma_start3A_162 : memref<1x128xi32, #tpu.memory_space<vmem>> -> memref<128xi32, #tpu.memory_space<vmem>>
      %dma_start3A_164 = arith.constant 0 : i32
      %dma_start3A_165 = arith.constant 0 : i32
      %dma_start3A_166 = tpu.memref_slice %arg12[%dma_start3A_164, %dma_start3A_165] : memref<10240x32xf32, #tpu.memory_space<vmem_shared>> -> memref<10240x32xf32, #tpu.memory_space<vmem_shared>>
      tpu.enqueue_indirect_dma source(%arg9 : memref<128x32xf32, #tpu.memory_space<vmem>>) target(%dma_start3A_166 : memref<10240x32xf32, #tpu.memory_space<vmem_shared>>) offsets(%dma_start3A_163 : memref<128xi32, #tpu.memory_space<vmem>>) semaphore(%arg18 : memref<!tpu.dma_semaphore, #tpu.memory_space<semaphore_mem>>) {add = true}
      %dma_wait3A_167 = arith.constant 0 : i32
      %dma_wait3A_168 = arith.constant 0 : i32
      %dma_wait3A_169 = tpu.memref_slice %arg6[%dma_wait3A_167, %dma_wait3A_168] : memref<160x128xi32, #tpu.memory_space<vmem>> -> memref<1x128xi32, #tpu.memory_space<vmem>>
      %dma_wait3A_170 = tpu.memref_squeeze %dma_wait3A_169 : memref<1x128xi32, #tpu.memory_space<vmem>> -> memref<128xi32, #tpu.memory_space<vmem>>
      %dma_wait3A_171 = arith.constant 0 : i32
      %dma_wait3A_172 = arith.constant 0 : i32
      %dma_wait3A_173 = tpu.memref_slice %arg4[%dma_wait3A_171, %dma_wait3A_172] : memref<20480x32xf32, #tpu.memory_space<hbm>> -> memref<20480x32xf32, #tpu.memory_space<hbm>>
      tpu.wait_indirect_dma semaphore(%arg16 : memref<!tpu.dma_semaphore, #tpu.memory_space<semaphore_mem>>) src(%dma_wait3A_173 : memref<20480x32xf32, #tpu.memory_space<hbm>>) dst(%arg11 : memref<128x32xf32, #tpu.memory_space<vmem>>)
      %add3A_174 = arith.constant 3 : i32
      %add3A_175 = arith.addi %mul3A_94, %add3A_174 : i32
      %dma_start3A_176 = arith.constant 0 : i32
      %dma_start3A_177 = tpu.memref_slice %arg7[%add3A_175, %dma_start3A_176] : memref<160x128xi32, #tpu.memory_space<vmem>> -> memref<1x128xi32, #tpu.memory_space<vmem>>
      %dma_start3A_178 = tpu.memref_squeeze %dma_start3A_177 : memref<1x128xi32, #tpu.memory_space<vmem>> -> memref<128xi32, #tpu.memory_space<vmem>>
      %dma_start3A_179 = arith.constant 0 : i32
      %dma_start3A_180 = arith.constant 0 : i32
      %dma_start3A_181 = tpu.memref_slice %arg12[%dma_start3A_179, %dma_start3A_180] : memref<10240x32xf32, #tpu.memory_space<vmem_shared>> -> memref<10240x32xf32, #tpu.memory_space<vmem_shared>>
      tpu.enqueue_indirect_dma source(%arg11 : memref<128x32xf32, #tpu.memory_space<vmem>>) target(%dma_start3A_181 : memref<10240x32xf32, #tpu.memory_space<vmem_shared>>) offsets(%dma_start3A_178 : memref<128xi32, #tpu.memory_space<vmem>>) semaphore(%arg20 : memref<!tpu.dma_semaphore, #tpu.memory_space<semaphore_mem>>) {add = true}
      %dma_wait3A_182 = arith.constant 0 : i32
      %dma_wait3A_183 = arith.constant 0 : i32
      %dma_wait3A_184 = tpu.memref_slice %arg7[%dma_wait3A_182, %dma_wait3A_183] : memref<160x128xi32, #tpu.memory_space<vmem>> -> memref<1x128xi32, #tpu.memory_space<vmem>>
      %dma_wait3A_185 = tpu.memref_squeeze %dma_wait3A_184 : memref<1x128xi32, #tpu.memory_space<vmem>> -> memref<128xi32, #tpu.memory_space<vmem>>
      %dma_wait3A_186 = arith.constant 0 : i32
      %dma_wait3A_187 = arith.constant 0 : i32
      %dma_wait3A_188 = tpu.memref_slice %arg12[%dma_wait3A_186, %dma_wait3A_187] : memref<10240x32xf32, #tpu.memory_space<vmem_shared>> -> memref<10240x32xf32, #tpu.memory_space<vmem_shared>>
      tpu.wait_indirect_dma semaphore(%arg17 : memref<!tpu.dma_semaphore, #tpu.memory_space<semaphore_mem>>) src(%arg8 : memref<128x32xf32, #tpu.memory_space<vmem>>) dst(%dma_wait3A_188 : memref<10240x32xf32, #tpu.memory_space<vmem_shared>>)
      %add3A_189 = arith.constant 4 : i32
      %add3A_190 = arith.addi %mul3A_94, %add3A_189 : i32
      %rem3A = arith.constant 160 : i32
      %rem3A_191 = arith.remsi %add3A_190, %rem3A : i32
      %dma_start3A_192 = arith.constant 0 : i32
      %dma_start3A_193 = tpu.memref_slice %arg6[%rem3A_191, %dma_start3A_192] : memref<160x128xi32, #tpu.memory_space<vmem>> -> memref<1x128xi32, #tpu.memory_space<vmem>>
      %dma_start3A_194 = tpu.memref_squeeze %dma_start3A_193 : memref<1x128xi32, #tpu.memory_space<vmem>> -> memref<128xi32, #tpu.memory_space<vmem>>
      %dma_start3A_195 = arith.constant 0 : i32
      %dma_start3A_196 = arith.constant 0 : i32
      %dma_start3A_197 = tpu.memref_slice %arg4[%dma_start3A_195, %dma_start3A_196] : memref<20480x32xf32, #tpu.memory_space<hbm>> -> memref<20480x32xf32, #tpu.memory_space<hbm>>
      tpu.enqueue_indirect_dma source(%dma_start3A_197 : memref<20480x32xf32, #tpu.memory_space<hbm>>) target(%arg8 : memref<128x32xf32, #tpu.memory_space<vmem>>) offsets(%dma_start3A_194 : memref<128xi32, #tpu.memory_space<vmem>>) semaphore(%arg13 : memref<!tpu.dma_semaphore, #tpu.memory_space<semaphore_mem>>)
      %dma_wait3A_198 = arith.constant 0 : i32
      %dma_wait3A_199 = arith.constant 0 : i32
      %dma_wait3A_200 = tpu.memref_slice %arg7[%dma_wait3A_198, %dma_wait3A_199] : memref<160x128xi32, #tpu.memory_space<vmem>> -> memref<1x128xi32, #tpu.memory_space<vmem>>
      %dma_wait3A_201 = tpu.memref_squeeze %dma_wait3A_200 : memref<1x128xi32, #tpu.memory_space<vmem>> -> memref<128xi32, #tpu.memory_space<vmem>>
      %dma_wait3A_202 = arith.constant 0 : i32
      %dma_wait3A_203 = arith.constant 0 : i32
      %dma_wait3A_204 = tpu.memref_slice %arg12[%dma_wait3A_202, %dma_wait3A_203] : memref<10240x32xf32, #tpu.memory_space<vmem_shared>> -> memref<10240x32xf32, #tpu.memory_space<vmem_shared>>
      tpu.wait_indirect_dma semaphore(%arg19 : memref<!tpu.dma_semaphore, #tpu.memory_space<semaphore_mem>>) src(%arg10 : memref<128x32xf32, #tpu.memory_space<vmem>>) dst(%dma_wait3A_204 : memref<10240x32xf32, #tpu.memory_space<vmem_shared>>)
      %add3A_205 = arith.constant 5 : i32
      %add3A_206 = arith.addi %mul3A_94, %add3A_205 : i32
      %rem3A_207 = arith.constant 160 : i32
      %rem3A_208 = arith.remsi %add3A_206, %rem3A_207 : i32
      %dma_start3A_209 = arith.constant 0 : i32
      %dma_start3A_210 = tpu.memref_slice %arg6[%rem3A_208, %dma_start3A_209] : memref<160x128xi32, #tpu.memory_space<vmem>> -> memref<1x128xi32, #tpu.memory_space<vmem>>
      %dma_start3A_211 = tpu.memref_squeeze %dma_start3A_210 : memref<1x128xi32, #tpu.memory_space<vmem>> -> memref<128xi32, #tpu.memory_space<vmem>>
      %dma_start3A_212 = arith.constant 0 : i32
      %dma_start3A_213 = arith.constant 0 : i32
      %dma_start3A_214 = tpu.memref_slice %arg4[%dma_start3A_212, %dma_start3A_213] : memref<20480x32xf32, #tpu.memory_space<hbm>> -> memref<20480x32xf32, #tpu.memory_space<hbm>>
      tpu.enqueue_indirect_dma source(%dma_start3A_214 : memref<20480x32xf32, #tpu.memory_space<hbm>>) target(%arg10 : memref<128x32xf32, #tpu.memory_space<vmem>>) offsets(%dma_start3A_211 : memref<128xi32, #tpu.memory_space<vmem>>) semaphore(%arg15 : memref<!tpu.dma_semaphore, #tpu.memory_space<semaphore_mem>>)
    }
    %scan3A_56 = arith.constant 40 : i32
    %dma_wait3A = arith.constant 0 : i32
    %dma_wait3A_57 = arith.constant 0 : i32
    %dma_wait3A_58 = tpu.memref_slice %arg6[%dma_wait3A, %dma_wait3A_57] : memref<160x128xi32, #tpu.memory_space<vmem>> -> memref<1x128xi32, #tpu.memory_space<vmem>>
    %dma_wait3A_59 = tpu.memref_squeeze %dma_wait3A_58 : memref<1x128xi32, #tpu.memory_space<vmem>> -> memref<128xi32, #tpu.memory_space<vmem>>
    %dma_wait3A_60 = arith.constant 0 : i32
    %dma_wait3A_61 = arith.constant 0 : i32
    %dma_wait3A_62 = tpu.memref_slice %arg4[%dma_wait3A_60, %dma_wait3A_61] : memref<20480x32xf32, #tpu.memory_space<hbm>> -> memref<20480x32xf32, #tpu.memory_space<hbm>>
    tpu.wait_indirect_dma semaphore(%arg13 : memref<!tpu.dma_semaphore, #tpu.memory_space<semaphore_mem>>) src(%dma_wait3A_62 : memref<20480x32xf32, #tpu.memory_space<hbm>>) dst(%arg8 : memref<128x32xf32, #tpu.memory_space<vmem>>)
    %dma_wait3A_63 = arith.constant 0 : i32
    %dma_wait3A_64 = arith.constant 0 : i32
    %dma_wait3A_65 = tpu.memref_slice %arg6[%dma_wait3A_63, %dma_wait3A_64] : memref<160x128xi32, #tpu.memory_space<vmem>> -> memref<1x128xi32, #tpu.memory_space<vmem>>
    %dma_wait3A_66 = tpu.memref_squeeze %dma_wait3A_65 : memref<1x128xi32, #tpu.memory_space<vmem>> -> memref<128xi32, #tpu.memory_space<vmem>>
    %dma_wait3A_67 = arith.constant 0 : i32
    %dma_wait3A_68 = arith.constant 0 : i32
    %dma_wait3A_69 = tpu.memref_slice %arg4[%dma_wait3A_67, %dma_wait3A_68] : memref<20480x32xf32, #tpu.memory_space<hbm>> -> memref<20480x32xf32, #tpu.memory_space<hbm>>
    tpu.wait_indirect_dma semaphore(%arg15 : memref<!tpu.dma_semaphore, #tpu.memory_space<semaphore_mem>>) src(%dma_wait3A_69 : memref<20480x32xf32, #tpu.memory_space<hbm>>) dst(%arg10 : memref<128x32xf32, #tpu.memory_space<vmem>>)
    %dma_wait3A_70 = arith.constant 0 : i32
    %dma_wait3A_71 = arith.constant 0 : i32
    %dma_wait3A_72 = tpu.memref_slice %arg7[%dma_wait3A_70, %dma_wait3A_71] : memref<160x128xi32, #tpu.memory_space<vmem>> -> memref<1x128xi32, #tpu.memory_space<vmem>>
    %dma_wait3A_73 = tpu.memref_squeeze %dma_wait3A_72 : memref<1x128xi32, #tpu.memory_space<vmem>> -> memref<128xi32, #tpu.memory_space<vmem>>
    %dma_wait3A_74 = arith.constant 0 : i32
    %dma_wait3A_75 = arith.constant 0 : i32
    %dma_wait3A_76 = tpu.memref_slice %arg12[%dma_wait3A_74, %dma_wait3A_75] : memref<10240x32xf32, #tpu.memory_space<vmem_shared>> -> memref<10240x32xf32, #tpu.memory_space<vmem_shared>>
    tpu.wait_indirect_dma semaphore(%arg18 : memref<!tpu.dma_semaphore, #tpu.memory_space<semaphore_mem>>) src(%arg9 : memref<128x32xf32, #tpu.memory_space<vmem>>) dst(%dma_wait3A_76 : memref<10240x32xf32, #tpu.memory_space<vmem_shared>>)
    %dma_wait3A_77 = arith.constant 0 : i32
    %dma_wait3A_78 = arith.constant 0 : i32
    %dma_wait3A_79 = tpu.memref_slice %arg7[%dma_wait3A_77, %dma_wait3A_78] : memref<160x128xi32, #tpu.memory_space<vmem>> -> memref<1x128xi32, #tpu.memory_space<vmem>>
    %dma_wait3A_80 = tpu.memref_squeeze %dma_wait3A_79 : memref<1x128xi32, #tpu.memory_space<vmem>> -> memref<128xi32, #tpu.memory_space<vmem>>
    %dma_wait3A_81 = arith.constant 0 : i32
    %dma_wait3A_82 = arith.constant 0 : i32
    %dma_wait3A_83 = tpu.memref_slice %arg12[%dma_wait3A_81, %dma_wait3A_82] : memref<10240x32xf32, #tpu.memory_space<vmem_shared>> -> memref<10240x32xf32, #tpu.memory_space<vmem_shared>>
    tpu.wait_indirect_dma semaphore(%arg20 : memref<!tpu.dma_semaphore, #tpu.memory_space<semaphore_mem>>) src(%arg11 : memref<128x32xf32, #tpu.memory_space<vmem>>) dst(%dma_wait3A_83 : memref<10240x32xf32, #tpu.memory_space<vmem_shared>>)
    %barrier3A_84 = arith.constant 0 : index
    tpu.barrier barrier_id(%barrier3A_84)
    %mul3A_85 = arith.constant 640 : i32
    %mul3A_86 = arith.muli %arg1, %mul3A_85 : i32
    %mul3A_87 = arith.constant 10240 : i32
    %mul3A_88 = arith.muli %arg0, %mul3A_87 : i32
    %mul3A_89 = arith.constant 640 : i32
    %mul3A_90 = arith.muli %arg1, %mul3A_89 : i32
    %add3A_91 = arith.addi %mul3A_88, %mul3A_90 : i32
    "tpu.region"() ({
      %run_scoped3A = tpu.sem_alloc : memref<!tpu.dma_semaphore, #tpu.memory_space<semaphore_mem>>
      %dma_start3A_92 = arith.constant 0 : i32
      %dma_start3A_93 = tpu.memref_slice %arg5[%add3A_91, %dma_start3A_92] : memref<20480x32xf32, #tpu.memory_space<hbm>> -> memref<640x32xf32, #tpu.memory_space<hbm>>
      %dma_start3A_94 = arith.constant 0 : i32
      %dma_start3A_95 = tpu.memref_slice %arg12[%mul3A_86, %dma_start3A_94] : memref<10240x32xf32, #tpu.memory_space<vmem_shared>> -> memref<640x32xf32, #tpu.memory_space<vmem_shared>>
      tpu.enqueue_dma source(%dma_start3A_95 : memref<640x32xf32, #tpu.memory_space<vmem_shared>>) target(%dma_start3A_93 : memref<640x32xf32, #tpu.memory_space<hbm>>) target_semaphore(%run_scoped3A : memref<!tpu.dma_semaphore, #tpu.memory_space<semaphore_mem>>)
      %dma_wait3A_96 = arith.constant 0 : i32
      %dma_wait3A_97 = tpu.memref_slice %arg5[%add3A_91, %dma_wait3A_96] : memref<20480x32xf32, #tpu.memory_space<hbm>> -> memref<640x32xf32, #tpu.memory_space<hbm>>
      %dma_wait3A_98 = arith.constant 0 : i32
      %dma_wait3A_99 = tpu.memref_slice %arg12[%mul3A_86, %dma_wait3A_98] : memref<10240x32xf32, #tpu.memory_space<vmem_shared>> -> memref<640x32xf32, #tpu.memory_space<vmem_shared>>
      tpu.wait_dma2 semaphore(%run_scoped3A : memref<!tpu.dma_semaphore, #tpu.memory_space<semaphore_mem>>) src(%dma_wait3A_99 : memref<640x32xf32, #tpu.memory_space<vmem_shared>>) dst(%dma_wait3A_97 : memref<640x32xf32, #tpu.memory_space<hbm>>)
      tpu.yield
    }) : () -> ()
    return
  }
}

#map = affine_map<(d0, d1) -> (0, 0, 0, 0)>
#map1 = affine_map<(d0, d1) -> (0, 0, 0)>
#map2 = affine_map<(d0, d1) -> (0, 0)>
module attributes {stable_mosaic.version = 14 : i64} {
  func.func @k(%arg0: i32, %arg1: i32, %arg2: memref<2x16x160x128xi32, #tpu.memory_space<hbm>>, %arg3: memref<16x160x128xi32, #tpu.memory_space<hbm>>, %arg4: memref<20480x64xf32, #tpu.memory_space<hbm>>, %arg5: memref<20480x64xf32, #tpu.memory_space<hbm>>, %arg6: memref<160x128xi32, #tpu.memory_space<vmem>>, %arg7: memref<160x128xi32, #tpu.memory_space<vmem>>, %arg8: memref<128x64xf32, #tpu.memory_space<vmem>>, %arg9: memref<128x64xf32, #tpu.memory_space<vmem>>, %arg10: memref<128x64xf32, #tpu.memory_space<vmem>>, %arg11: memref<128x64xf32, #tpu.memory_space<vmem>>, %arg12: memref<10240x64xf32, #tpu.memory_space<vmem_shared>>, %arg13: memref<!tpu.dma_semaphore, #tpu.memory_space<semaphore_mem>>, %arg14: memref<!tpu.dma_semaphore, #tpu.memory_space<semaphore_mem>>, %arg15: memref<!tpu.dma_semaphore, #tpu.memory_space<semaphore_mem>>, %arg16: memref<!tpu.dma_semaphore, #tpu.memory_space<semaphore_mem>>, %arg17: memref<!tpu.dma_semaphore, #tpu.memory_space<semaphore_mem>>, %arg18: memref<!tpu.dma_semaphore, #tpu.memory_space<semaphore_mem>>, %arg19: memref<!tpu.dma_semaphore, #tpu.memory_space<semaphore_mem>>, %arg20: memref<!tpu.dma_semaphore, #tpu.memory_space<semaphore_mem>>) attributes {dimension_semantics = [#tpu.dimension_semantics<core_parallel>, #tpu.dimension_semantics<subcore_parallel>], iteration_bounds = array<i64: 2, 16>, scalar_prefetch = 0 : i64, scratch_operands = 15 : i64, tpu.core_type = #tpu.core_type<sc_vector_subcore>, window_params = [{transform_indices = #map}, {transform_indices = #map1}, {transform_indices = #map2}, {transform_indices = #map2}]} {
    "tpu.region"() ({
      %run_scoped3A = tpu.sem_alloc : memref<!tpu.dma_semaphore, #tpu.memory_space<semaphore_mem>>
      %dma_start3A_92 = arith.constant 0 : i32
      %dma_start3A_93 = arith.constant 0 : i32
      %dma_start3A_94 = tpu.memref_slice %arg2[%arg0, %arg1, %dma_start3A_92, %dma_start3A_93] : memref<2x16x160x128xi32, #tpu.memory_space<hbm>> -> memref<1x1x160x128xi32, #tpu.memory_space<hbm>>
      %dma_start3A_95 = tpu.memref_squeeze %dma_start3A_94 : memref<1x1x160x128xi32, #tpu.memory_space<hbm>> -> memref<160x128xi32, #tpu.memory_space<hbm>>
      %dma_start3A_96 = arith.constant 0 : i32
      %dma_start3A_97 = arith.constant 0 : i32
      %dma_start3A_98 = tpu.memref_slice %arg2[%arg0, %arg1, %dma_start3A_96, %dma_start3A_97] : memref<2x16x160x128xi32, #tpu.memory_space<hbm>> -> memref<1x1x160x128xi32, #tpu.memory_space<hbm>>
      %dma_start3A_99 = tpu.memref_squeeze %dma_start3A_98 : memref<1x1x160x128xi32, #tpu.memory_space<hbm>> -> memref<160x128xi32, #tpu.memory_space<hbm>>
      tpu.enqueue_dma source(%dma_start3A_99 : memref<160x128xi32, #tpu.memory_space<hbm>>) target(%arg6 : memref<160x128xi32, #tpu.memory_space<vmem>>) target_semaphore(%run_scoped3A : memref<!tpu.dma_semaphore, #tpu.memory_space<semaphore_mem>>)
      %dma_wait3A_100 = arith.constant 0 : i32
      %dma_wait3A_101 = arith.constant 0 : i32
      %dma_wait3A_102 = tpu.memref_slice %arg2[%arg0, %arg1, %dma_wait3A_100, %dma_wait3A_101] : memref<2x16x160x128xi32, #tpu.memory_space<hbm>> -> memref<1x1x160x128xi32, #tpu.memory_space<hbm>>
      %dma_wait3A_103 = tpu.memref_squeeze %dma_wait3A_102 : memref<1x1x160x128xi32, #tpu.memory_space<hbm>> -> memref<160x128xi32, #tpu.memory_space<hbm>>
      %dma_wait3A_104 = arith.constant 0 : i32
      %dma_wait3A_105 = arith.constant 0 : i32
      %dma_wait3A_106 = tpu.memref_slice %arg2[%arg0, %arg1, %dma_wait3A_104, %dma_wait3A_105] : memref<2x16x160x128xi32, #tpu.memory_space<hbm>> -> memref<1x1x160x128xi32, #tpu.memory_space<hbm>>
      %dma_wait3A_107 = tpu.memref_squeeze %dma_wait3A_106 : memref<1x1x160x128xi32, #tpu.memory_space<hbm>> -> memref<160x128xi32, #tpu.memory_space<hbm>>
      tpu.wait_dma2 semaphore(%run_scoped3A : memref<!tpu.dma_semaphore, #tpu.memory_space<semaphore_mem>>) src(%dma_wait3A_107 : memref<160x128xi32, #tpu.memory_space<hbm>>) dst(%arg6 : memref<160x128xi32, #tpu.memory_space<vmem>>)
      tpu.yield
    }) : () -> ()
    "tpu.region"() ({
      %run_scoped3A = tpu.sem_alloc : memref<!tpu.dma_semaphore, #tpu.memory_space<semaphore_mem>>
      %dma_start3A_92 = arith.constant 0 : i32
      %dma_start3A_93 = arith.constant 0 : i32
      %dma_start3A_94 = tpu.memref_slice %arg3[%arg1, %dma_start3A_92, %dma_start3A_93] : memref<16x160x128xi32, #tpu.memory_space<hbm>> -> memref<1x160x128xi32, #tpu.memory_space<hbm>>
      %dma_start3A_95 = tpu.memref_squeeze %dma_start3A_94 : memref<1x160x128xi32, #tpu.memory_space<hbm>> -> memref<160x128xi32, #tpu.memory_space<hbm>>
      %dma_start3A_96 = arith.constant 0 : i32
      %dma_start3A_97 = arith.constant 0 : i32
      %dma_start3A_98 = tpu.memref_slice %arg3[%arg1, %dma_start3A_96, %dma_start3A_97] : memref<16x160x128xi32, #tpu.memory_space<hbm>> -> memref<1x160x128xi32, #tpu.memory_space<hbm>>
      %dma_start3A_99 = tpu.memref_squeeze %dma_start3A_98 : memref<1x160x128xi32, #tpu.memory_space<hbm>> -> memref<160x128xi32, #tpu.memory_space<hbm>>
      tpu.enqueue_dma source(%dma_start3A_99 : memref<160x128xi32, #tpu.memory_space<hbm>>) target(%arg7 : memref<160x128xi32, #tpu.memory_space<vmem>>) target_semaphore(%run_scoped3A : memref<!tpu.dma_semaphore, #tpu.memory_space<semaphore_mem>>)
      %dma_wait3A_100 = arith.constant 0 : i32
      %dma_wait3A_101 = arith.constant 0 : i32
      %dma_wait3A_102 = tpu.memref_slice %arg3[%arg1, %dma_wait3A_100, %dma_wait3A_101] : memref<16x160x128xi32, #tpu.memory_space<hbm>> -> memref<1x160x128xi32, #tpu.memory_space<hbm>>
      %dma_wait3A_103 = tpu.memref_squeeze %dma_wait3A_102 : memref<1x160x128xi32, #tpu.memory_space<hbm>> -> memref<160x128xi32, #tpu.memory_space<hbm>>
      %dma_wait3A_104 = arith.constant 0 : i32
      %dma_wait3A_105 = arith.constant 0 : i32
      %dma_wait3A_106 = tpu.memref_slice %arg3[%arg1, %dma_wait3A_104, %dma_wait3A_105] : memref<16x160x128xi32, #tpu.memory_space<hbm>> -> memref<1x160x128xi32, #tpu.memory_space<hbm>>
      %dma_wait3A_107 = tpu.memref_squeeze %dma_wait3A_106 : memref<1x160x128xi32, #tpu.memory_space<hbm>> -> memref<160x128xi32, #tpu.memory_space<hbm>>
      tpu.wait_dma2 semaphore(%run_scoped3A : memref<!tpu.dma_semaphore, #tpu.memory_space<semaphore_mem>>) src(%dma_wait3A_107 : memref<160x128xi32, #tpu.memory_space<hbm>>) dst(%arg7 : memref<160x128xi32, #tpu.memory_space<vmem>>)
      tpu.yield
    }) : () -> ()
    %broadcast_in_dim3A = arith.constant 0.000000e+00 : f32
    %broadcast_in_dim3A_0 = vector.broadcast %broadcast_in_dim3A : f32 to vector<16xf32>
    %scan3A = arith.constant 0 : i32
    %scan3A_1 = arith.constant 0 : i32
    %scan3A_2 = arith.constant 128 : i32
    %scan3A_3 = arith.addi %scan3A_1, %scan3A_2 : i32
    %scan3A_4 = arith.constant 1 : i32
    scf.for %scan3A_92 = %scan3A_1 to %scan3A_3 step %scan3A_4  : i32 {
      %swap3A = arith.index_cast %scan3A_92 : i32 to index
      %swap3A_93 = arith.constant 0 : index
      %swap3A_94 = tpu.vector_load %arg8[%swap3A, %swap3A_93] {strides = array<i32>} : memref<128x64xf32, #tpu.memory_space<vmem>>, vector<1x16xf32>,
      %swap3A_95 = vector.shape_cast %swap3A_94 : vector<1x16xf32> to vector<16xf32>
      %swap3A_96 = vector.shape_cast %broadcast_in_dim3A_0 : vector<16xf32> to vector<1x16xf32>
      tpu.vector_store %arg8[%swap3A, %swap3A_93], %swap3A_96 {strides = array<i32>} : memref<128x64xf32, #tpu.memory_space<vmem>>, vector<1x16xf32>,
      %swap3A_97 = arith.index_cast %scan3A_92 : i32 to index
      %swap3A_98 = arith.constant 0 : index
      %swap3A_99 = tpu.vector_load %arg9[%swap3A_97, %swap3A_98] {strides = array<i32>} : memref<128x64xf32, #tpu.memory_space<vmem>>, vector<1x16xf32>,
      %swap3A_100 = vector.shape_cast %swap3A_99 : vector<1x16xf32> to vector<16xf32>
      %swap3A_101 = vector.shape_cast %broadcast_in_dim3A_0 : vector<16xf32> to vector<1x16xf32>
      tpu.vector_store %arg9[%swap3A_97, %swap3A_98], %swap3A_101 {strides = array<i32>} : memref<128x64xf32, #tpu.memory_space<vmem>>, vector<1x16xf32>,
      %swap3A_102 = arith.index_cast %scan3A_92 : i32 to index
      %swap3A_103 = arith.constant 0 : index
      %swap3A_104 = tpu.vector_load %arg11[%swap3A_102, %swap3A_103] {strides = array<i32>} : memref<128x64xf32, #tpu.memory_space<vmem>>, vector<1x16xf32>,
      %swap3A_105 = vector.shape_cast %swap3A_104 : vector<1x16xf32> to vector<16xf32>
      %swap3A_106 = vector.shape_cast %broadcast_in_dim3A_0 : vector<16xf32> to vector<1x16xf32>
      tpu.vector_store %arg11[%swap3A_102, %swap3A_103], %swap3A_106 {strides = array<i32>} : memref<128x64xf32, #tpu.memory_space<vmem>>, vector<1x16xf32>,
      %swap3A_107 = arith.index_cast %scan3A_92 : i32 to index
      %swap3A_108 = arith.constant 16 : index
      %swap3A_109 = tpu.vector_load %arg8[%swap3A_107, %swap3A_108] {strides = array<i32>} : memref<128x64xf32, #tpu.memory_space<vmem>>, vector<1x16xf32>,
      %swap3A_110 = vector.shape_cast %swap3A_109 : vector<1x16xf32> to vector<16xf32>
      %swap3A_111 = vector.shape_cast %broadcast_in_dim3A_0 : vector<16xf32> to vector<1x16xf32>
      tpu.vector_store %arg8[%swap3A_107, %swap3A_108], %swap3A_111 {strides = array<i32>} : memref<128x64xf32, #tpu.memory_space<vmem>>, vector<1x16xf32>,
      %swap3A_112 = arith.index_cast %scan3A_92 : i32 to index
      %swap3A_113 = arith.constant 16 : index
      %swap3A_114 = tpu.vector_load %arg9[%swap3A_112, %swap3A_113] {strides = array<i32>} : memref<128x64xf32, #tpu.memory_space<vmem>>, vector<1x16xf32>,
      %swap3A_115 = vector.shape_cast %swap3A_114 : vector<1x16xf32> to vector<16xf32>
      %swap3A_116 = vector.shape_cast %broadcast_in_dim3A_0 : vector<16xf32> to vector<1x16xf32>
      tpu.vector_store %arg9[%swap3A_112, %swap3A_113], %swap3A_116 {strides = array<i32>} : memref<128x64xf32, #tpu.memory_space<vmem>>, vector<1x16xf32>,
      %swap3A_117 = arith.index_cast %scan3A_92 : i32 to index
      %swap3A_118 = arith.constant 16 : index
      %swap3A_119 = tpu.vector_load %arg11[%swap3A_117, %swap3A_118] {strides = array<i32>} : memref<128x64xf32, #tpu.memory_space<vmem>>, vector<1x16xf32>,
      %swap3A_120 = vector.shape_cast %swap3A_119 : vector<1x16xf32> to vector<16xf32>
      %swap3A_121 = vector.shape_cast %broadcast_in_dim3A_0 : vector<16xf32> to vector<1x16xf32>
      tpu.vector_store %arg11[%swap3A_117, %swap3A_118], %swap3A_121 {strides = array<i32>} : memref<128x64xf32, #tpu.memory_space<vmem>>, vector<1x16xf32>,
      %swap3A_122 = arith.index_cast %scan3A_92 : i32 to index
      %swap3A_123 = arith.constant 32 : index
      %swap3A_124 = tpu.vector_load %arg8[%swap3A_122, %swap3A_123] {strides = array<i32>} : memref<128x64xf32, #tpu.memory_space<vmem>>, vector<1x16xf32>,
      %swap3A_125 = vector.shape_cast %swap3A_124 : vector<1x16xf32> to vector<16xf32>
      %swap3A_126 = vector.shape_cast %broadcast_in_dim3A_0 : vector<16xf32> to vector<1x16xf32>
      tpu.vector_store %arg8[%swap3A_122, %swap3A_123], %swap3A_126 {strides = array<i32>} : memref<128x64xf32, #tpu.memory_space<vmem>>, vector<1x16xf32>,
      %swap3A_127 = arith.index_cast %scan3A_92 : i32 to index
      %swap3A_128 = arith.constant 32 : index
      %swap3A_129 = tpu.vector_load %arg9[%swap3A_127, %swap3A_128] {strides = array<i32>} : memref<128x64xf32, #tpu.memory_space<vmem>>, vector<1x16xf32>,
      %swap3A_130 = vector.shape_cast %swap3A_129 : vector<1x16xf32> to vector<16xf32>
      %swap3A_131 = vector.shape_cast %broadcast_in_dim3A_0 : vector<16xf32> to vector<1x16xf32>
      tpu.vector_store %arg9[%swap3A_127, %swap3A_128], %swap3A_131 {strides = array<i32>} : memref<128x64xf32, #tpu.memory_space<vmem>>, vector<1x16xf32>,
      %swap3A_132 = arith.index_cast %scan3A_92 : i32 to index
      %swap3A_133 = arith.constant 32 : index
      %swap3A_134 = tpu.vector_load %arg11[%swap3A_132, %swap3A_133] {strides = array<i32>} : memref<128x64xf32, #tpu.memory_space<vmem>>, vector<1x16xf32>,
      %swap3A_135 = vector.shape_cast %swap3A_134 : vector<1x16xf32> to vector<16xf32>
      %swap3A_136 = vector.shape_cast %broadcast_in_dim3A_0 : vector<16xf32> to vector<1x16xf32>
      tpu.vector_store %arg11[%swap3A_132, %swap3A_133], %swap3A_136 {strides = array<i32>} : memref<128x64xf32, #tpu.memory_space<vmem>>, vector<1x16xf32>,
      %swap3A_137 = arith.index_cast %scan3A_92 : i32 to index
      %swap3A_138 = arith.constant 48 : index
      %swap3A_139 = tpu.vector_load %arg8[%swap3A_137, %swap3A_138] {strides = array<i32>} : memref<128x64xf32, #tpu.memory_space<vmem>>, vector<1x16xf32>,
      %swap3A_140 = vector.shape_cast %swap3A_139 : vector<1x16xf32> to vector<16xf32>
      %swap3A_141 = vector.shape_cast %broadcast_in_dim3A_0 : vector<16xf32> to vector<1x16xf32>
      tpu.vector_store %arg8[%swap3A_137, %swap3A_138], %swap3A_141 {strides = array<i32>} : memref<128x64xf32, #tpu.memory_space<vmem>>, vector<1x16xf32>,
      %swap3A_142 = arith.index_cast %scan3A_92 : i32 to index
      %swap3A_143 = arith.constant 48 : index
      %swap3A_144 = tpu.vector_load %arg9[%swap3A_142, %swap3A_143] {strides = array<i32>} : memref<128x64xf32, #tpu.memory_space<vmem>>, vector<1x16xf32>,
      %swap3A_145 = vector.shape_cast %swap3A_144 : vector<1x16xf32> to vector<16xf32>
      %swap3A_146 = vector.shape_cast %broadcast_in_dim3A_0 : vector<16xf32> to vector<1x16xf32>
      tpu.vector_store %arg9[%swap3A_142, %swap3A_143], %swap3A_146 {strides = array<i32>} : memref<128x64xf32, #tpu.memory_space<vmem>>, vector<1x16xf32>,
      %swap3A_147 = arith.index_cast %scan3A_92 : i32 to index
      %swap3A_148 = arith.constant 48 : index
      %swap3A_149 = tpu.vector_load %arg11[%swap3A_147, %swap3A_148] {strides = array<i32>} : memref<128x64xf32, #tpu.memory_space<vmem>>, vector<1x16xf32>,
      %swap3A_150 = vector.shape_cast %swap3A_149 : vector<1x16xf32> to vector<16xf32>
      %swap3A_151 = vector.shape_cast %broadcast_in_dim3A_0 : vector<16xf32> to vector<1x16xf32>
      tpu.vector_store %arg11[%swap3A_147, %swap3A_148], %swap3A_151 {strides = array<i32>} : memref<128x64xf32, #tpu.memory_space<vmem>>, vector<1x16xf32>,
    }
    %scan3A_5 = arith.constant 128 : i32
    %mul3A = arith.constant 640 : i32
    %mul3A_6 = arith.muli %arg1, %mul3A : i32
    %add3A = arith.constant 0 : i32
    %add3A_7 = arith.addi %mul3A_6, %add3A : i32
    "tpu.region"() ({
      %run_scoped3A = tpu.sem_alloc : memref<!tpu.dma_semaphore, #tpu.memory_space<semaphore_mem>>
      %dma_start3A_92 = arith.constant 0 : i32
      %dma_start3A_93 = tpu.memref_slice %arg12[%add3A_7, %dma_start3A_92] : memref<10240x64xf32, #tpu.memory_space<vmem_shared>> -> memref<128x64xf32, #tpu.memory_space<vmem_shared>>
      %dma_start3A_94 = arith.constant 0 : i32
      %dma_start3A_95 = tpu.memref_slice %arg12[%add3A_7, %dma_start3A_94] : memref<10240x64xf32, #tpu.memory_space<vmem_shared>> -> memref<128x64xf32, #tpu.memory_space<vmem_shared>>
      tpu.enqueue_dma source(%arg8 : memref<128x64xf32, #tpu.memory_space<vmem>>) target(%dma_start3A_95 : memref<128x64xf32, #tpu.memory_space<vmem_shared>>) target_semaphore(%run_scoped3A : memref<!tpu.dma_semaphore, #tpu.memory_space<semaphore_mem>>)
      %dma_wait3A_96 = arith.constant 0 : i32
      %dma_wait3A_97 = tpu.memref_slice %arg12[%add3A_7, %dma_wait3A_96] : memref<10240x64xf32, #tpu.memory_space<vmem_shared>> -> memref<128x64xf32, #tpu.memory_space<vmem_shared>>
      %dma_wait3A_98 = arith.constant 0 : i32
      %dma_wait3A_99 = tpu.memref_slice %arg12[%add3A_7, %dma_wait3A_98] : memref<10240x64xf32, #tpu.memory_space<vmem_shared>> -> memref<128x64xf32, #tpu.memory_space<vmem_shared>>
      tpu.wait_dma2 semaphore(%run_scoped3A : memref<!tpu.dma_semaphore, #tpu.memory_space<semaphore_mem>>) src(%arg8 : memref<128x64xf32, #tpu.memory_space<vmem>>) dst(%dma_wait3A_99 : memref<128x64xf32, #tpu.memory_space<vmem_shared>>)
      tpu.yield
    }) : () -> ()
    %mul3A_8 = arith.constant 640 : i32
    %mul3A_9 = arith.muli %arg1, %mul3A_8 : i32
    %add3A_10 = arith.constant 128 : i32
    %add3A_11 = arith.addi %mul3A_9, %add3A_10 : i32
    "tpu.region"() ({
      %run_scoped3A = tpu.sem_alloc : memref<!tpu.dma_semaphore, #tpu.memory_space<semaphore_mem>>
      %dma_start3A_92 = arith.constant 0 : i32
      %dma_start3A_93 = tpu.memref_slice %arg12[%add3A_11, %dma_start3A_92] : memref<10240x64xf32, #tpu.memory_space<vmem_shared>> -> memref<128x64xf32, #tpu.memory_space<vmem_shared>>
      %dma_start3A_94 = arith.constant 0 : i32
      %dma_start3A_95 = tpu.memref_slice %arg12[%add3A_11, %dma_start3A_94] : memref<10240x64xf32, #tpu.memory_space<vmem_shared>> -> memref<128x64xf32, #tpu.memory_space<vmem_shared>>
      tpu.enqueue_dma source(%arg8 : memref<128x64xf32, #tpu.memory_space<vmem>>) target(%dma_start3A_95 : memref<128x64xf32, #tpu.memory_space<vmem_shared>>) target_semaphore(%run_scoped3A : memref<!tpu.dma_semaphore, #tpu.memory_space<semaphore_mem>>)
      %dma_wait3A_96 = arith.constant 0 : i32
      %dma_wait3A_97 = tpu.memref_slice %arg12[%add3A_11, %dma_wait3A_96] : memref<10240x64xf32, #tpu.memory_space<vmem_shared>> -> memref<128x64xf32, #tpu.memory_space<vmem_shared>>
      %dma_wait3A_98 = arith.constant 0 : i32
      %dma_wait3A_99 = tpu.memref_slice %arg12[%add3A_11, %dma_wait3A_98] : memref<10240x64xf32, #tpu.memory_space<vmem_shared>> -> memref<128x64xf32, #tpu.memory_space<vmem_shared>>
      tpu.wait_dma2 semaphore(%run_scoped3A : memref<!tpu.dma_semaphore, #tpu.memory_space<semaphore_mem>>) src(%arg8 : memref<128x64xf32, #tpu.memory_space<vmem>>) dst(%dma_wait3A_99 : memref<128x64xf32, #tpu.memory_space<vmem_shared>>)
      tpu.yield
    }) : () -> ()
    %mul3A_12 = arith.constant 640 : i32
    %mul3A_13 = arith.muli %arg1, %mul3A_12 : i32
    %add3A_14 = arith.constant 256 : i32
    %add3A_15 = arith.addi %mul3A_13, %add3A_14 : i32
    "tpu.region"() ({
      %run_scoped3A = tpu.sem_alloc : memref<!tpu.dma_semaphore, #tpu.memory_space<semaphore_mem>>
      %dma_start3A_92 = arith.constant 0 : i32
      %dma_start3A_93 = tpu.memref_slice %arg12[%add3A_15, %dma_start3A_92] : memref<10240x64xf32, #tpu.memory_space<vmem_shared>> -> memref<128x64xf32, #tpu.memory_space<vmem_shared>>
      %dma_start3A_94 = arith.constant 0 : i32
      %dma_start3A_95 = tpu.memref_slice %arg12[%add3A_15, %dma_start3A_94] : memref<10240x64xf32, #tpu.memory_space<vmem_shared>> -> memref<128x64xf32, #tpu.memory_space<vmem_shared>>
      tpu.enqueue_dma source(%arg8 : memref<128x64xf32, #tpu.memory_space<vmem>>) target(%dma_start3A_95 : memref<128x64xf32, #tpu.memory_space<vmem_shared>>) target_semaphore(%run_scoped3A : memref<!tpu.dma_semaphore, #tpu.memory_space<semaphore_mem>>)
      %dma_wait3A_96 = arith.constant 0 : i32
      %dma_wait3A_97 = tpu.memref_slice %arg12[%add3A_15, %dma_wait3A_96] : memref<10240x64xf32, #tpu.memory_space<vmem_shared>> -> memref<128x64xf32, #tpu.memory_space<vmem_shared>>
      %dma_wait3A_98 = arith.constant 0 : i32
      %dma_wait3A_99 = tpu.memref_slice %arg12[%add3A_15, %dma_wait3A_98] : memref<10240x64xf32, #tpu.memory_space<vmem_shared>> -> memref<128x64xf32, #tpu.memory_space<vmem_shared>>
      tpu.wait_dma2 semaphore(%run_scoped3A : memref<!tpu.dma_semaphore, #tpu.memory_space<semaphore_mem>>) src(%arg8 : memref<128x64xf32, #tpu.memory_space<vmem>>) dst(%dma_wait3A_99 : memref<128x64xf32, #tpu.memory_space<vmem_shared>>)
      tpu.yield
    }) : () -> ()
    %mul3A_16 = arith.constant 640 : i32
    %mul3A_17 = arith.muli %arg1, %mul3A_16 : i32
    %add3A_18 = arith.constant 384 : i32
    %add3A_19 = arith.addi %mul3A_17, %add3A_18 : i32
    "tpu.region"() ({
      %run_scoped3A = tpu.sem_alloc : memref<!tpu.dma_semaphore, #tpu.memory_space<semaphore_mem>>
      %dma_start3A_92 = arith.constant 0 : i32
      %dma_start3A_93 = tpu.memref_slice %arg12[%add3A_19, %dma_start3A_92] : memref<10240x64xf32, #tpu.memory_space<vmem_shared>> -> memref<128x64xf32, #tpu.memory_space<vmem_shared>>
      %dma_start3A_94 = arith.constant 0 : i32
      %dma_start3A_95 = tpu.memref_slice %arg12[%add3A_19, %dma_start3A_94] : memref<10240x64xf32, #tpu.memory_space<vmem_shared>> -> memref<128x64xf32, #tpu.memory_space<vmem_shared>>
      tpu.enqueue_dma source(%arg8 : memref<128x64xf32, #tpu.memory_space<vmem>>) target(%dma_start3A_95 : memref<128x64xf32, #tpu.memory_space<vmem_shared>>) target_semaphore(%run_scoped3A : memref<!tpu.dma_semaphore, #tpu.memory_space<semaphore_mem>>)
      %dma_wait3A_96 = arith.constant 0 : i32
      %dma_wait3A_97 = tpu.memref_slice %arg12[%add3A_19, %dma_wait3A_96] : memref<10240x64xf32, #tpu.memory_space<vmem_shared>> -> memref<128x64xf32, #tpu.memory_space<vmem_shared>>
      %dma_wait3A_98 = arith.constant 0 : i32
      %dma_wait3A_99 = tpu.memref_slice %arg12[%add3A_19, %dma_wait3A_98] : memref<10240x64xf32, #tpu.memory_space<vmem_shared>> -> memref<128x64xf32, #tpu.memory_space<vmem_shared>>
      tpu.wait_dma2 semaphore(%run_scoped3A : memref<!tpu.dma_semaphore, #tpu.memory_space<semaphore_mem>>) src(%arg8 : memref<128x64xf32, #tpu.memory_space<vmem>>) dst(%dma_wait3A_99 : memref<128x64xf32, #tpu.memory_space<vmem_shared>>)
      tpu.yield
    }) : () -> ()
    %mul3A_20 = arith.constant 640 : i32
    %mul3A_21 = arith.muli %arg1, %mul3A_20 : i32
    %add3A_22 = arith.constant 512 : i32
    %add3A_23 = arith.addi %mul3A_21, %add3A_22 : i32
    "tpu.region"() ({
      %run_scoped3A = tpu.sem_alloc : memref<!tpu.dma_semaphore, #tpu.memory_space<semaphore_mem>>
      %dma_start3A_92 = arith.constant 0 : i32
      %dma_start3A_93 = tpu.memref_slice %arg12[%add3A_23, %dma_start3A_92] : memref<10240x64xf32, #tpu.memory_space<vmem_shared>> -> memref<128x64xf32, #tpu.memory_space<vmem_shared>>
      %dma_start3A_94 = arith.constant 0 : i32
      %dma_start3A_95 = tpu.memref_slice %arg12[%add3A_23, %dma_start3A_94] : memref<10240x64xf32, #tpu.memory_space<vmem_shared>> -> memref<128x64xf32, #tpu.memory_space<vmem_shared>>
      tpu.enqueue_dma source(%arg8 : memref<128x64xf32, #tpu.memory_space<vmem>>) target(%dma_start3A_95 : memref<128x64xf32, #tpu.memory_space<vmem_shared>>) target_semaphore(%run_scoped3A : memref<!tpu.dma_semaphore, #tpu.memory_space<semaphore_mem>>)
      %dma_wait3A_96 = arith.constant 0 : i32
      %dma_wait3A_97 = tpu.memref_slice %arg12[%add3A_23, %dma_wait3A_96] : memref<10240x64xf32, #tpu.memory_space<vmem_shared>> -> memref<128x64xf32, #tpu.memory_space<vmem_shared>>
      %dma_wait3A_98 = arith.constant 0 : i32
      %dma_wait3A_99 = tpu.memref_slice %arg12[%add3A_23, %dma_wait3A_98] : memref<10240x64xf32, #tpu.memory_space<vmem_shared>> -> memref<128x64xf32, #tpu.memory_space<vmem_shared>>
      tpu.wait_dma2 semaphore(%run_scoped3A : memref<!tpu.dma_semaphore, #tpu.memory_space<semaphore_mem>>) src(%arg8 : memref<128x64xf32, #tpu.memory_space<vmem>>) dst(%dma_wait3A_99 : memref<128x64xf32, #tpu.memory_space<vmem_shared>>)
      tpu.yield
    }) : () -> ()
    %barrier3A = arith.constant 0 : index
    tpu.barrier barrier_id(%barrier3A)
    %dma_start3A = arith.constant 0 : i32
    %dma_start3A_24 = arith.constant 0 : i32
    %dma_start3A_25 = tpu.memref_slice %arg7[%dma_start3A, %dma_start3A_24] : memref<160x128xi32, #tpu.memory_space<vmem>> -> memref<1x128xi32, #tpu.memory_space<vmem>>
    %dma_start3A_26 = tpu.memref_squeeze %dma_start3A_25 : memref<1x128xi32, #tpu.memory_space<vmem>> -> memref<128xi32, #tpu.memory_space<vmem>>
    %dma_start3A_27 = arith.constant 0 : i32
    %dma_start3A_28 = arith.constant 0 : i32
    %dma_start3A_29 = tpu.memref_slice %arg12[%dma_start3A_27, %dma_start3A_28] : memref<10240x64xf32, #tpu.memory_space<vmem_shared>> -> memref<10240x64xf32, #tpu.memory_space<vmem_shared>>
    tpu.enqueue_indirect_dma source(%arg9 : memref<128x64xf32, #tpu.memory_space<vmem>>) target(%dma_start3A_29 : memref<10240x64xf32, #tpu.memory_space<vmem_shared>>) offsets(%dma_start3A_26 : memref<128xi32, #tpu.memory_space<vmem>>) semaphore(%arg18 : memref<!tpu.dma_semaphore, #tpu.memory_space<semaphore_mem>>) {add = true}
    %dma_start3A_30 = arith.constant 0 : i32
    %dma_start3A_31 = arith.constant 0 : i32
    %dma_start3A_32 = tpu.memref_slice %arg7[%dma_start3A_30, %dma_start3A_31] : memref<160x128xi32, #tpu.memory_space<vmem>> -> memref<1x128xi32, #tpu.memory_space<vmem>>
    %dma_start3A_33 = tpu.memref_squeeze %dma_start3A_32 : memref<1x128xi32, #tpu.memory_space<vmem>> -> memref<128xi32, #tpu.memory_space<vmem>>
    %dma_start3A_34 = arith.constant 0 : i32
    %dma_start3A_35 = arith.constant 0 : i32
    %dma_start3A_36 = tpu.memref_slice %arg12[%dma_start3A_34, %dma_start3A_35] : memref<10240x64xf32, #tpu.memory_space<vmem_shared>> -> memref<10240x64xf32, #tpu.memory_space<vmem_shared>>
    tpu.enqueue_indirect_dma source(%arg11 : memref<128x64xf32, #tpu.memory_space<vmem>>) target(%dma_start3A_36 : memref<10240x64xf32, #tpu.memory_space<vmem_shared>>) offsets(%dma_start3A_33 : memref<128xi32, #tpu.memory_space<vmem>>) semaphore(%arg20 : memref<!tpu.dma_semaphore, #tpu.memory_space<semaphore_mem>>) {add = true}
    %dma_start3A_37 = arith.constant 0 : i32
    %dma_start3A_38 = arith.constant 0 : i32
    %dma_start3A_39 = tpu.memref_slice %arg6[%dma_start3A_37, %dma_start3A_38] : memref<160x128xi32, #tpu.memory_space<vmem>> -> memref<1x128xi32, #tpu.memory_space<vmem>>
    %dma_start3A_40 = tpu.memref_squeeze %dma_start3A_39 : memref<1x128xi32, #tpu.memory_space<vmem>> -> memref<128xi32, #tpu.memory_space<vmem>>
    %dma_start3A_41 = arith.constant 0 : i32
    %dma_start3A_42 = arith.constant 0 : i32
    %dma_start3A_43 = tpu.memref_slice %arg4[%dma_start3A_41, %dma_start3A_42] : memref<20480x64xf32, #tpu.memory_space<hbm>> -> memref<20480x64xf32, #tpu.memory_space<hbm>>
    tpu.enqueue_indirect_dma source(%dma_start3A_43 : memref<20480x64xf32, #tpu.memory_space<hbm>>) target(%arg8 : memref<128x64xf32, #tpu.memory_space<vmem>>) offsets(%dma_start3A_40 : memref<128xi32, #tpu.memory_space<vmem>>) semaphore(%arg13 : memref<!tpu.dma_semaphore, #tpu.memory_space<semaphore_mem>>)
    %dma_start3A_44 = arith.constant 1 : i32
    %dma_start3A_45 = arith.constant 0 : i32
    %dma_start3A_46 = tpu.memref_slice %arg6[%dma_start3A_44, %dma_start3A_45] : memref<160x128xi32, #tpu.memory_space<vmem>> -> memref<1x128xi32, #tpu.memory_space<vmem>>
    %dma_start3A_47 = tpu.memref_squeeze %dma_start3A_46 : memref<1x128xi32, #tpu.memory_space<vmem>> -> memref<128xi32, #tpu.memory_space<vmem>>
    %dma_start3A_48 = arith.constant 0 : i32
    %dma_start3A_49 = arith.constant 0 : i32
    %dma_start3A_50 = tpu.memref_slice %arg4[%dma_start3A_48, %dma_start3A_49] : memref<20480x64xf32, #tpu.memory_space<hbm>> -> memref<20480x64xf32, #tpu.memory_space<hbm>>
    tpu.enqueue_indirect_dma source(%dma_start3A_50 : memref<20480x64xf32, #tpu.memory_space<hbm>>) target(%arg10 : memref<128x64xf32, #tpu.memory_space<vmem>>) offsets(%dma_start3A_47 : memref<128xi32, #tpu.memory_space<vmem>>) semaphore(%arg15 : memref<!tpu.dma_semaphore, #tpu.memory_space<semaphore_mem>>)
    %scan3A_51 = arith.constant 0 : i32
    %scan3A_52 = arith.constant 0 : i32
    %scan3A_53 = arith.constant 40 : i32
    %scan3A_54 = arith.addi %scan3A_52, %scan3A_53 : i32
    %scan3A_55 = arith.constant 1 : i32
    scf.for %scan3A_92 = %scan3A_52 to %scan3A_54 step %scan3A_55  : i32 {
      %mul3A_93 = arith.constant 4 : i32
      %mul3A_94 = arith.muli %mul3A_93, %scan3A_92 : i32
      %dma_wait3A_95 = arith.constant 0 : i32
      %dma_wait3A_96 = tpu.memref_slice %arg6[%mul3A_94, %dma_wait3A_95] : memref<160x128xi32, #tpu.memory_space<vmem>> -> memref<1x128xi32, #tpu.memory_space<vmem>>
      %dma_wait3A_97 = tpu.memref_squeeze %dma_wait3A_96 : memref<1x128xi32, #tpu.memory_space<vmem>> -> memref<128xi32, #tpu.memory_space<vmem>>
      %dma_wait3A_98 = arith.constant 0 : i32
      %dma_wait3A_99 = arith.constant 0 : i32
      %dma_wait3A_100 = tpu.memref_slice %arg4[%dma_wait3A_98, %dma_wait3A_99] : memref<20480x64xf32, #tpu.memory_space<hbm>> -> memref<20480x64xf32, #tpu.memory_space<hbm>>
      tpu.wait_indirect_dma semaphore(%arg13 : memref<!tpu.dma_semaphore, #tpu.memory_space<semaphore_mem>>) src(%dma_wait3A_100 : memref<20480x64xf32, #tpu.memory_space<hbm>>) dst(%arg8 : memref<128x64xf32, #tpu.memory_space<vmem>>)
      %dma_start3A_101 = arith.constant 0 : i32
      %dma_start3A_102 = tpu.memref_slice %arg7[%mul3A_94, %dma_start3A_101] : memref<160x128xi32, #tpu.memory_space<vmem>> -> memref<1x128xi32, #tpu.memory_space<vmem>>
      %dma_start3A_103 = tpu.memref_squeeze %dma_start3A_102 : memref<1x128xi32, #tpu.memory_space<vmem>> -> memref<128xi32, #tpu.memory_space<vmem>>
      %dma_start3A_104 = arith.constant 0 : i32
      %dma_start3A_105 = arith.constant 0 : i32
      %dma_start3A_106 = tpu.memref_slice %arg12[%dma_start3A_104, %dma_start3A_105] : memref<10240x64xf32, #tpu.memory_space<vmem_shared>> -> memref<10240x64xf32, #tpu.memory_space<vmem_shared>>
      tpu.enqueue_indirect_dma source(%arg8 : memref<128x64xf32, #tpu.memory_space<vmem>>) target(%dma_start3A_106 : memref<10240x64xf32, #tpu.memory_space<vmem_shared>>) offsets(%dma_start3A_103 : memref<128xi32, #tpu.memory_space<vmem>>) semaphore(%arg17 : memref<!tpu.dma_semaphore, #tpu.memory_space<semaphore_mem>>) {add = true}
      %dma_wait3A_107 = arith.constant 0 : i32
      %dma_wait3A_108 = arith.constant 0 : i32
      %dma_wait3A_109 = tpu.memref_slice %arg6[%dma_wait3A_107, %dma_wait3A_108] : memref<160x128xi32, #tpu.memory_space<vmem>> -> memref<1x128xi32, #tpu.memory_space<vmem>>
      %dma_wait3A_110 = tpu.memref_squeeze %dma_wait3A_109 : memref<1x128xi32, #tpu.memory_space<vmem>> -> memref<128xi32, #tpu.memory_space<vmem>>
      %dma_wait3A_111 = arith.constant 0 : i32
      %dma_wait3A_112 = arith.constant 0 : i32
      %dma_wait3A_113 = tpu.memref_slice %arg4[%dma_wait3A_111, %dma_wait3A_112] : memref<20480x64xf32, #tpu.memory_space<hbm>> -> memref<20480x64xf32, #tpu.memory_space<hbm>>
      tpu.wait_indirect_dma semaphore(%arg15 : memref<!tpu.dma_semaphore, #tpu.memory_space<semaphore_mem>>) src(%dma_wait3A_113 : memref<20480x64xf32, #tpu.memory_space<hbm>>) dst(%arg10 : memref<128x64xf32, #tpu.memory_space<vmem>>)
      %add3A_114 = arith.constant 1 : i32
      %add3A_115 = arith.addi %mul3A_94, %add3A_114 : i32
      %dma_start3A_116 = arith.constant 0 : i32
      %dma_start3A_117 = tpu.memref_slice %arg7[%add3A_115, %dma_start3A_116] : memref<160x128xi32, #tpu.memory_space<vmem>> -> memref<1x128xi32, #tpu.memory_space<vmem>>
      %dma_start3A_118 = tpu.memref_squeeze %dma_start3A_117 : memref<1x128xi32, #tpu.memory_space<vmem>> -> memref<128xi32, #tpu.memory_space<vmem>>
      %dma_start3A_119 = arith.constant 0 : i32
      %dma_start3A_120 = arith.constant 0 : i32
      %dma_start3A_121 = tpu.memref_slice %arg12[%dma_start3A_119, %dma_start3A_120] : memref<10240x64xf32, #tpu.memory_space<vmem_shared>> -> memref<10240x64xf32, #tpu.memory_space<vmem_shared>>
      tpu.enqueue_indirect_dma source(%arg10 : memref<128x64xf32, #tpu.memory_space<vmem>>) target(%dma_start3A_121 : memref<10240x64xf32, #tpu.memory_space<vmem_shared>>) offsets(%dma_start3A_118 : memref<128xi32, #tpu.memory_space<vmem>>) semaphore(%arg19 : memref<!tpu.dma_semaphore, #tpu.memory_space<semaphore_mem>>) {add = true}
      %dma_wait3A_122 = arith.constant 0 : i32
      %dma_wait3A_123 = arith.constant 0 : i32
      %dma_wait3A_124 = tpu.memref_slice %arg7[%dma_wait3A_122, %dma_wait3A_123] : memref<160x128xi32, #tpu.memory_space<vmem>> -> memref<1x128xi32, #tpu.memory_space<vmem>>
      %dma_wait3A_125 = tpu.memref_squeeze %dma_wait3A_124 : memref<1x128xi32, #tpu.memory_space<vmem>> -> memref<128xi32, #tpu.memory_space<vmem>>
      %dma_wait3A_126 = arith.constant 0 : i32
      %dma_wait3A_127 = arith.constant 0 : i32
      %dma_wait3A_128 = tpu.memref_slice %arg12[%dma_wait3A_126, %dma_wait3A_127] : memref<10240x64xf32, #tpu.memory_space<vmem_shared>> -> memref<10240x64xf32, #tpu.memory_space<vmem_shared>>
      tpu.wait_indirect_dma semaphore(%arg18 : memref<!tpu.dma_semaphore, #tpu.memory_space<semaphore_mem>>) src(%arg9 : memref<128x64xf32, #tpu.memory_space<vmem>>) dst(%dma_wait3A_128 : memref<10240x64xf32, #tpu.memory_space<vmem_shared>>)
      %add3A_129 = arith.constant 2 : i32
      %add3A_130 = arith.addi %mul3A_94, %add3A_129 : i32
      %dma_start3A_131 = arith.constant 0 : i32
      %dma_start3A_132 = tpu.memref_slice %arg6[%add3A_130, %dma_start3A_131] : memref<160x128xi32, #tpu.memory_space<vmem>> -> memref<1x128xi32, #tpu.memory_space<vmem>>
      %dma_start3A_133 = tpu.memref_squeeze %dma_start3A_132 : memref<1x128xi32, #tpu.memory_space<vmem>> -> memref<128xi32, #tpu.memory_space<vmem>>
      %dma_start3A_134 = arith.constant 0 : i32
      %dma_start3A_135 = arith.constant 0 : i32
      %dma_start3A_136 = tpu.memref_slice %arg4[%dma_start3A_134, %dma_start3A_135] : memref<20480x64xf32, #tpu.memory_space<hbm>> -> memref<20480x64xf32, #tpu.memory_space<hbm>>
      tpu.enqueue_indirect_dma source(%dma_start3A_136 : memref<20480x64xf32, #tpu.memory_space<hbm>>) target(%arg9 : memref<128x64xf32, #tpu.memory_space<vmem>>) offsets(%dma_start3A_133 : memref<128xi32, #tpu.memory_space<vmem>>) semaphore(%arg14 : memref<!tpu.dma_semaphore, #tpu.memory_space<semaphore_mem>>)
      %dma_wait3A_137 = arith.constant 0 : i32
      %dma_wait3A_138 = arith.constant 0 : i32
      %dma_wait3A_139 = tpu.memref_slice %arg7[%dma_wait3A_137, %dma_wait3A_138] : memref<160x128xi32, #tpu.memory_space<vmem>> -> memref<1x128xi32, #tpu.memory_space<vmem>>
      %dma_wait3A_140 = tpu.memref_squeeze %dma_wait3A_139 : memref<1x128xi32, #tpu.memory_space<vmem>> -> memref<128xi32, #tpu.memory_space<vmem>>
      %dma_wait3A_141 = arith.constant 0 : i32
      %dma_wait3A_142 = arith.constant 0 : i32
      %dma_wait3A_143 = tpu.memref_slice %arg12[%dma_wait3A_141, %dma_wait3A_142] : memref<10240x64xf32, #tpu.memory_space<vmem_shared>> -> memref<10240x64xf32, #tpu.memory_space<vmem_shared>>
      tpu.wait_indirect_dma semaphore(%arg20 : memref<!tpu.dma_semaphore, #tpu.memory_space<semaphore_mem>>) src(%arg11 : memref<128x64xf32, #tpu.memory_space<vmem>>) dst(%dma_wait3A_143 : memref<10240x64xf32, #tpu.memory_space<vmem_shared>>)
      %add3A_144 = arith.constant 3 : i32
      %add3A_145 = arith.addi %mul3A_94, %add3A_144 : i32
      %dma_start3A_146 = arith.constant 0 : i32
      %dma_start3A_147 = tpu.memref_slice %arg6[%add3A_145, %dma_start3A_146] : memref<160x128xi32, #tpu.memory_space<vmem>> -> memref<1x128xi32, #tpu.memory_space<vmem>>
      %dma_start3A_148 = tpu.memref_squeeze %dma_start3A_147 : memref<1x128xi32, #tpu.memory_space<vmem>> -> memref<128xi32, #tpu.memory_space<vmem>>
      %dma_start3A_149 = arith.constant 0 : i32
      %dma_start3A_150 = arith.constant 0 : i32
      %dma_start3A_151 = tpu.memref_slice %arg4[%dma_start3A_149, %dma_start3A_150] : memref<20480x64xf32, #tpu.memory_space<hbm>> -> memref<20480x64xf32, #tpu.memory_space<hbm>>
      tpu.enqueue_indirect_dma source(%dma_start3A_151 : memref<20480x64xf32, #tpu.memory_space<hbm>>) target(%arg11 : memref<128x64xf32, #tpu.memory_space<vmem>>) offsets(%dma_start3A_148 : memref<128xi32, #tpu.memory_space<vmem>>) semaphore(%arg16 : memref<!tpu.dma_semaphore, #tpu.memory_space<semaphore_mem>>)
      %dma_wait3A_152 = arith.constant 0 : i32
      %dma_wait3A_153 = arith.constant 0 : i32
      %dma_wait3A_154 = tpu.memref_slice %arg6[%dma_wait3A_152, %dma_wait3A_153] : memref<160x128xi32, #tpu.memory_space<vmem>> -> memref<1x128xi32, #tpu.memory_space<vmem>>
      %dma_wait3A_155 = tpu.memref_squeeze %dma_wait3A_154 : memref<1x128xi32, #tpu.memory_space<vmem>> -> memref<128xi32, #tpu.memory_space<vmem>>
      %dma_wait3A_156 = arith.constant 0 : i32
      %dma_wait3A_157 = arith.constant 0 : i32
      %dma_wait3A_158 = tpu.memref_slice %arg4[%dma_wait3A_156, %dma_wait3A_157] : memref<20480x64xf32, #tpu.memory_space<hbm>> -> memref<20480x64xf32, #tpu.memory_space<hbm>>
      tpu.wait_indirect_dma semaphore(%arg14 : memref<!tpu.dma_semaphore, #tpu.memory_space<semaphore_mem>>) src(%dma_wait3A_158 : memref<20480x64xf32, #tpu.memory_space<hbm>>) dst(%arg9 : memref<128x64xf32, #tpu.memory_space<vmem>>)
      %add3A_159 = arith.constant 2 : i32
      %add3A_160 = arith.addi %mul3A_94, %add3A_159 : i32
      %dma_start3A_161 = arith.constant 0 : i32
      %dma_start3A_162 = tpu.memref_slice %arg7[%add3A_160, %dma_start3A_161] : memref<160x128xi32, #tpu.memory_space<vmem>> -> memref<1x128xi32, #tpu.memory_space<vmem>>
      %dma_start3A_163 = tpu.memref_squeeze %dma_start3A_162 : memref<1x128xi32, #tpu.memory_space<vmem>> -> memref<128xi32, #tpu.memory_space<vmem>>
      %dma_start3A_164 = arith.constant 0 : i32
      %dma_start3A_165 = arith.constant 0 : i32
      %dma_start3A_166 = tpu.memref_slice %arg12[%dma_start3A_164, %dma_start3A_165] : memref<10240x64xf32, #tpu.memory_space<vmem_shared>> -> memref<10240x64xf32, #tpu.memory_space<vmem_shared>>
      tpu.enqueue_indirect_dma source(%arg9 : memref<128x64xf32, #tpu.memory_space<vmem>>) target(%dma_start3A_166 : memref<10240x64xf32, #tpu.memory_space<vmem_shared>>) offsets(%dma_start3A_163 : memref<128xi32, #tpu.memory_space<vmem>>) semaphore(%arg18 : memref<!tpu.dma_semaphore, #tpu.memory_space<semaphore_mem>>) {add = true}
      %dma_wait3A_167 = arith.constant 0 : i32
      %dma_wait3A_168 = arith.constant 0 : i32
      %dma_wait3A_169 = tpu.memref_slice %arg6[%dma_wait3A_167, %dma_wait3A_168] : memref<160x128xi32, #tpu.memory_space<vmem>> -> memref<1x128xi32, #tpu.memory_space<vmem>>
      %dma_wait3A_170 = tpu.memref_squeeze %dma_wait3A_169 : memref<1x128xi32, #tpu.memory_space<vmem>> -> memref<128xi32, #tpu.memory_space<vmem>>
      %dma_wait3A_171 = arith.constant 0 : i32
      %dma_wait3A_172 = arith.constant 0 : i32
      %dma_wait3A_173 = tpu.memref_slice %arg4[%dma_wait3A_171, %dma_wait3A_172] : memref<20480x64xf32, #tpu.memory_space<hbm>> -> memref<20480x64xf32, #tpu.memory_space<hbm>>
      tpu.wait_indirect_dma semaphore(%arg16 : memref<!tpu.dma_semaphore, #tpu.memory_space<semaphore_mem>>) src(%dma_wait3A_173 : memref<20480x64xf32, #tpu.memory_space<hbm>>) dst(%arg11 : memref<128x64xf32, #tpu.memory_space<vmem>>)
      %add3A_174 = arith.constant 3 : i32
      %add3A_175 = arith.addi %mul3A_94, %add3A_174 : i32
      %dma_start3A_176 = arith.constant 0 : i32
      %dma_start3A_177 = tpu.memref_slice %arg7[%add3A_175, %dma_start3A_176] : memref<160x128xi32, #tpu.memory_space<vmem>> -> memref<1x128xi32, #tpu.memory_space<vmem>>
      %dma_start3A_178 = tpu.memref_squeeze %dma_start3A_177 : memref<1x128xi32, #tpu.memory_space<vmem>> -> memref<128xi32, #tpu.memory_space<vmem>>
      %dma_start3A_179 = arith.constant 0 : i32
      %dma_start3A_180 = arith.constant 0 : i32
      %dma_start3A_181 = tpu.memref_slice %arg12[%dma_start3A_179, %dma_start3A_180] : memref<10240x64xf32, #tpu.memory_space<vmem_shared>> -> memref<10240x64xf32, #tpu.memory_space<vmem_shared>>
      tpu.enqueue_indirect_dma source(%arg11 : memref<128x64xf32, #tpu.memory_space<vmem>>) target(%dma_start3A_181 : memref<10240x64xf32, #tpu.memory_space<vmem_shared>>) offsets(%dma_start3A_178 : memref<128xi32, #tpu.memory_space<vmem>>) semaphore(%arg20 : memref<!tpu.dma_semaphore, #tpu.memory_space<semaphore_mem>>) {add = true}
      %dma_wait3A_182 = arith.constant 0 : i32
      %dma_wait3A_183 = arith.constant 0 : i32
      %dma_wait3A_184 = tpu.memref_slice %arg7[%dma_wait3A_182, %dma_wait3A_183] : memref<160x128xi32, #tpu.memory_space<vmem>> -> memref<1x128xi32, #tpu.memory_space<vmem>>
      %dma_wait3A_185 = tpu.memref_squeeze %dma_wait3A_184 : memref<1x128xi32, #tpu.memory_space<vmem>> -> memref<128xi32, #tpu.memory_space<vmem>>
      %dma_wait3A_186 = arith.constant 0 : i32
      %dma_wait3A_187 = arith.constant 0 : i32
      %dma_wait3A_188 = tpu.memref_slice %arg12[%dma_wait3A_186, %dma_wait3A_187] : memref<10240x64xf32, #tpu.memory_space<vmem_shared>> -> memref<10240x64xf32, #tpu.memory_space<vmem_shared>>
      tpu.wait_indirect_dma semaphore(%arg17 : memref<!tpu.dma_semaphore, #tpu.memory_space<semaphore_mem>>) src(%arg8 : memref<128x64xf32, #tpu.memory_space<vmem>>) dst(%dma_wait3A_188 : memref<10240x64xf32, #tpu.memory_space<vmem_shared>>)
      %add3A_189 = arith.constant 4 : i32
      %add3A_190 = arith.addi %mul3A_94, %add3A_189 : i32
      %rem3A = arith.constant 160 : i32
      %rem3A_191 = arith.remsi %add3A_190, %rem3A : i32
      %dma_start3A_192 = arith.constant 0 : i32
      %dma_start3A_193 = tpu.memref_slice %arg6[%rem3A_191, %dma_start3A_192] : memref<160x128xi32, #tpu.memory_space<vmem>> -> memref<1x128xi32, #tpu.memory_space<vmem>>
      %dma_start3A_194 = tpu.memref_squeeze %dma_start3A_193 : memref<1x128xi32, #tpu.memory_space<vmem>> -> memref<128xi32, #tpu.memory_space<vmem>>
      %dma_start3A_195 = arith.constant 0 : i32
      %dma_start3A_196 = arith.constant 0 : i32
      %dma_start3A_197 = tpu.memref_slice %arg4[%dma_start3A_195, %dma_start3A_196] : memref<20480x64xf32, #tpu.memory_space<hbm>> -> memref<20480x64xf32, #tpu.memory_space<hbm>>
      tpu.enqueue_indirect_dma source(%dma_start3A_197 : memref<20480x64xf32, #tpu.memory_space<hbm>>) target(%arg8 : memref<128x64xf32, #tpu.memory_space<vmem>>) offsets(%dma_start3A_194 : memref<128xi32, #tpu.memory_space<vmem>>) semaphore(%arg13 : memref<!tpu.dma_semaphore, #tpu.memory_space<semaphore_mem>>)
      %dma_wait3A_198 = arith.constant 0 : i32
      %dma_wait3A_199 = arith.constant 0 : i32
      %dma_wait3A_200 = tpu.memref_slice %arg7[%dma_wait3A_198, %dma_wait3A_199] : memref<160x128xi32, #tpu.memory_space<vmem>> -> memref<1x128xi32, #tpu.memory_space<vmem>>
      %dma_wait3A_201 = tpu.memref_squeeze %dma_wait3A_200 : memref<1x128xi32, #tpu.memory_space<vmem>> -> memref<128xi32, #tpu.memory_space<vmem>>
      %dma_wait3A_202 = arith.constant 0 : i32
      %dma_wait3A_203 = arith.constant 0 : i32
      %dma_wait3A_204 = tpu.memref_slice %arg12[%dma_wait3A_202, %dma_wait3A_203] : memref<10240x64xf32, #tpu.memory_space<vmem_shared>> -> memref<10240x64xf32, #tpu.memory_space<vmem_shared>>
      tpu.wait_indirect_dma semaphore(%arg19 : memref<!tpu.dma_semaphore, #tpu.memory_space<semaphore_mem>>) src(%arg10 : memref<128x64xf32, #tpu.memory_space<vmem>>) dst(%dma_wait3A_204 : memref<10240x64xf32, #tpu.memory_space<vmem_shared>>)
      %add3A_205 = arith.constant 5 : i32
      %add3A_206 = arith.addi %mul3A_94, %add3A_205 : i32
      %rem3A_207 = arith.constant 160 : i32
      %rem3A_208 = arith.remsi %add3A_206, %rem3A_207 : i32
      %dma_start3A_209 = arith.constant 0 : i32
      %dma_start3A_210 = tpu.memref_slice %arg6[%rem3A_208, %dma_start3A_209] : memref<160x128xi32, #tpu.memory_space<vmem>> -> memref<1x128xi32, #tpu.memory_space<vmem>>
      %dma_start3A_211 = tpu.memref_squeeze %dma_start3A_210 : memref<1x128xi32, #tpu.memory_space<vmem>> -> memref<128xi32, #tpu.memory_space<vmem>>
      %dma_start3A_212 = arith.constant 0 : i32
      %dma_start3A_213 = arith.constant 0 : i32
      %dma_start3A_214 = tpu.memref_slice %arg4[%dma_start3A_212, %dma_start3A_213] : memref<20480x64xf32, #tpu.memory_space<hbm>> -> memref<20480x64xf32, #tpu.memory_space<hbm>>
      tpu.enqueue_indirect_dma source(%dma_start3A_214 : memref<20480x64xf32, #tpu.memory_space<hbm>>) target(%arg10 : memref<128x64xf32, #tpu.memory_space<vmem>>) offsets(%dma_start3A_211 : memref<128xi32, #tpu.memory_space<vmem>>) semaphore(%arg15 : memref<!tpu.dma_semaphore, #tpu.memory_space<semaphore_mem>>)
    }
    %scan3A_56 = arith.constant 40 : i32
    %dma_wait3A = arith.constant 0 : i32
    %dma_wait3A_57 = arith.constant 0 : i32
    %dma_wait3A_58 = tpu.memref_slice %arg6[%dma_wait3A, %dma_wait3A_57] : memref<160x128xi32, #tpu.memory_space<vmem>> -> memref<1x128xi32, #tpu.memory_space<vmem>>
    %dma_wait3A_59 = tpu.memref_squeeze %dma_wait3A_58 : memref<1x128xi32, #tpu.memory_space<vmem>> -> memref<128xi32, #tpu.memory_space<vmem>>
    %dma_wait3A_60 = arith.constant 0 : i32
    %dma_wait3A_61 = arith.constant 0 : i32
    %dma_wait3A_62 = tpu.memref_slice %arg4[%dma_wait3A_60, %dma_wait3A_61] : memref<20480x64xf32, #tpu.memory_space<hbm>> -> memref<20480x64xf32, #tpu.memory_space<hbm>>
    tpu.wait_indirect_dma semaphore(%arg13 : memref<!tpu.dma_semaphore, #tpu.memory_space<semaphore_mem>>) src(%dma_wait3A_62 : memref<20480x64xf32, #tpu.memory_space<hbm>>) dst(%arg8 : memref<128x64xf32, #tpu.memory_space<vmem>>)
    %dma_wait3A_63 = arith.constant 0 : i32
    %dma_wait3A_64 = arith.constant 0 : i32
    %dma_wait3A_65 = tpu.memref_slice %arg6[%dma_wait3A_63, %dma_wait3A_64] : memref<160x128xi32, #tpu.memory_space<vmem>> -> memref<1x128xi32, #tpu.memory_space<vmem>>
    %dma_wait3A_66 = tpu.memref_squeeze %dma_wait3A_65 : memref<1x128xi32, #tpu.memory_space<vmem>> -> memref<128xi32, #tpu.memory_space<vmem>>
    %dma_wait3A_67 = arith.constant 0 : i32
    %dma_wait3A_68 = arith.constant 0 : i32
    %dma_wait3A_69 = tpu.memref_slice %arg4[%dma_wait3A_67, %dma_wait3A_68] : memref<20480x64xf32, #tpu.memory_space<hbm>> -> memref<20480x64xf32, #tpu.memory_space<hbm>>
    tpu.wait_indirect_dma semaphore(%arg15 : memref<!tpu.dma_semaphore, #tpu.memory_space<semaphore_mem>>) src(%dma_wait3A_69 : memref<20480x64xf32, #tpu.memory_space<hbm>>) dst(%arg10 : memref<128x64xf32, #tpu.memory_space<vmem>>)
    %dma_wait3A_70 = arith.constant 0 : i32
    %dma_wait3A_71 = arith.constant 0 : i32
    %dma_wait3A_72 = tpu.memref_slice %arg7[%dma_wait3A_70, %dma_wait3A_71] : memref<160x128xi32, #tpu.memory_space<vmem>> -> memref<1x128xi32, #tpu.memory_space<vmem>>
    %dma_wait3A_73 = tpu.memref_squeeze %dma_wait3A_72 : memref<1x128xi32, #tpu.memory_space<vmem>> -> memref<128xi32, #tpu.memory_space<vmem>>
    %dma_wait3A_74 = arith.constant 0 : i32
    %dma_wait3A_75 = arith.constant 0 : i32
    %dma_wait3A_76 = tpu.memref_slice %arg12[%dma_wait3A_74, %dma_wait3A_75] : memref<10240x64xf32, #tpu.memory_space<vmem_shared>> -> memref<10240x64xf32, #tpu.memory_space<vmem_shared>>
    tpu.wait_indirect_dma semaphore(%arg18 : memref<!tpu.dma_semaphore, #tpu.memory_space<semaphore_mem>>) src(%arg9 : memref<128x64xf32, #tpu.memory_space<vmem>>) dst(%dma_wait3A_76 : memref<10240x64xf32, #tpu.memory_space<vmem_shared>>)
    %dma_wait3A_77 = arith.constant 0 : i32
    %dma_wait3A_78 = arith.constant 0 : i32
    %dma_wait3A_79 = tpu.memref_slice %arg7[%dma_wait3A_77, %dma_wait3A_78] : memref<160x128xi32, #tpu.memory_space<vmem>> -> memref<1x128xi32, #tpu.memory_space<vmem>>
    %dma_wait3A_80 = tpu.memref_squeeze %dma_wait3A_79 : memref<1x128xi32, #tpu.memory_space<vmem>> -> memref<128xi32, #tpu.memory_space<vmem>>
    %dma_wait3A_81 = arith.constant 0 : i32
    %dma_wait3A_82 = arith.constant 0 : i32
    %dma_wait3A_83 = tpu.memref_slice %arg12[%dma_wait3A_81, %dma_wait3A_82] : memref<10240x64xf32, #tpu.memory_space<vmem_shared>> -> memref<10240x64xf32, #tpu.memory_space<vmem_shared>>
    tpu.wait_indirect_dma semaphore(%arg20 : memref<!tpu.dma_semaphore, #tpu.memory_space<semaphore_mem>>) src(%arg11 : memref<128x64xf32, #tpu.memory_space<vmem>>) dst(%dma_wait3A_83 : memref<10240x64xf32, #tpu.memory_space<vmem_shared>>)
    %barrier3A_84 = arith.constant 0 : index
    tpu.barrier barrier_id(%barrier3A_84)
    %mul3A_85 = arith.constant 640 : i32
    %mul3A_86 = arith.muli %arg1, %mul3A_85 : i32
    %mul3A_87 = arith.constant 10240 : i32
    %mul3A_88 = arith.muli %arg0, %mul3A_87 : i32
    %mul3A_89 = arith.constant 640 : i32
    %mul3A_90 = arith.muli %arg1, %mul3A_89 : i32
    %add3A_91 = arith.addi %mul3A_88, %mul3A_90 : i32
    "tpu.region"() ({
      %run_scoped3A = tpu.sem_alloc : memref<!tpu.dma_semaphore, #tpu.memory_space<semaphore_mem>>
      %dma_start3A_92 = arith.constant 0 : i32
      %dma_start3A_93 = tpu.memref_slice %arg5[%add3A_91, %dma_start3A_92] : memref<20480x64xf32, #tpu.memory_space<hbm>> -> memref<640x64xf32, #tpu.memory_space<hbm>>
      %dma_start3A_94 = arith.constant 0 : i32
      %dma_start3A_95 = tpu.memref_slice %arg12[%mul3A_86, %dma_start3A_94] : memref<10240x64xf32, #tpu.memory_space<vmem_shared>> -> memref<640x64xf32, #tpu.memory_space<vmem_shared>>
      tpu.enqueue_dma source(%dma_start3A_95 : memref<640x64xf32, #tpu.memory_space<vmem_shared>>) target(%dma_start3A_93 : memref<640x64xf32, #tpu.memory_space<hbm>>) target_semaphore(%run_scoped3A : memref<!tpu.dma_semaphore, #tpu.memory_space<semaphore_mem>>)
      %dma_wait3A_96 = arith.constant 0 : i32
      %dma_wait3A_97 = tpu.memref_slice %arg5[%add3A_91, %dma_wait3A_96] : memref<20480x64xf32, #tpu.memory_space<hbm>> -> memref<640x64xf32, #tpu.memory_space<hbm>>
      %dma_wait3A_98 = arith.constant 0 : i32
      %dma_wait3A_99 = tpu.memref_slice %arg12[%mul3A_86, %dma_wait3A_98] : memref<10240x64xf32, #tpu.memory_space<vmem_shared>> -> memref<640x64xf32, #tpu.memory_space<vmem_shared>>
      tpu.wait_dma2 semaphore(%run_scoped3A : memref<!tpu.dma_semaphore, #tpu.memory_space<semaphore_mem>>) src(%dma_wait3A_99 : memref<640x64xf32, #tpu.memory_space<vmem_shared>>) dst(%dma_wait3A_97 : memref<640x64xf32, #tpu.memory_space<hbm>>)
      tpu.yield
    }) : () -> ()
    return
  }
}

module attributes {stable_mosaic.version = 14 : i64} {
  func.func @body(%arg0: i32, %arg1: i32, %arg2: memref<512x128xf32, #tpu.memory_space<vmem>>, %arg3: memref<1x128x64xf32, #tpu.memory_space<vmem>>, %arg4: memref<512x16xf32, #tpu.memory_space<vmem>>, %arg5: memref<512x16xf32, #tpu.memory_space<vmem>>, %arg6: memref<512x64xf32, #tpu.memory_space<vmem>>) attributes {dimension_semantics = [#tpu.dimension_semantics<arbitrary>, #tpu.dimension_semantics<arbitrary>], iteration_bounds = array<i64: 20, 2>, scalar_prefetch = 0 : i64, scratch_operands = 0 : i64, tpu.core_type = #tpu.core_type<tc>, window_params = [{transform_indices = @transform_0, window_bounds = array<i64: 512, 128>}, {transform_indices = @transform_1, window_bounds = array<i64: 1, 128, 64>}, {transform_indices = @transform_2, window_bounds = array<i64: 512, 16>}, {transform_indices = @transform_3, window_bounds = array<i64: 512, 16>}, {transform_indices = @transform_4, window_bounds = array<i64: 512, 64>}]} {
    %get3A = arith.constant 0 : index
    %get3A_0 = arith.constant 0 : index
    %get3A_1 = vector.load %arg4[%get3A, %get3A_0] : memref<512x16xf32, #tpu.memory_space<vmem>>, vector<512x1xf32>
    %get3A_2 = arith.constant 0 : index
    %get3A_3 = arith.constant 0 : index
    %get3A_4 = vector.load %arg5[%get3A_2, %get3A_3] : memref<512x16xf32, #tpu.memory_space<vmem>>, vector<512x1xf32>
    %add3A = arith.addf %get3A_1, %get3A_4 : vector<512x1xf32>
    %add3A_5 = arith.constant 1.000000e+00 : f32
    %add3A_6 = vector.broadcast %add3A_5 : f32 to vector<512x1xf32>
    %add3A_7 = arith.addf %add3A, %add3A_6 : vector<512x1xf32>
    %rsqrt3A = math.rsqrt %add3A_7 : vector<512x1xf32>
    %get3A_8 = arith.constant 0 : index
    %get3A_9 = arith.constant 0 : index
    %get3A_10 = vector.load %arg2[%get3A_8, %get3A_9] : memref<512x128xf32, #tpu.memory_space<vmem>>, vector<512x128xf32>
    %get3A_11 = arith.constant 0 : index
    %get3A_12 = arith.constant 0 : index
    %get3A_13 = arith.constant 0 : index
    %get3A_14 = vector.load %arg3[%get3A_11, %get3A_12, %get3A_13] : memref<1x128x64xf32, #tpu.memory_space<vmem>>, vector<1x128x64xf32>
    %get3A_15 = vector.shape_cast %get3A_14 : vector<1x128x64xf32> to vector<128x64xf32>
    %dot_general3A = arith.constant dense<0.000000e+00> : vector<512x64xf32>
    %dot_general3A_16 = tpu.matmul %get3A_10, %get3A_15, %dot_general3A {dimension_numbers = #tpu.dot_dimension_numbers<[1], [0], [0], [1], [0, 0, 1, 1], [], []>, transpose_lhs_hint = false} : vector<512x128xf32>, vector<128x64xf32>, vector<512x64xf32> -> vector<512x64xf32>
    %mul3A = vector.broadcast %rsqrt3A : vector<512x1xf32> to vector<512x64xf32>
    %mul3A_17 = arith.mulf %mul3A, %dot_general3A_16 : vector<512x64xf32>
    %swap3A = arith.constant 0 : index
    %swap3A_18 = arith.constant 0 : index
    %swap3A_19 = vector.load %arg6[%swap3A, %swap3A_18] : memref<512x64xf32, #tpu.memory_space<vmem>>, vector<512x64xf32>
    tpu.vector_store %arg6[%swap3A, %swap3A_18], %mul3A_17 {strides = array<i32>} : memref<512x64xf32, #tpu.memory_space<vmem>>, vector<512x64xf32>,
    return
  }
  func.func @transform_0(%arg0: i32, %arg1: i32) -> (i32, i32) {
    %c0_i32 = arith.constant 0 : i32
    %c0_i32_0 = arith.constant 0 : i32
    return %arg0, %c0_i32 : i32, i32
  }
  func.func @transform_1(%arg0: i32, %arg1: i32) -> (i32, i32, i32) {
    %c0_i32 = arith.constant 0 : i32
    %c0_i32_0 = arith.constant 0 : i32
    %c0_i32_1 = arith.constant 0 : i32
    return %arg1, %c0_i32, %c0_i32_0 : i32, i32, i32
  }
  func.func @transform_2(%arg0: i32, %arg1: i32) -> (i32, i32) {
    %c0_i32 = arith.constant 0 : i32
    %c0_i32_0 = arith.constant 0 : i32
    return %arg0, %c0_i32 : i32, i32
  }
  func.func @transform_3(%arg0: i32, %arg1: i32) -> (i32, i32) {
    %c0_i32 = arith.constant 0 : i32
    %c0_i32_0 = arith.constant 0 : i32
    return %arg0, %c0_i32 : i32, i32
  }
  func.func @transform_4(%arg0: i32, %arg1: i32) -> (i32, i32) {
    %mul3A = arith.constant 20 : i32
    %mul3A_0 = arith.muli %arg1, %mul3A : i32
    %add3A = arith.addi %mul3A_0, %arg0 : i32
    %c0_i32 = arith.constant 0 : i32
    %c0_i32_1 = arith.constant 0 : i32
    return %add3A, %c0_i32 : i32, i32
  }
}

module attributes {stable_mosaic.version = 14 : i64} {
  func.func @body(%arg0: i32, %arg1: i32, %arg2: memref<512x64xf32, #tpu.memory_space<vmem>>, %arg3: memref<512x64xf32, #tpu.memory_space<vmem>>, %arg4: memref<512x64xf32, #tpu.memory_space<vmem>>, %arg5: memref<512x64xf32, #tpu.memory_space<vmem>>, %arg6: memref<512x16xf32, #tpu.memory_space<vmem>>, %arg7: memref<512x16xf32, #tpu.memory_space<vmem>>, %arg8: memref<1x128xf32, #tpu.memory_space<vmem>>, %arg9: memref<1x128x32xf32, #tpu.memory_space<vmem>>, %arg10: memref<512x32xf32, #tpu.memory_space<vmem>>) attributes {dimension_semantics = [#tpu.dimension_semantics<arbitrary>, #tpu.dimension_semantics<arbitrary>], iteration_bounds = array<i64: 20, 2>, scalar_prefetch = 0 : i64, scratch_operands = 0 : i64, tpu.core_type = #tpu.core_type<tc>, window_params = [{transform_indices = @transform_0, window_bounds = array<i64: 512, 64>}, {transform_indices = @transform_1, window_bounds = array<i64: 512, 64>}, {transform_indices = @transform_2, window_bounds = array<i64: 512, 64>}, {transform_indices = @transform_3, window_bounds = array<i64: 512, 64>}, {transform_indices = @transform_4, window_bounds = array<i64: 512, 16>}, {transform_indices = @transform_5, window_bounds = array<i64: 512, 16>}, {pipeline_mode = #tpu.pipeline_mode<synchronous>, transform_indices = @transform_6, window_bounds = array<i64: 1, 128>}, {transform_indices = @transform_7, window_bounds = array<i64: 1, 128, 32>}, {transform_indices = @transform_8, window_bounds = array<i64: 512, 32>}]} {
    %get3A = arith.constant 0 : index
    %get3A_0 = arith.constant 0 : index
    %get3A_1 = vector.load %arg6[%get3A, %get3A_0] : memref<512x16xf32, #tpu.memory_space<vmem>>, vector<512x1xf32>
    %get3A_2 = arith.constant 0 : index
    %get3A_3 = arith.constant 0 : index
    %get3A_4 = vector.load %arg7[%get3A_2, %get3A_3] : memref<512x16xf32, #tpu.memory_space<vmem>>, vector<512x1xf32>
    %add3A = arith.addf %get3A_1, %get3A_4 : vector<512x1xf32>
    %add3A_5 = arith.constant 1.000000e+00 : f32
    %add3A_6 = vector.broadcast %add3A_5 : f32 to vector<512x1xf32>
    %add3A_7 = arith.addf %add3A, %add3A_6 : vector<512x1xf32>
    %rsqrt3A = math.rsqrt %add3A_7 : vector<512x1xf32>
    %get3A_8 = arith.constant 0 : index
    %get3A_9 = arith.constant 0 : index
    %get3A_10 = vector.load %arg2[%get3A_8, %get3A_9] : memref<512x64xf32, #tpu.memory_space<vmem>>, vector<512x64xf32>
    %get3A_11 = arith.constant 0 : index
    %get3A_12 = arith.constant 0 : index
    %get3A_13 = vector.load %arg4[%get3A_11, %get3A_12] : memref<512x64xf32, #tpu.memory_space<vmem>>, vector<512x64xf32>
    %add3A_14 = arith.addf %get3A_10, %get3A_13 : vector<512x64xf32>
    %get3A_15 = arith.constant 0 : index
    %get3A_16 = arith.constant 0 : index
    %get3A_17 = vector.load %arg3[%get3A_15, %get3A_16] : memref<512x64xf32, #tpu.memory_space<vmem>>, vector<512x64xf32>
    %get3A_18 = arith.constant 0 : index
    %get3A_19 = arith.constant 0 : index
    %get3A_20 = vector.load %arg5[%get3A_18, %get3A_19] : memref<512x64xf32, #tpu.memory_space<vmem>>, vector<512x64xf32>
    %add3A_21 = arith.addf %get3A_17, %get3A_20 : vector<512x64xf32>
    %concatenate3A = tpu.concatenate %add3A_14, %add3A_21 in 1 : vector<512x64xf32>, vector<512x64xf32> -> vector<512x128xf32>
    %mul3A = vector.broadcast %rsqrt3A : vector<512x1xf32> to vector<512x128xf32>
    %mul3A_22 = arith.mulf %mul3A, %concatenate3A : vector<512x128xf32>
    %get3A_23 = arith.constant 0 : index
    %get3A_24 = arith.constant 0 : index
    %get3A_25 = vector.load %arg8[%get3A_23, %get3A_24] : memref<1x128xf32, #tpu.memory_space<vmem>>, vector<1x128xf32>
    %add3A_26 = vector.broadcast %get3A_25 : vector<1x128xf32> to vector<512x128xf32>
    %add3A_27 = arith.addf %mul3A_22, %add3A_26 : vector<512x128xf32>
    %max3A = arith.constant 0.000000e+00 : f32
    %max3A_28 = vector.broadcast %max3A : f32 to vector<512x128xf32>
    %max3A_29 = arith.maximumf %add3A_27, %max3A_28 : vector<512x128xf32>
    %get3A_30 = arith.constant 0 : index
    %get3A_31 = arith.constant 0 : index
    %get3A_32 = arith.constant 0 : index
    %get3A_33 = vector.load %arg9[%get3A_30, %get3A_31, %get3A_32] : memref<1x128x32xf32, #tpu.memory_space<vmem>>, vector<1x128x32xf32>
    %get3A_34 = vector.shape_cast %get3A_33 : vector<1x128x32xf32> to vector<128x32xf32>
    %dot_general3A = arith.constant dense<0.000000e+00> : vector<512x32xf32>
    %dot_general3A_35 = tpu.matmul %max3A_29, %get3A_34, %dot_general3A {dimension_numbers = #tpu.dot_dimension_numbers<[1], [0], [0], [1], [0, 0, 1, 1], [], []>, transpose_lhs_hint = false} : vector<512x128xf32>, vector<128x32xf32>, vector<512x32xf32> -> vector<512x32xf32>
    %mul3A_36 = vector.broadcast %rsqrt3A : vector<512x1xf32> to vector<512x32xf32>
    %mul3A_37 = arith.mulf %mul3A_36, %dot_general3A_35 : vector<512x32xf32>
    %swap3A = arith.constant 0 : index
    %swap3A_38 = arith.constant 0 : index
    %swap3A_39 = vector.load %arg10[%swap3A, %swap3A_38] : memref<512x32xf32, #tpu.memory_space<vmem>>, vector<512x32xf32>
    tpu.vector_store %arg10[%swap3A, %swap3A_38], %mul3A_37 {strides = array<i32>} : memref<512x32xf32, #tpu.memory_space<vmem>>, vector<512x32xf32>,
    return
  }
  func.func @transform_0(%arg0: i32, %arg1: i32) -> (i32, i32) {
    %c0_i32 = arith.constant 0 : i32
    %c0_i32_0 = arith.constant 0 : i32
    return %arg0, %c0_i32 : i32, i32
  }
  func.func @transform_1(%arg0: i32, %arg1: i32) -> (i32, i32) {
    %add3A = arith.constant 20 : i32
    %add3A_0 = arith.addi %add3A, %arg0 : i32
    %c0_i32 = arith.constant 0 : i32
    %c0_i32_1 = arith.constant 0 : i32
    return %add3A_0, %c0_i32 : i32, i32
  }
  func.func @transform_2(%arg0: i32, %arg1: i32) -> (i32, i32) {
    %c0_i32 = arith.constant 0 : i32
    %c0_i32_0 = arith.constant 0 : i32
    return %arg0, %c0_i32 : i32, i32
  }
  func.func @transform_3(%arg0: i32, %arg1: i32) -> (i32, i32) {
    %add3A = arith.constant 20 : i32
    %add3A_0 = arith.addi %add3A, %arg0 : i32
    %c0_i32 = arith.constant 0 : i32
    %c0_i32_1 = arith.constant 0 : i32
    return %add3A_0, %c0_i32 : i32, i32
  }
  func.func @transform_4(%arg0: i32, %arg1: i32) -> (i32, i32) {
    %c0_i32 = arith.constant 0 : i32
    %c0_i32_0 = arith.constant 0 : i32
    return %arg0, %c0_i32 : i32, i32
  }
  func.func @transform_5(%arg0: i32, %arg1: i32) -> (i32, i32) {
    %c0_i32 = arith.constant 0 : i32
    %c0_i32_0 = arith.constant 0 : i32
    return %arg0, %c0_i32 : i32, i32
  }
  func.func @transform_6(%arg0: i32, %arg1: i32) -> (i32, i32) {
    %c0_i32 = arith.constant 0 : i32
    %c0_i32_0 = arith.constant 0 : i32
    %c0_i32_1 = arith.constant 0 : i32
    return %c0_i32, %c0_i32_0 : i32, i32
  }
  func.func @transform_7(%arg0: i32, %arg1: i32) -> (i32, i32, i32) {
    %c0_i32 = arith.constant 0 : i32
    %c0_i32_0 = arith.constant 0 : i32
    %c0_i32_1 = arith.constant 0 : i32
    return %arg1, %c0_i32, %c0_i32_0 : i32, i32, i32
  }
  func.func @transform_8(%arg0: i32, %arg1: i32) -> (i32, i32) {
    %mul3A = arith.constant 20 : i32
    %mul3A_0 = arith.muli %arg1, %mul3A : i32
    %add3A = arith.addi %mul3A_0, %arg0 : i32
    %c0_i32 = arith.constant 0 : i32
    %c0_i32_1 = arith.constant 0 : i32
    return %add3A, %c0_i32 : i32, i32
  }
}

module attributes {stable_mosaic.version = 14 : i64} {
  func.func @body(%arg0: i32, %arg1: memref<512x32xf32, #tpu.memory_space<vmem>>, %arg2: memref<512x32xf32, #tpu.memory_space<vmem>>, %arg3: memref<512x32xf32, #tpu.memory_space<vmem>>, %arg4: memref<512x32xf32, #tpu.memory_space<vmem>>, %arg5: memref<512x16xf32, #tpu.memory_space<vmem>>, %arg6: memref<512x16xf32, #tpu.memory_space<vmem>>, %arg7: memref<1x64xf32, #tpu.memory_space<vmem>>, %arg8: memref<1x512xi32, #tpu.memory_space<vmem>>, %arg9: memref<64x128xf32, #tpu.memory_space<vmem>>, %arg10: memref<1x1xf32, #tpu.memory_space<vmem>>, %arg11: memref<128x128xf32, #tpu.memory_space<vmem>>, %arg12: memref<128x128xf32, #tpu.memory_space<vmem>>) attributes {dimension_semantics = [#tpu.dimension_semantics<arbitrary>], iteration_bounds = array<i64: 20>, scalar_prefetch = 0 : i64, scratch_operands = 1 : i64, tpu.core_type = #tpu.core_type<tc>, window_params = [{transform_indices = @transform_0, window_bounds = array<i64: 512, 32>}, {transform_indices = @transform_1, window_bounds = array<i64: 512, 32>}, {transform_indices = @transform_2, window_bounds = array<i64: 512, 32>}, {transform_indices = @transform_3, window_bounds = array<i64: 512, 32>}, {transform_indices = @transform_4, window_bounds = array<i64: 512, 16>}, {transform_indices = @transform_5, window_bounds = array<i64: 512, 16>}, {pipeline_mode = #tpu.pipeline_mode<synchronous>, transform_indices = @transform_6, window_bounds = array<i64: 1, 64>}, {transform_indices = @transform_7, window_bounds = array<i64: 1, 512>}, {pipeline_mode = #tpu.pipeline_mode<synchronous>, transform_indices = @transform_8, window_bounds = array<i64: 64, 128>}, {pipeline_mode = #tpu.pipeline_mode<synchronous>, transform_indices = @transform_9, window_bounds = array<i64: 1, 1>}, {pipeline_mode = #tpu.pipeline_mode<synchronous>, transform_indices = @transform_10, window_bounds = array<i64: 128, 128>}]} {
    %eq3A = arith.constant 0 : i32
    %eq3A_0 = arith.cmpi eq, %arg0, %eq3A : i32
    %convert_element_type3A = arith.extui %eq3A_0 : i1 to i32
    %cond3A = arith.constant 0 : i32
    %cond3A_1 = arith.cmpi ne, %convert_element_type3A, %cond3A : i32
    scf.if %cond3A_1 {
      %broadcast_in_dim3A_57 = arith.constant 0.000000e+00 : f32
      %broadcast_in_dim3A_58 = vector.broadcast %broadcast_in_dim3A_57 : f32 to vector<128x128xf32>
      %swap3A_59 = arith.constant 0 : index
      %swap3A_60 = arith.constant 0 : index
      %swap3A_61 = vector.load %arg12[%swap3A_59, %swap3A_60] : memref<128x128xf32, #tpu.memory_space<vmem>>, vector<128x128xf32>
      tpu.vector_store %arg12[%swap3A_59, %swap3A_60], %broadcast_in_dim3A_58 {strides = array<i32>} : memref<128x128xf32, #tpu.memory_space<vmem>>, vector<128x128xf32>,
    } else {
    }
    %get3A = arith.constant 0 : index
    %get3A_2 = arith.constant 0 : index
    %get3A_3 = vector.load %arg5[%get3A, %get3A_2] : memref<512x16xf32, #tpu.memory_space<vmem>>, vector<512x1xf32>
    %get3A_4 = arith.constant 0 : index
    %get3A_5 = arith.constant 0 : index
    %get3A_6 = vector.load %arg6[%get3A_4, %get3A_5] : memref<512x16xf32, #tpu.memory_space<vmem>>, vector<512x1xf32>
    %add3A = arith.addf %get3A_3, %get3A_6 : vector<512x1xf32>
    %add3A_7 = arith.constant 1.000000e+00 : f32
    %add3A_8 = vector.broadcast %add3A_7 : f32 to vector<512x1xf32>
    %add3A_9 = arith.addf %add3A, %add3A_8 : vector<512x1xf32>
    %rsqrt3A = math.rsqrt %add3A_9 : vector<512x1xf32>
    %get3A_10 = arith.constant 0 : index
    %get3A_11 = arith.constant 0 : index
    %get3A_12 = vector.load %arg1[%get3A_10, %get3A_11] : memref<512x32xf32, #tpu.memory_space<vmem>>, vector<512x32xf32>
    %get3A_13 = arith.constant 0 : index
    %get3A_14 = arith.constant 0 : index
    %get3A_15 = vector.load %arg3[%get3A_13, %get3A_14] : memref<512x32xf32, #tpu.memory_space<vmem>>, vector<512x32xf32>
    %add3A_16 = arith.addf %get3A_12, %get3A_15 : vector<512x32xf32>
    %get3A_17 = arith.constant 0 : index
    %get3A_18 = arith.constant 0 : index
    %get3A_19 = vector.load %arg2[%get3A_17, %get3A_18] : memref<512x32xf32, #tpu.memory_space<vmem>>, vector<512x32xf32>
    %get3A_20 = arith.constant 0 : index
    %get3A_21 = arith.constant 0 : index
    %get3A_22 = vector.load %arg4[%get3A_20, %get3A_21] : memref<512x32xf32, #tpu.memory_space<vmem>>, vector<512x32xf32>
    %add3A_23 = arith.addf %get3A_19, %get3A_22 : vector<512x32xf32>
    %concatenate3A = tpu.concatenate %add3A_16, %add3A_23 in 1 : vector<512x32xf32>, vector<512x32xf32> -> vector<512x64xf32>
    %mul3A = vector.broadcast %rsqrt3A : vector<512x1xf32> to vector<512x64xf32>
    %mul3A_24 = arith.mulf %mul3A, %concatenate3A : vector<512x64xf32>
    %get3A_25 = arith.constant 0 : index
    %get3A_26 = arith.constant 0 : index
    %get3A_27 = vector.load %arg7[%get3A_25, %get3A_26] : memref<1x64xf32, #tpu.memory_space<vmem>>, vector<1x64xf32>
    %add3A_28 = vector.broadcast %get3A_27 : vector<1x64xf32> to vector<512x64xf32>
    %add3A_29 = arith.addf %mul3A_24, %add3A_28 : vector<512x64xf32>
    %iota3A = tpu.iota {dimensions = array<i32: 0>} : vector<128x512xi32>
    %get3A_30 = arith.constant 0 : index
    %get3A_31 = arith.constant 0 : index
    %get3A_32 = vector.load %arg8[%get3A_30, %get3A_31] : memref<1x512xi32, #tpu.memory_space<vmem>>, vector<1x512xi32>
    %eq3A_33 = vector.broadcast %get3A_32 : vector<1x512xi32> to vector<128x512xi32>
    %eq3A_34 = arith.cmpi eq, %eq3A_33, %iota3A : vector<128x512xi32>
    %convert_element_type3A_35 = arith.extui %eq3A_34 : vector<128x512xi1> to vector<128x512xi32>
    %convert_element_type3A_36 = arith.sitofp %convert_element_type3A_35 : vector<128x512xi32> to vector<128x512xf32>
    %get3A_37 = arith.constant 0 : index
    %get3A_38 = arith.constant 0 : index
    %get3A_39 = vector.load %arg12[%get3A_37, %get3A_38] : memref<128x128xf32, #tpu.memory_space<vmem>>, vector<128x64xf32>
    %dot_general3A = arith.constant dense<0.000000e+00> : vector<128x64xf32>
    %dot_general3A_40 = tpu.matmul %convert_element_type3A_36, %add3A_29, %dot_general3A {dimension_numbers = #tpu.dot_dimension_numbers<[1], [0], [0], [1], [0, 0, 1, 1], [], []>, transpose_lhs_hint = false} : vector<128x512xf32>, vector<512x64xf32>, vector<128x64xf32> -> vector<128x64xf32>
    %add3A_41 = arith.addf %get3A_39, %dot_general3A_40 : vector<128x64xf32>
    %swap3A = arith.constant 0 : index
    %swap3A_42 = arith.constant 0 : index
    %swap3A_43 = vector.load %arg12[%swap3A, %swap3A_42] : memref<128x128xf32, #tpu.memory_space<vmem>>, vector<128x64xf32>
    tpu.vector_store %arg12[%swap3A, %swap3A_42], %add3A_41 {strides = array<i32>} : memref<128x128xf32, #tpu.memory_space<vmem>>, vector<128x64xf32>,
    %get3A_44 = arith.constant 0 : index
    %get3A_45 = arith.constant 64 : index
    %get3A_46 = vector.load %arg12[%get3A_44, %get3A_45] : memref<128x128xf32, #tpu.memory_space<vmem>>, vector<128x1xf32>
    %reduce_sum3A = arith.constant dense<0.000000e+00> : vector<128xf32>
    %reduce_sum3A_47 = vector.multi_reduction <add>, %convert_element_type3A_36, %reduce_sum3A [1] : vector<128x512xf32> to vector<128xf32>
    %broadcast_in_dim3A = vector.shape_cast %reduce_sum3A_47 : vector<128xf32> to vector<128x1xf32>
    %add3A_48 = arith.addf %get3A_46, %broadcast_in_dim3A : vector<128x1xf32>
    %swap3A_49 = arith.constant 0 : index
    %swap3A_50 = arith.constant 64 : index
    %swap3A_51 = vector.load %arg12[%swap3A_49, %swap3A_50] : memref<128x128xf32, #tpu.memory_space<vmem>>, vector<128x1xf32>
    tpu.vector_store %arg12[%swap3A_49, %swap3A_50], %add3A_48 {strides = array<i32>} : memref<128x128xf32, #tpu.memory_space<vmem>>, vector<128x1xf32>,
    %eq3A_52 = arith.constant 19 : i32
    %eq3A_53 = arith.cmpi eq, %arg0, %eq3A_52 : i32
    %convert_element_type3A_54 = arith.extui %eq3A_53 : i1 to i32
    %cond3A_55 = arith.constant 0 : i32
    %cond3A_56 = arith.cmpi ne, %convert_element_type3A_54, %cond3A_55 : i32
    scf.if %cond3A_56 {
      %get3A_57 = arith.constant 0 : index
      %get3A_58 = arith.constant 64 : index
      %get3A_59 = vector.load %arg12[%get3A_57, %get3A_58] : memref<128x128xf32, #tpu.memory_space<vmem>>, vector<128x1xf32>
      %max3A = arith.constant 1.000000e+00 : f32
      %max3A_60 = vector.broadcast %max3A : f32 to vector<128x1xf32>
      %max3A_61 = arith.maximumf %get3A_59, %max3A_60 : vector<128x1xf32>
      %get3A_62 = arith.constant 0 : index
      %get3A_63 = arith.constant 0 : index
      %get3A_64 = vector.load %arg12[%get3A_62, %get3A_63] : memref<128x128xf32, #tpu.memory_space<vmem>>, vector<128x64xf32>
      %div3A = vector.broadcast %max3A_61 : vector<128x1xf32> to vector<128x64xf32>
      %div3A_65 = arith.divf %get3A_64, %div3A : vector<128x64xf32>
      %get3A_66 = arith.constant 0 : index
      %get3A_67 = arith.constant 0 : index
      %get3A_68 = vector.load %arg9[%get3A_66, %get3A_67] : memref<64x128xf32, #tpu.memory_space<vmem>>, vector<64x128xf32>
      %dot_general3A_69 = arith.constant dense<0.000000e+00> : vector<128x128xf32>
      %dot_general3A_70 = tpu.matmul %div3A_65, %get3A_68, %dot_general3A_69 {dimension_numbers = #tpu.dot_dimension_numbers<[1], [0], [0], [1], [0, 0, 1, 1], [], []>, transpose_lhs_hint = false} : vector<128x64xf32>, vector<64x128xf32>, vector<128x128xf32> -> vector<128x128xf32>
      %get3A_71 = arith.constant 0 : index
      %get3A_72 = arith.constant 0 : index
      %get3A_73 = vector.load %arg10[%get3A_71, %get3A_72] : memref<1x1xf32, #tpu.memory_space<vmem>>, vector<1x1xf32>
      %get3A_74 = vector.extract %get3A_73[0, 0] : f32 from vector<1x1xf32>
      %add3A_75 = vector.broadcast %get3A_74 : f32 to vector<128x128xf32>
      %add3A_76 = arith.addf %dot_general3A_70, %add3A_75 : vector<128x128xf32>
      %swap3A_77 = arith.constant 0 : index
      %swap3A_78 = arith.constant 0 : index
      %swap3A_79 = vector.load %arg11[%swap3A_77, %swap3A_78] : memref<128x128xf32, #tpu.memory_space<vmem>>, vector<128x128xf32>
      tpu.vector_store %arg11[%swap3A_77, %swap3A_78], %add3A_76 {strides = array<i32>} : memref<128x128xf32, #tpu.memory_space<vmem>>, vector<128x128xf32>,
    } else {
    }
    return
  }
  func.func @transform_0(%arg0: i32) -> (i32, i32) {
    %c0_i32 = arith.constant 0 : i32
    %c0_i32_0 = arith.constant 0 : i32
    return %arg0, %c0_i32 : i32, i32
  }
  func.func @transform_1(%arg0: i32) -> (i32, i32) {
    %add3A = arith.constant 20 : i32
    %add3A_0 = arith.addi %add3A, %arg0 : i32
    %c0_i32 = arith.constant 0 : i32
    %c0_i32_1 = arith.constant 0 : i32
    return %add3A_0, %c0_i32 : i32, i32
  }
  func.func @transform_2(%arg0: i32) -> (i32, i32) {
    %c0_i32 = arith.constant 0 : i32
    %c0_i32_0 = arith.constant 0 : i32
    return %arg0, %c0_i32 : i32, i32
  }
  func.func @transform_3(%arg0: i32) -> (i32, i32) {
    %add3A = arith.constant 20 : i32
    %add3A_0 = arith.addi %add3A, %arg0 : i32
    %c0_i32 = arith.constant 0 : i32
    %c0_i32_1 = arith.constant 0 : i32
    return %add3A_0, %c0_i32 : i32, i32
  }
  func.func @transform_4(%arg0: i32) -> (i32, i32) {
    %c0_i32 = arith.constant 0 : i32
    %c0_i32_0 = arith.constant 0 : i32
    return %arg0, %c0_i32 : i32, i32
  }
  func.func @transform_5(%arg0: i32) -> (i32, i32) {
    %c0_i32 = arith.constant 0 : i32
    %c0_i32_0 = arith.constant 0 : i32
    return %arg0, %c0_i32 : i32, i32
  }
  func.func @transform_6(%arg0: i32) -> (i32, i32) {
    %c0_i32 = arith.constant 0 : i32
    %c0_i32_0 = arith.constant 0 : i32
    %c0_i32_1 = arith.constant 0 : i32
    return %c0_i32, %c0_i32_0 : i32, i32
  }
  func.func @transform_7(%arg0: i32) -> (i32, i32) {
    %c0_i32 = arith.constant 0 : i32
    %c0_i32_0 = arith.constant 0 : i32
    return %c0_i32, %arg0 : i32, i32
  }
  func.func @transform_8(%arg0: i32) -> (i32, i32) {
    %c0_i32 = arith.constant 0 : i32
    %c0_i32_0 = arith.constant 0 : i32
    %c0_i32_1 = arith.constant 0 : i32
    return %c0_i32, %c0_i32_0 : i32, i32
  }
  func.func @transform_9(%arg0: i32) -> (i32, i32) {
    %c0_i32 = arith.constant 0 : i32
    %c0_i32_0 = arith.constant 0 : i32
    %c0_i32_1 = arith.constant 0 : i32
    return %c0_i32, %c0_i32_0 : i32, i32
  }
  func.func @transform_10(%arg0: i32) -> (i32, i32) {
    %c0_i32 = arith.constant 0 : i32
    %c0_i32_0 = arith.constant 0 : i32
    %c0_i32_1 = arith.constant 0 : i32
    return %c0_i32, %c0_i32_0 : i32, i32
  }
}

</mosaic_0001>

<sc_bundles>
// kernel: kernel.11.cloned.1.call-start
scs
__scs_entry_jumppad:
0x0: {  	(pc) =	sbr.rel $0x88, $3  }
0x1: {  	(tag) =	ssettag $0x0;
	lr =	simm.s32 $0x1  }
0x2: {  	[smem:$0x3F98] =	sst lr;
	_ =	strace $0xD0000000  }
0x3: {  	_ = 	snop  }
0x4: {  	_ = 	snop  }
0x5: {  	_ = 	snop  }
0x6: {  	_ = 	snop  }
0x7: {  	_ = 	snop  }
__scs_overlays_trampoline_lowered:
0x8: {  	[smem:$0x3FA7] =	sst s0  }
0x9: {  	[smem:$0x3FA8] =	sst s1  }
0xa: {  	[smem:$0x3FA9] =	sst s2  }
0xb: {  	[smem:$0x3FAA] =	sst s3  }
0xc: {  	[smem:$0x3FAB] =	sst s4  }
0xd: {  	[smem:$0x3FAC] =	sst s5  }
0xe: {  	[smem:$0x3FAD] =	sst s6  }
0xf: {  	[smem:$0x3FAE] =	sst s7  }
0x10: {  	[smem:$0x3FAF] =	sst s8  }
0x11: {  	[smem:$0x3FB0] =	sst s9;
	s0 =	simm.s32 @!p0 $0x0  }
0x12: {  	s1 =	sld [smem:$0x3F96];
	s0 =	simm.s32 @p0 $0x1  }
0x13: {  	[smem:$0x3FB1] =	sst s0;
	s0 =	simm.s32 @!p1 $0x0  }
0x14: {  	s2 =	sld [smem:$0x3F95];
	s0 =	simm.s32 @p1 $0x1  }
0x15: {  	[smem:$0x3FB2] =	sst s0;
	s0 =	simm.s32 @!p2 $0x0  }
0x16: {  	s3 =	sld [smem:$0x3FDB];
	s0 =	simm.s32 @p2 $0x1  }
0x17: {  	s4 =	simm.s32 $0x1BF5;
	[smem:$0x3FB4] =	sst s0  }
0x18: {  	s0 =	sld [smem:$0x3F97];
	_ =	swait.ge [sflag:s4], $0x0  }
0x19: {  	s7 =	sld [smem:$0x3F98]  }
0x1a: {  	s8 =	sadd.s32 $0xFFFFE003, lr  }
0x1b: {  	s9 =	sadd.s32 $0xFFFFFEF7, lr;
	s5 =	simm.s32 $0xFFFFFFFF;
	p2 =	slt.u32 s8, $0xFFFFF086  }
0x1c: {  	p1 =	slt.u32 s9, $0xF7A;
	s5 =	simm.s32 @!p2 $0x0  }
0x1d: {  	s5 =	simm.s32 @p1 $0x1;
	p0 =	seq.s32 s7, s2  }
0x1e: {  	s7 =	smul.u32 @!p0 $0xF7A, s2;
	p2 =	seq.s32 @!p0 s5, $0x0  }
0x1f: {  	s9 =	smul.u32 $0xF7A, s1;
	s8 =	simm.s32 @!p0 $0x1BF5;
	p2 =	por !p2, p0  }
0x20: {  	[sflag:s8] =	ssyncset.s32 @!p0 $0xFFFFF086;
	s6 =	sadd.s32 @!p0 s3, s7;
	s7 =	simm.s32 @!p0 $0x108  }
0x21: {  	s3 =	sadd.s32 s3, s9;
	s6 =	sadd.s32 @!p0 $0x88, s6;
	s7 =	simm.s32 @p2 $0x1082  }
0x22: {  	[simem:s7], [sflag:s8] =	dma.local @!p0 [hbm:s6], $0xF7A  }
0x23: {  	s9 =	sor.u32 $0xD0000000, s2;
	s6 =	simm.s32 $0x108;
	_ =	swait.ge @!p0 [sflag:s8], $0x0  }
0x24: {  	s3 =	sadd.s32 $0x88, s3;
	s6 =	simm.s32 @!p1 $0x1082;
	[sflag:s4] =	ssyncset.s32 $0xFFFFF086  }
0x25: {  	[simem:s6], [sflag:s4] =	dma.local [hbm:s3], $0xF7A  }
0x26: {  	[smem:$0x3F98] =	sst s1;
	(tag) =	ssettag s2;
	_ =	strace s9  }
0x27: {  	s1 =	sld [smem:$0x3FA8]  }
0x28: {  	s2 =	sld [smem:$0x3FA9]  }
0x29: {  	s4 =	sld [smem:$0x3FAB]  }
0x2a: {  	p0 =	seq.s32 s5, $0x0;
	s5 =	sld [smem:$0x3FAC]  }
0x2b: {  	s6 =	sld [smem:$0x3FAD]  }
0x2c: {  	s7 =	sld [smem:$0x3FAE]  }
0x2d: {  	s3 =	simm.s32 $0x108;
	s8 =	sld [smem:$0x3FAF]  }
0x2e: {  	s3 =	simm.s32 @!p0 $0x1082;
	s9 =	sld [smem:$0x3FB0]  }
0x2f: {  	lr =	sadd.s32 s0, s3;
	s0 =	sld [smem:$0x3FA7]  }
0x30: {  	s3 =	sld [smem:$0x3FAA]  }
0x31: {  	[smem:$0x3FB3] =	sst s10  }
0x32: {  	s10 =	sld [smem:$0x3FB1];
	_ =	sdelay $0x3  }
0x33: {  	p0 =	seq.s32 s10, $0x1;
	s10 =	sld [smem:$0x3FB3];
	_ =	sdelay $0x3  }
0x34: {  	[smem:$0x3FB3] =	sst s10  }
0x35: {  	s10 =	sld [smem:$0x3FB2];
	_ =	sdelay $0x3  }
0x36: {  	p1 =	seq.s32 s10, $0x1;
	s10 =	sld [smem:$0x3FB3];
	_ =	sdelay $0x3  }
0x37: {  	[smem:$0x3FB3] =	sst s10  }
0x38: {  	s10 =	sld [smem:$0x3FB4]  }
0x39: {  	_ = 	snop;
	(pc) =	sbr.ind lr, $3  }
0x3a: {  	_ = 	snop  }
0x3b: {  	_ = 	snop  }
0x3c: {  	p2 =	seq.s32 s10, $0x1;
	s10 =	sld [smem:$0x3FB3]  }
0x3d: {  	_ =	shalt  }
0x3e: {  	_ =	shalt  }
0x3f: {  	_ =	shalt  }
0x40: {  	_ =	shalt  }
0x41: {  	_ =	shalt  }
0x42: {  	_ =	shalt  }
0x43: {  	_ =	shalt  }
0x44: {  	_ =	shalt  }
0x45: {  	_ =	shalt  }
0x46: {  	_ =	shalt  }
0x47: {  	_ =	shalt  }
0x48: {  	_ =	shalt  }
0x49: {  	_ =	shalt  }
0x4a: {  	_ =	shalt  }
0x4b: {  	_ =	shalt  }
0x4c: {  	_ =	shalt  }
0x4d: {  	_ =	shalt  }
0x4e: {  	_ =	shalt  }
0x4f: {  	_ =	shalt  }
0x50: {  	_ =	shalt  }
0x51: {  	_ =	shalt  }
0x52: {  	_ =	shalt  }
0x53: {  	_ =	shalt  }
0x54: {  	_ =	shalt  }
0x55: {  	_ =	shalt  }
0x56: {  	_ =	shalt  }
0x57: {  	_ =	shalt  }
0x58: {  	_ =	shalt  }
0x59: {  	_ =	shalt  }
0x5a: {  	_ =	shalt  }
0x5b: {  	_ =	shalt  }
0x5c: {  	_ =	shalt  }
0x5d: {  	_ =	shalt  }
0x5e: {  	_ =	shalt  }
0x5f: {  	_ =	shalt  }
0x60: {  	_ =	shalt  }
0x61: {  	_ =	shalt  }
0x62: {  	_ =	shalt  }
0x63: {  	_ =	shalt  }
0x64: {  	_ =	shalt  }
0x65: {  	_ =	shalt  }
0x66: {  	_ =	shalt  }
0x67: {  	_ =	shalt  }
0x68: {  	_ =	shalt  }
0x69: {  	_ =	shalt  }
0x6a: {  	_ =	shalt  }
0x6b: {  	_ =	shalt  }
0x6c: {  	_ =	shalt  }
0x6d: {  	_ =	shalt  }
0x6e: {  	_ =	shalt  }
0x6f: {  	_ =	shalt  }
0x70: {  	_ =	shalt  }
0x71: {  	_ =	shalt  }
0x72: {  	_ =	shalt  }
0x73: {  	_ =	shalt  }
0x74: {  	_ =	shalt  }
0x75: {  	_ =	shalt  }
0x76: {  	_ =	shalt  }
0x77: {  	_ =	shalt  }
0x78: {  	_ =	shalt  }
0x79: {  	_ =	shalt  }
0x7a: {  	_ =	shalt  }
0x7b: {  	_ =	shalt  }
0x7c: {  	_ =	shalt  }
0x7d: {  	_ =	shalt  }
0x7e: {  	_ =	shalt  }
0x7f: {  	_ =	shalt  }
0x80: {  	_ =	shalt  }
0x81: {  	_ =	shalt  }
0x82: {  	_ =	shalt  }
0x83: {  	_ =	shalt  }
0x84: {  	_ =	shalt  }
0x85: {  	_ =	shalt  }
0x86: {  	_ =	shalt  }
0x87: {  	_ =	shalt  }
.Lfunc_end0:
.L_simem_size_0:
called_computation.1_lowered:
.L_overlay_start_0:
0x88: {  	s2 =	sld [smem:$0x3FD9]  }
0x89: {  	s3 =	sld [smem:$0x3FFE];
	_ =	sdelay $0x1  }
0x8a: {  	s1 =	srdreg.scid  }
0x8b: {  	s0 =	sand.u32 $0x1, s1  }
0x8c: {  	s16 =	sshll.u32 s0, $0xA;
	s2 =	sadd.s32 s3, s2  }
0x8d: {  	s2 =	sadd.s32 s2, s16  }
0x8e: {  	[smem:$0x3FBF] =	sst s2  }
0x8f: {  	_ = 	snop  }
0x90: {  	(tm) =	ssettm $0x1  }
0x91: {  	s17 =	sld [smem:$0x3FFB];
	_ =	sdelay $0x3  }
0x92: {  	_ =	strace s17  }
0x93: {  	s2 =	sld [smem:$0x3FFC];
	_ =	sdelay $0x3  }
0x94: {  	_ =	strace s2  }
0x95: {  	s2 =	sld [smem:$0x3FFD];
	_ =	sdelay $0x3  }
0x96: {  	_ =	strace s2  }
0x97: {  	_ =	strace $0x8FFFFFFF  }
0x98: {  	s18 =	sld [smem:$0x3FDB];
	_ =	sdelay $0x1  }
0x99: {  	s19 =	simm.s32 $_scs_section_size  }
0x9a: {  	s4 =	simm.s32 $_size__tile_overlayer_lowered;
	s5 =	simm.s32 $_tile_overlayer_lowered  }
0x9b: {  	s22 =	simm.s32 $0x1BFF;
	s21 =	sshll.u32 s5, $0x1;
	s2 =	sadd.s32 s19, s18  }
0x9c: {  	s6 =	simm.s32 $0x0;
	s20 =	sshll.u32 s4, $0x1;
	s4 =	sadd.s32 s21, s2  }
0x9d: {  	[timem:s6], [sflag:s22] =	dma.local [hbm:s4], s20  }
0x9e: {  	_ =	swait.ge [sflag:s22], s20  }
0x9f: {  	s3 =	ssub.s32 $0x0, s20;
	[sflag:s22] =	ssyncset.done $0x0  }
0xa0: {  	[sflag:s22] =	ssyncadd.s32 s3;
	_ =	sdelay $0x1  }
0xa1: {  	s23 =	simm.s32 $0x1B8B  }
0xa2: {  	_ =	swait.ge [sflag:s23], $0x1  }
0xa3: {  	[sflag:s23] =	ssyncset.done $0x0  }
0xa4: {  	s25 =	simm.s32 $0x1B8E;
	s24 =	sld [smem:$0x3FFE];
	[sflag:s23] =	ssyncadd.s32 $0xFFFFFFFF  }
0xa5: {  	s26 =	simm.s32 $execute0_lowered;
	[smem:$0x3FD2] =	sst s25  }
0xa6: {  	s4 =	sshll.u32 s26, $0x1;
	_ =	strace $0x80000049;
	[dreg:$0x1] =	wrdreg $0xFFFFFFFF  }
0xa7: {  	s28 =	simm.s32 $_size_execute0_lowered;
	s2 =	sadd.s32 s2, s4;
	[dreg:$0x0] =	wrdreg $0x0  }
0xa8: {  	s4 =	sshll.u32 s28, $0x1;
	[dreg:$0x2] =	wrdreg s2  }
0xa9: {  	[dreg:$0x3] =	wrdreg s4  }
0xaa: {  	[dreg:$0x4] =	wrdreg $0xC0  }
0xab: {  	_ =	task [dreg:s6], $0x5FFFF  }
0xac: {  	[dreg:$0x1] =	wrdreg $0xFFFFFFFF  }
0xad: {  	[dreg:$0x0] =	wrdreg $0x60  }
0xae: {  	[dreg:$0x2] =	wrdreg s24  }
0xaf: {  	[dreg:$0x3] =	wrdreg $0x120000  }
0xb0: {  	[dreg:$0x4] =	wrdreg $0x9  }
0xb1: {  	_ =	task.clear_ibuf [dreg:s6], $0x5FFFF;
	_ =	strace $0x90000049  }
0xb2: {  	s29 =	simm.s32 $0x9;
	_ =	strace $0x8000004B  }
0xb3: {  	_ =	swait.ge [sflag:s29], $0x1  }
0xb4: {  	[sflag:s29] =	ssyncadd.s32 $0xFFFFFFFF  }
0xb5: {  	_ =	strace $0x9000004B  }
0xb6: {  	_ =	sfence  }
0xb7: {  	s30 =	sld [smem:$0x0];
	_ =	sdelay $0x2  }
0xb8: {  	s31 =	sshll.u32 s1, $0xD;
	s1 =	sshrl.u32 s1, $0x2  }
0xb9: {  	s3 =	sand.u32 $0x4000, s31;
	s1 =	sadd.s32 s1, s30  }
0xba: {  	s0 =	sor.u32 s3, s0;
	s1 =	sshll.u32 s1, $0x11  }
0xbb: {  	s0 =	sor.u32 s1, s0  }
0xbc: {  	s0 =	sadd.s32 $0x8F2B, s0  }
0xbd: {  	[sflag:s0] =	ssyncadd.remote.s32 $0x1  }
0xbe: {  	_ =	sfence.sel $0xFFFF  }
0xbf: {  	[dreg:$0x0] =	wrdreg $0xFFFFFFFF;
	(pc) =	sbr.abs _section_cstart, $3  }
0xc0: {  	[dreg:$0x1] =	wrdreg $0xFFFFFFFF  }
0xc1: {  	_ =	task.clear_ibuf [dreg:s6], $0x2FFFF;
	_ =	strace $0x9FFFFFFF  }
0xc2: {  	(tm) =	ssettm $0x7FFFFFFF  }
0xc3: {  	_ =	shalt  }
tec
execute0_lowered:
.L_overlay_start_1:
0x0: {  	(tag) =	ssettag $0x1  }
0x1: {  	s0 =	srdreg.scid;
	s1 =	rddreg [dreg:$0x0]  }
0x2: {  	s9 =	stileid.u32;
	s2 =	rddreg [dreg:$0x1];
	s3 =	simm.s32 $0x0  }
0x3: {  	s14 =	simm.s32 $0x9;
	s15 =	simm.s32 $0x5000;
	s16 =	simm.s32 $0xA000  }
0x4: {  	s17 =	simm.s32 $0x80;
	s18 =	simm.s32 $0xC000;
	s19 =	simm.s32 $0x10000  }
0x5: {  	s20 =	simm.s32 $0xE000;
	s21 =	simm.s32 $0x1;
	s22 =	simm.s32 $0x3  }
0x6: {  	s23 =	simm.s32 $0x6;
	s24 =	simm.s32 $0x8;
	s4 =	smul.u32 $0x5000, s9  }
0x7: {  	s25 =	simm.s32 $0x2;
	s0 =	sand.u32 $0x1, s0;
	s6 =	smul.u32 $0x1400, s9  }
0x8: {  	s28 =	simm.s32 $0x5;
	s29 =	simm.s32 $0x7;
	s5 =	smul.u32 $0x50000, s0  }
0x9: {  	[smem:$0x7FF] =	sst s3;
	s7 =	smul.u32 $0x14000, s0;
	s0 =	ssub.s32 $0x2, s0  }
0xa: {  	s26 =	smul.u32 $0x28000, s9;
	_ =	strace $0x8000004A;
	s31 =	sshrl.u32 s0, $0x1  }
0xb: {  	s5 =	sadd.s32 s4, s5;
	s4 =	sshrl.u32 s4, $0x3;
	s6 =	sadd.s32 s6, s7  }
0xc: {  	s0 =	ssub.s32 s0, s31;
	s5 =	sshrl.u32 s5, $0x3;
	s30 =	sadd.s32 s4, s1  }
0xd: {  	s4 =	sadd.s32 $0xC0E00, s1;
	s13 =	smax.u32 s0, $0x1;
	s8 =	sadd.s32 s5, s1  }
0xe: {  	s5 =	sshrl.u32 s26, $0x2;
	s1 =	sadd.s32 s6, s1;
	s7 =	sadd.s32 $0x2E00, s30  }
0xf: {  	s26 =	simm.s32 $0x4;
	s5 =	sadd.s32 s5, s2;
	s6 =	sadd.s32 $0x5CE00, s8  }
0x10: {  	s12 =	sadd.s32 $0xE8E00, s1;
	s1 =	simm.s32 $0x0;
	s8 =	sadd.s32 $0x2000, s5  }
0x11: {  	v0 =	vimm.f32 $0.0e+00;
	s9 =	sadd.s32 $0x4000, s5;
	s10 =	sadd.s32 $0x6000, s5;
	s11 =	sadd.s32 $0x8000, s5  }
.LBB2_1:
0x12: {  	[tilespmem:s3], [sflag:$0x9] =	stream.linear.gather [hbm4b:s6+s3], $0x5000, $0x38;
	[tilespmem:$0x1C000] =	vst v63  }
0x13: {  	_ =	swait.ge [sflag:s14], $0x5000  }
0x14: {  	[sflag:s14] =	ssyncset.done $0x0  }
0x15: {  	[sflag:s14] =	ssyncadd.s32 $0xFFFFB000  }
0x16: {  	[tilespmem:s15], [sflag:$0x9] =	stream.linear.gather [hbm4b:s7+s3], $0x5000, $0x38;
	[tilespmem:$0x1C000] =	vst v63  }
0x17: {  	_ =	swait.ge [sflag:s14], $0x5000  }
0x18: {  	[sflag:s14] =	ssyncset.done $0x0  }
0x19: {  	s0 =	simm.s32 $0x0;
	s30 =	simm.s32 $0x100;
	[sflag:s14] =	ssyncadd.s32 $0xFFFFB000  }
.LBB2_2:
0x1a: {  	p0 =	sne.s32 s30, $0x7F00;
	[tilespmem:s0+$0x10030] =	vst v0  }
0x1b: {  	[tilespmem:s0+$0xA000] =	vst v0  }
0x1c: {  	[tilespmem:s0+$0xC000] =	vst v0  }
0x1d: {  	[tilespmem:s0+$0x10000] =	vst v0  }
0x1e: {  	[tilespmem:s0+$0xA010] =	vst v0  }
0x1f: {  	[tilespmem:s0+$0xC010] =	vst v0  }
0x20: {  	[tilespmem:s0+$0x10010] =	vst v0  }
.Ltmp0:
0x21: {  	[tilespmem:s0+$0xA020] =	vst v0;
	(pc) =	sbr.rel @p0 .LBB2_2-.Ltmp0, $4  }
0x22: {  	[tilespmem:s0+$0xC020] =	vst v0  }
0x23: {  	[tilespmem:s0+$0x10020] =	vst v0  }
0x24: {  	[tilespmem:s0+$0xA030] =	vst v0  }
0x25: {  	[tilespmem:s0+$0xC030] =	vst v0;
	s0 =	sshra.s32 s30, $0x2;
	s30 =	sadd.s32 $0x100, s30  }
0x26: {  	[tilespmem:s0+$0x10030] =	vst v0  }
0x27: {  	[tilespmem:s0+$0xA000] =	vst v0  }
0x28: {  	[tilespmem:s0+$0xC000] =	vst v0  }
0x29: {  	[tilespmem:s0+$0x10000] =	vst v0  }
0x2a: {  	[tilespmem:s0+$0xA010] =	vst v0  }
0x2b: {  	[tilespmem:s0+$0xC010] =	vst v0  }
0x2c: {  	[tilespmem:s0+$0x10010] =	vst v0  }
0x2d: {  	[tilespmem:s0+$0xA020] =	vst v0  }
0x2e: {  	[tilespmem:s0+$0xC020] =	vst v0  }
0x2f: {  	[tilespmem:s0+$0x10020] =	vst v0  }
0x30: {  	[tilespmem:s0+$0xA030] =	vst v0  }
0x31: {  	[tilespmem:s0+$0xC030] =	vst v0  }
0x32: {  	[spmem:s5] =	stream.linear.scatter [tilespmem:s16], [sflag:$0x9], $0x2000, $0x38;
	[tilespmem:$0x1C000] =	vst v63  }
0x33: {  	_ =	swait.ge [sflag:s14], $0x2000  }
0x34: {  	[sflag:s14] =	ssyncset.done $0x0  }
0x35: {  	[sflag:s14] =	ssyncadd.s32 $0xFFFFE000  }
0x36: {  	[spmem:s8] =	stream.linear.scatter [tilespmem:s16], [sflag:$0x9], $0x2000, $0x38;
	[tilespmem:$0x1C000] =	vst v63  }
0x37: {  	_ =	swait.ge [sflag:s14], $0x2000  }
0x38: {  	[sflag:s14] =	ssyncset.done $0x0  }
0x39: {  	[sflag:s14] =	ssyncadd.s32 $0xFFFFE000  }
0x3a: {  	[spmem:s9] =	stream.linear.scatter [tilespmem:s16], [sflag:$0x9], $0x2000, $0x38;
	[tilespmem:$0x1C000] =	vst v63  }
0x3b: {  	_ =	swait.ge [sflag:s14], $0x2000  }
0x3c: {  	[sflag:s14] =	ssyncset.done $0x0  }
0x3d: {  	[sflag:s14] =	ssyncadd.s32 $0xFFFFE000  }
0x3e: {  	[spmem:s10] =	stream.linear.scatter [tilespmem:s16], [sflag:$0x9], $0x2000, $0x38;
	[tilespmem:$0x1C000] =	vst v63  }
0x3f: {  	_ =	swait.ge [sflag:s14], $0x2000  }
0x40: {  	[sflag:s14] =	ssyncset.done $0x0  }
0x41: {  	[sflag:s14] =	ssyncadd.s32 $0xFFFFE000  }
0x42: {  	[spmem:s11] =	stream.linear.scatter [tilespmem:s16], [sflag:$0x9], $0x2000, $0x38;
	[tilespmem:$0x1C000] =	vst v63  }
0x43: {  	_ =	swait.ge [sflag:s14], $0x2000  }
0x44: {  	[sflag:s14] =	ssyncset.done $0x0  }
0x45: {  	[sflag:s14] =	ssyncadd.s32 $0xFFFFE000  }
0x46: {  	[bflag:$0x0] =	sbarrier.arrive $0xFFFF  }
0x47: {  	[spmem:s2] =	stream.indirect.scatter.add.f32 [tilespmem:s18], [sflag:$0x6], $0x40, s15, s17, $0xb8;
	[tilespmem:$0x1C000] =	vst v63  }
0x48: {  	_ = 	snop  }
0x49: {  	[spmem:s2] =	stream.indirect.scatter.add.f32 [tilespmem:s19], [sflag:$0x8], $0x40, s15, s17, $0xb8;
	[tilespmem:$0x1C000] =	vst v63  }
0x4a: {  	s31 =	simm.s32 $0x0  }
0x4b: {  	[tilespmem:s16], [sflag:$0x1] =	stream.indirect.gather [hbm4b:s4+s17], $0x40, s31, s17, $0xb8;
	[tilespmem:$0x1C000] =	vst v63  }
0x4c: {  	_ = 	snop  }
0x4d: {  	[tilespmem:s20], [sflag:$0x3] =	stream.indirect.gather [hbm4b:s4+s17], $0x40, s17, s17, $0xb8;
	[tilespmem:$0x1C000] =	vst v63  }
0x4e: {  	_ =	swait.ge [sflag:s21], $0x2000  }
0x4f: {  	[sflag:s21] =	ssyncset.done $0x0  }
0x50: {  	s31 =	simm.s32 $0x5000;
	[sflag:s21] =	ssyncadd.s32 $0xFFFFE000  }
0x51: {  	[spmem:s2] =	stream.indirect.scatter.add.f32 [tilespmem:s16], [sflag:$0x5], $0x40, s31, s17, $0xb8;
	[tilespmem:$0x1C000] =	vst v63  }
0x52: {  	_ =	swait.ge [sflag:s22], $0x2000  }
0x53: {  	[sflag:s22] =	ssyncset.done $0x0  }
0x54: {  	s31 =	simm.s32 $0x5080;
	[sflag:s22] =	ssyncadd.s32 $0xFFFFE000  }
0x55: {  	[spmem:s2] =	stream.indirect.scatter.add.f32 [tilespmem:s20], [sflag:$0x7], $0x40, s31, s17, $0xb8;
	[tilespmem:$0x1C000] =	vst v63  }
0x56: {  	_ =	swait.ge [sflag:s23], $0x2000  }
0x57: {  	[sflag:s23] =	ssyncset.done $0x0  }
0x58: {  	s31 =	simm.s32 $0x100;
	[sflag:s23] =	ssyncadd.s32 $0xFFFFE000  }
0x59: {  	[tilespmem:s18], [sflag:$0x2] =	stream.indirect.gather [hbm4b:s4+s17], $0x40, s31, s17, $0xb8;
	[tilespmem:$0x1C000] =	vst v63  }
0x5a: {  	_ =	swait.ge [sflag:s24], $0x2000  }
0x5b: {  	[sflag:s24] =	ssyncset.done $0x0  }
0x5c: {  	s31 =	simm.s32 $0x180;
	[sflag:s24] =	ssyncadd.s32 $0xFFFFE000  }
0x5d: {  	[tilespmem:s19], [sflag:$0x4] =	stream.indirect.gather [hbm4b:s4+s17], $0x40, s31, s17, $0xb8;
	[tilespmem:$0x1C000] =	vst v63  }
0x5e: {  	_ =	swait.ge [sflag:s25], $0x2000  }
0x5f: {  	[sflag:s25] =	ssyncset.done $0x0  }
0x60: {  	s31 =	simm.s32 $0x5100;
	[sflag:s25] =	ssyncadd.s32 $0xFFFFE000  }
0x61: {  	[spmem:s2] =	stream.indirect.scatter.add.f32 [tilespmem:s18], [sflag:$0x6], $0x40, s31, s17, $0xb8;
	[tilespmem:$0x1C000] =	vst v63  }
0x62: {  	_ =	swait.ge [sflag:s26], $0x2000  }
0x63: {  	[sflag:s26] =	ssyncset.done $0x0  }
0x64: {  	s31 =	simm.s32 $0x5180;
	[sflag:s26] =	ssyncadd.s32 $0xFFFFE000  }
0x65: {  	[spmem:s2] =	stream.indirect.scatter.add.f32 [tilespmem:s19], [sflag:$0x8], $0x40, s31, s17, $0xb8;
	[tilespmem:$0x1C000] =	vst v63  }
0x66: {  	_ =	swait.ge [sflag:s28], $0x2000  }
0x67: {  	[sflag:s28] =	ssyncset.done $0x0  }
0x68: {  	s31 =	simm.s32 $0x200;
	[sflag:s28] =	ssyncadd.s32 $0xFFFFE000  }
0x69: {  	[tilespmem:s16], [sflag:$0x1] =	stream.indirect.gather [hbm4b:s4+s17], $0x40, s31, s17, $0xb8;
	[tilespmem:$0x1C000] =	vst v63  }
0x6a: {  	_ =	swait.ge [sflag:s29], $0x2000  }
0x6b: {  	[sflag:s29] =	ssyncset.done $0x0  }
0x6c: {  	s0 =	simm.s32 $0x800;
	s30 =	simm.s32 $0x280;
	[sflag:s29] =	ssyncadd.s32 $0xFFFFE000  }
.LBB2_4:
0x6d: {  	[tilespmem:s20], [sflag:$0x3] =	stream.indirect.gather [hbm4b:s4+s17], $0x40, s30, s17, $0xb8;
	[tilespmem:$0x1C000] =	vst v63  }
0x6e: {  	s30 =	smov.u32 s0  }
0x6f: {  	p0 =	sne.s32 s0, $0x13000;
	s0 =	sadd.s32 $0x800, s0;
	_ =	swait.ge [sflag:s21], $0x2000  }
0x70: {  	s30 =	sshra.s32 s30, $0x2;
	[sflag:s21] =	ssyncset.done $0x0  }
0x71: {  	s31 =	sadd.s32 $0x5000, s30;
	[sflag:s21] =	ssyncadd.s32 $0xFFFFE000  }
0x72: {  	[spmem:s2] =	stream.indirect.scatter.add.f32 [tilespmem:s16], [sflag:$0x5], $0x40, s31, s17, $0xb8;
	[tilespmem:$0x1C000] =	vst v63  }
0x73: {  	_ =	swait.ge [sflag:s22], $0x2000  }
0x74: {  	[sflag:s22] =	ssyncset.done $0x0  }
0x75: {  	s31 =	sadd.s32 $0x5080, s30;
	[sflag:s22] =	ssyncadd.s32 $0xFFFFE000  }
0x76: {  	[spmem:s2] =	stream.indirect.scatter.add.f32 [tilespmem:s20], [sflag:$0x7], $0x40, s31, s17, $0xb8;
	[tilespmem:$0x1C000] =	vst v63  }
0x77: {  	_ =	swait.ge [sflag:s23], $0x2000  }
0x78: {  	[sflag:s23] =	ssyncset.done $0x0  }
0x79: {  	s31 =	sadd.s32 $0x100, s30;
	[sflag:s23] =	ssyncadd.s32 $0xFFFFE000  }
0x7a: {  	[tilespmem:s18], [sflag:$0x2] =	stream.indirect.gather [hbm4b:s4+s17], $0x40, s31, s17, $0xb8;
	[tilespmem:$0x1C000] =	vst v63  }
0x7b: {  	_ =	swait.ge [sflag:s24], $0x2000  }
0x7c: {  	[sflag:s24] =	ssyncset.done $0x0  }
0x7d: {  	s31 =	sadd.s32 $0x180, s30;
	[sflag:s24] =	ssyncadd.s32 $0xFFFFE000  }
0x7e: {  	[tilespmem:s19], [sflag:$0x4] =	stream.indirect.gather [hbm4b:s4+s17], $0x40, s31, s17, $0xb8;
	[tilespmem:$0x1C000] =	vst v63  }
0x7f: {  	_ =	swait.ge [sflag:s25], $0x2000  }
0x80: {  	[sflag:s25] =	ssyncset.done $0x0  }
0x81: {  	s31 =	sadd.s32 $0x5100, s30;
	[sflag:s25] =	ssyncadd.s32 $0xFFFFE000  }
0x82: {  	[spmem:s2] =	stream.indirect.scatter.add.f32 [tilespmem:s18], [sflag:$0x6], $0x40, s31, s17, $0xb8;
	[tilespmem:$0x1C000] =	vst v63  }
0x83: {  	_ =	swait.ge [sflag:s26], $0x2000  }
0x84: {  	[sflag:s26] =	ssyncset.done $0x0  }
0x85: {  	s31 =	sadd.s32 $0x5180, s30;
	[sflag:s26] =	ssyncadd.s32 $0xFFFFE000  }
0x86: {  	[spmem:s2] =	stream.indirect.scatter.add.f32 [tilespmem:s19], [sflag:$0x8], $0x40, s31, s17, $0xb8;
	[tilespmem:$0x1C000] =	vst v63  }
0x87: {  	_ =	swait.ge [sflag:s28], $0x2000  }
0x88: {  	[sflag:s28] =	ssyncset.done $0x0  }
.Ltmp1:
0x89: {  	s31 =	sadd.s32 $0x200, s30;
	[sflag:s28] =	ssyncadd.s32 $0xFFFFE000;
	(pc) =	sbr.rel @p0 .LBB2_4-.Ltmp1, $4  }
0x8a: {  	[tilespmem:s16], [sflag:$0x1] =	stream.indirect.gather [hbm4b:s4+s17], $0x40, s31, s17, $0xb8;
	[tilespmem:$0x1C000] =	vst v63  }
0x8b: {  	_ =	swait.ge [sflag:s29], $0x2000  }
0x8c: {  	[sflag:s29] =	ssyncset.done $0x0  }
0x8d: {  	s30 =	sadd.s32 $0x280, s30;
	[sflag:s29] =	ssyncadd.s32 $0xFFFFE000  }
0x8e: {  	[tilespmem:s20], [sflag:$0x3] =	stream.indirect.gather [hbm4b:s4+s17], $0x40, s30, s17, $0xb8;
	[tilespmem:$0x1C000] =	vst v63  }
0x8f: {  	_ =	swait.ge [sflag:s21], $0x2000  }
0x90: {  	[sflag:s21] =	ssyncset.done $0x0  }
0x91: {  	s0 =	simm.s32 $0x9E00;
	[sflag:s21] =	ssyncadd.s32 $0xFFFFE000  }
0x92: {  	[spmem:s2] =	stream.indirect.scatter.add.f32 [tilespmem:s16], [sflag:$0x5], $0x40, s0, s17, $0xb8;
	[tilespmem:$0x1C000] =	vst v63  }
0x93: {  	_ =	swait.ge [sflag:s22], $0x2000  }
0x94: {  	[sflag:s22] =	ssyncset.done $0x0  }
0x95: {  	s31 =	simm.s32 $0x9E80;
	[sflag:s22] =	ssyncadd.s32 $0xFFFFE000  }
0x96: {  	[spmem:s2] =	stream.indirect.scatter.add.f32 [tilespmem:s20], [sflag:$0x7], $0x40, s31, s17, $0xb8;
	[tilespmem:$0x1C000] =	vst v63  }
0x97: {  	_ =	swait.ge [sflag:s23], $0x2000  }
0x98: {  	[sflag:s23] =	ssyncset.done $0x0  }
0x99: {  	s30 =	simm.s32 $0x4F00;
	[sflag:s23] =	ssyncadd.s32 $0xFFFFE000  }
0x9a: {  	[tilespmem:s18], [sflag:$0x2] =	stream.indirect.gather [hbm4b:s4+s17], $0x40, s30, s17, $0xb8;
	[tilespmem:$0x1C000] =	vst v63  }
0x9b: {  	_ =	swait.ge [sflag:s24], $0x2000  }
0x9c: {  	[sflag:s24] =	ssyncset.done $0x0  }
0x9d: {  	s31 =	simm.s32 $0x4F80;
	[sflag:s24] =	ssyncadd.s32 $0xFFFFE000  }
0x9e: {  	[tilespmem:s19], [sflag:$0x4] =	stream.indirect.gather [hbm4b:s4+s17], $0x40, s31, s17, $0xb8;
	[tilespmem:$0x1C000] =	vst v63  }
0x9f: {  	_ =	swait.ge [sflag:s25], $0x2000  }
0xa0: {  	[sflag:s25] =	ssyncset.done $0x0  }
0xa1: {  	s30 =	simm.s32 $0x9F00;
	[sflag:s25] =	ssyncadd.s32 $0xFFFFE000  }
0xa2: {  	[spmem:s2] =	stream.indirect.scatter.add.f32 [tilespmem:s18], [sflag:$0x6], $0x40, s30, s17, $0xb8;
	[tilespmem:$0x1C000] =	vst v63  }
0xa3: {  	_ =	swait.ge [sflag:s26], $0x2000  }
0xa4: {  	[sflag:s26] =	ssyncset.done $0x0  }
0xa5: {  	s31 =	simm.s32 $0x9F80;
	[sflag:s26] =	ssyncadd.s32 $0xFFFFE000  }
0xa6: {  	[spmem:s2] =	stream.indirect.scatter.add.f32 [tilespmem:s19], [sflag:$0x8], $0x40, s31, s17, $0xb8;
	[tilespmem:$0x1C000] =	vst v63  }
0xa7: {  	_ =	swait.ge [sflag:s28], $0x2000  }
0xa8: {  	[sflag:s28] =	ssyncset.done $0x0  }
0xa9: {  	[sflag:s28] =	ssyncadd.s32 $0xFFFFE000  }
0xaa: {  	[tilespmem:s16], [sflag:$0x1] =	stream.indirect.gather [hbm4b:s4+s17], $0x40, s3, s17, $0xb8;
	[tilespmem:$0x1C000] =	vst v63  }
0xab: {  	_ =	swait.ge [sflag:s29], $0x2000  }
0xac: {  	[sflag:s29] =	ssyncset.done $0x0  }
0xad: {  	[sflag:s29] =	ssyncadd.s32 $0xFFFFE000  }
0xae: {  	[tilespmem:s20], [sflag:$0x3] =	stream.indirect.gather [hbm4b:s4+s17], $0x40, s17, s17, $0xb8;
	[tilespmem:$0x1C000] =	vst v63  }
0xaf: {  	_ =	swait.ge [sflag:s21], $0x2000  }
0xb0: {  	[sflag:s21] =	ssyncset.done $0x0  }
0xb1: {  	[sflag:s21] =	ssyncadd.s32 $0xFFFFE000  }
0xb2: {  	_ =	swait.ge [sflag:s22], $0x2000  }
0xb3: {  	[sflag:s22] =	ssyncset.done $0x0  }
0xb4: {  	[sflag:s22] =	ssyncadd.s32 $0xFFFFE000  }
0xb5: {  	_ =	swait.ge [sflag:s23], $0x2000  }
0xb6: {  	[sflag:s23] =	ssyncset.done $0x0  }
0xb7: {  	[sflag:s23] =	ssyncadd.s32 $0xFFFFE000  }
0xb8: {  	s30 =	stileid.u32;
	_ =	swait.ge [sflag:s24], $0x2000  }
0xb9: {  	s1 =	sadd.s32 $0x1, s1;
	s0 =	sshll.u32 s30, $0x6;
	[sflag:s24] =	ssyncset.done $0x0  }
0xba: {  	p0 =	sne.s32 s1, s13;
	s0 =	sor.u32 $0x1C09, s0;
	[sflag:s24] =	ssyncadd.s32 $0xFFFFE000  }
.Ltmp2:
0xbb: {  	s31 =	sshrl.u32 s5, $0x3;
	[bflag:$0x0] =	sbarrier.arrive $0xFFFF;
	(pc) =	sbr.rel @p0 .LBB2_1-.Ltmp2, $4  }
0xbc: {  	[hbm:s12], [sflag:s0] =	dma.local [spmem:s31], $0x1400  }
0xbd: {  	_ =	swait.ge [sflag:s14], $0x1400  }
0xbe: {  	[sflag:s14] =	ssyncset.done $0x0  }
0xbf: {  	[sflag:s14] =	ssyncadd.s32 $0xFFFFEC00  }
0xc0: {  	_ =	sfence.sel $0x180000  }
0xc1: {  	[bflag:$0x0] =	sbarrier.arrive $0xFFFF  }
0xc2: {  	_ =	strace $0x9000004A  }
0xc3: {  	s0 =	stileid.u32;
	[bflag:$0x2] =	sbarrier.arrive $0xFFFF  }
0xc4: {  	p0 =	sne.s32 s0, $0x0;
	s0 =	rddreg [dreg:$0x2]  }
0xc5: {  	s0 =	sadd.s32 @!p0 $0x100000, s0  }
0xc6: {  	[sflag:s0] =	ssyncadd.tile.s32 @!p0 $0x1;
	_ =	shalt  }
.Lfunc_end2:
_tile_overlayer_lowered:
.L_overlay_start_2:
0xc7: {  	(tag) =	ssettag $0x2  }
0xc8: {  	s0 =	rddreg [dreg:$0x0];
	s2 =	stileid.u32  }
0xc9: {  	s1 =	rddreg [dreg:$0x1];
	p0 =	sne.s32 s2, $0x0  }
0xca: {  	s3 =	rddreg [dreg:$0x2];
	[bflag:$0x3] =	sbarrier.arrive $0xFFFF;
	s2 =	simm.s32 @!p0 $0x1C09  }
0xcb: {  	[timem:s3], [sflag:s2] =	dma.local @!p0 [hbm:s0], s1  }
0xcc: {  	s0 =	simm.s32 @!p0 $0x9  }
0xcd: {  	_ =	swait.ge @!p0 [sflag:s0], s1  }
0xce: {  	s1 =	ssub.s32 @!p0 $0x0, s1;
	[sflag:s0] =	ssyncset.done @!p0 $0x0  }
0xcf: {  	[sflag:s0] =	ssyncadd.s32 @!p0 s1  }
0xd0: {  	[bflag:$0x3] =	sbarrier.arrive $0xFFFF  }
0xd1: {  	_ =	shalt  }

// kernel: kernel.14.cloned.1.call-start
scs
__scs_entry_jumppad:
0x0: {  	(pc) =	sbr.rel $0x88, $3  }
0x1: {  	(tag) =	ssettag $0x0;
	lr =	simm.s32 $0x1  }
0x2: {  	[smem:$0x3F98] =	sst lr;
	_ =	strace $0xD0000000  }
0x3: {  	_ = 	snop  }
0x4: {  	_ = 	snop  }
0x5: {  	_ = 	snop  }
0x6: {  	_ = 	snop  }
0x7: {  	_ = 	snop  }
__scs_overlays_trampoline_lowered:
0x8: {  	[smem:$0x3FA7] =	sst s0  }
0x9: {  	[smem:$0x3FA8] =	sst s1  }
0xa: {  	[smem:$0x3FA9] =	sst s2  }
0xb: {  	[smem:$0x3FAA] =	sst s3  }
0xc: {  	[smem:$0x3FAB] =	sst s4  }
0xd: {  	[smem:$0x3FAC] =	sst s5  }
0xe: {  	[smem:$0x3FAD] =	sst s6  }
0xf: {  	[smem:$0x3FAE] =	sst s7  }
0x10: {  	[smem:$0x3FAF] =	sst s8  }
0x11: {  	[smem:$0x3FB0] =	sst s9;
	s0 =	simm.s32 @!p0 $0x0  }
0x12: {  	s1 =	sld [smem:$0x3F96];
	s0 =	simm.s32 @p0 $0x1  }
0x13: {  	[smem:$0x3FB1] =	sst s0;
	s0 =	simm.s32 @!p1 $0x0  }
0x14: {  	s2 =	sld [smem:$0x3F95];
	s0 =	simm.s32 @p1 $0x1  }
0x15: {  	[smem:$0x3FB2] =	sst s0;
	s0 =	simm.s32 @!p2 $0x0  }
0x16: {  	s3 =	sld [smem:$0x3FDB];
	s0 =	simm.s32 @p2 $0x1  }
0x17: {  	s4 =	simm.s32 $0x1BF5;
	[smem:$0x3FB4] =	sst s0  }
0x18: {  	s0 =	sld [smem:$0x3F97];
	_ =	swait.ge [sflag:s4], $0x0  }
0x19: {  	s7 =	sld [smem:$0x3F98]  }
0x1a: {  	s8 =	sadd.s32 $0xFFFFE003, lr  }
0x1b: {  	s9 =	sadd.s32 $0xFFFFFEF7, lr;
	s5 =	simm.s32 $0xFFFFFFFF;
	p2 =	slt.u32 s8, $0xFFFFF086  }
0x1c: {  	p1 =	slt.u32 s9, $0xF7A;
	s5 =	simm.s32 @!p2 $0x0  }
0x1d: {  	s5 =	simm.s32 @p1 $0x1;
	p0 =	seq.s32 s7, s2  }
0x1e: {  	s7 =	smul.u32 @!p0 $0xF7A, s2;
	p2 =	seq.s32 @!p0 s5, $0x0  }
0x1f: {  	s9 =	smul.u32 $0xF7A, s1;
	s8 =	simm.s32 @!p0 $0x1BF5;
	p2 =	por !p2, p0  }
0x20: {  	[sflag:s8] =	ssyncset.s32 @!p0 $0xFFFFF086;
	s6 =	sadd.s32 @!p0 s3, s7;
	s7 =	simm.s32 @!p0 $0x108  }
0x21: {  	s3 =	sadd.s32 s3, s9;
	s6 =	sadd.s32 @!p0 $0x88, s6;
	s7 =	simm.s32 @p2 $0x1082  }
0x22: {  	[simem:s7], [sflag:s8] =	dma.local @!p0 [hbm:s6], $0xF7A  }
0x23: {  	s9 =	sor.u32 $0xD0000000, s2;
	s6 =	simm.s32 $0x108;
	_ =	swait.ge @!p0 [sflag:s8], $0x0  }
0x24: {  	s3 =	sadd.s32 $0x88, s3;
	s6 =	simm.s32 @!p1 $0x1082;
	[sflag:s4] =	ssyncset.s32 $0xFFFFF086  }
0x25: {  	[simem:s6], [sflag:s4] =	dma.local [hbm:s3], $0xF7A  }
0x26: {  	[smem:$0x3F98] =	sst s1;
	(tag) =	ssettag s2;
	_ =	strace s9  }
0x27: {  	s1 =	sld [smem:$0x3FA8]  }
0x28: {  	s2 =	sld [smem:$0x3FA9]  }
0x29: {  	s4 =	sld [smem:$0x3FAB]  }
0x2a: {  	p0 =	seq.s32 s5, $0x0;
	s5 =	sld [smem:$0x3FAC]  }
0x2b: {  	s6 =	sld [smem:$0x3FAD]  }
0x2c: {  	s7 =	sld [smem:$0x3FAE]  }
0x2d: {  	s3 =	simm.s32 $0x108;
	s8 =	sld [smem:$0x3FAF]  }
0x2e: {  	s3 =	simm.s32 @!p0 $0x1082;
	s9 =	sld [smem:$0x3FB0]  }
0x2f: {  	lr =	sadd.s32 s0, s3;
	s0 =	sld [smem:$0x3FA7]  }
0x30: {  	s3 =	sld [smem:$0x3FAA]  }
0x31: {  	[smem:$0x3FB3] =	sst s10  }
0x32: {  	s10 =	sld [smem:$0x3FB1];
	_ =	sdelay $0x3  }
0x33: {  	p0 =	seq.s32 s10, $0x1;
	s10 =	sld [smem:$0x3FB3];
	_ =	sdelay $0x3  }
0x34: {  	[smem:$0x3FB3] =	sst s10  }
0x35: {  	s10 =	sld [smem:$0x3FB2];
	_ =	sdelay $0x3  }
0x36: {  	p1 =	seq.s32 s10, $0x1;
	s10 =	sld [smem:$0x3FB3];
	_ =	sdelay $0x3  }
0x37: {  	[smem:$0x3FB3] =	sst s10  }
0x38: {  	s10 =	sld [smem:$0x3FB4]  }
0x39: {  	_ = 	snop;
	(pc) =	sbr.ind lr, $3  }
0x3a: {  	_ = 	snop  }
0x3b: {  	_ = 	snop  }
0x3c: {  	p2 =	seq.s32 s10, $0x1;
	s10 =	sld [smem:$0x3FB3]  }
0x3d: {  	_ =	shalt  }
0x3e: {  	_ =	shalt  }
0x3f: {  	_ =	shalt  }
0x40: {  	_ =	shalt  }
0x41: {  	_ =	shalt  }
0x42: {  	_ =	shalt  }
0x43: {  	_ =	shalt  }
0x44: {  	_ =	shalt  }
0x45: {  	_ =	shalt  }
0x46: {  	_ =	shalt  }
0x47: {  	_ =	shalt  }
0x48: {  	_ =	shalt  }
0x49: {  	_ =	shalt  }
0x4a: {  	_ =	shalt  }
0x4b: {  	_ =	shalt  }
0x4c: {  	_ =	shalt  }
0x4d: {  	_ =	shalt  }
0x4e: {  	_ =	shalt  }
0x4f: {  	_ =	shalt  }
0x50: {  	_ =	shalt  }
0x51: {  	_ =	shalt  }
0x52: {  	_ =	shalt  }
0x53: {  	_ =	shalt  }
0x54: {  	_ =	shalt  }
0x55: {  	_ =	shalt  }
0x56: {  	_ =	shalt  }
0x57: {  	_ =	shalt  }
0x58: {  	_ =	shalt  }
0x59: {  	_ =	shalt  }
0x5a: {  	_ =	shalt  }
0x5b: {  	_ =	shalt  }
0x5c: {  	_ =	shalt  }
0x5d: {  	_ =	shalt  }
0x5e: {  	_ =	shalt  }
0x5f: {  	_ =	shalt  }
0x60: {  	_ =	shalt  }
0x61: {  	_ =	shalt  }
0x62: {  	_ =	shalt  }
0x63: {  	_ =	shalt  }
0x64: {  	_ =	shalt  }
0x65: {  	_ =	shalt  }
0x66: {  	_ =	shalt  }
0x67: {  	_ =	shalt  }
0x68: {  	_ =	shalt  }
0x69: {  	_ =	shalt  }
0x6a: {  	_ =	shalt  }
0x6b: {  	_ =	shalt  }
0x6c: {  	_ =	shalt  }
0x6d: {  	_ =	shalt  }
0x6e: {  	_ =	shalt  }
0x6f: {  	_ =	shalt  }
0x70: {  	_ =	shalt  }
0x71: {  	_ =	shalt  }
0x72: {  	_ =	shalt  }
0x73: {  	_ =	shalt  }
0x74: {  	_ =	shalt  }
0x75: {  	_ =	shalt  }
0x76: {  	_ =	shalt  }
0x77: {  	_ =	shalt  }
0x78: {  	_ =	shalt  }
0x79: {  	_ =	shalt  }
0x7a: {  	_ =	shalt  }
0x7b: {  	_ =	shalt  }
0x7c: {  	_ =	shalt  }
0x7d: {  	_ =	shalt  }
0x7e: {  	_ =	shalt  }
0x7f: {  	_ =	shalt  }
0x80: {  	_ =	shalt  }
0x81: {  	_ =	shalt  }
0x82: {  	_ =	shalt  }
0x83: {  	_ =	shalt  }
0x84: {  	_ =	shalt  }
0x85: {  	_ =	shalt  }
0x86: {  	_ =	shalt  }
0x87: {  	_ =	shalt  }
.Lfunc_end0:
.L_simem_size_0:
called_computation.2_lowered:
.L_overlay_start_0:
0x88: {  	s2 =	sld [smem:$0x3FD9]  }
0x89: {  	s3 =	sld [smem:$0x3FFE];
	_ =	sdelay $0x1  }
0x8a: {  	s1 =	srdreg.scid  }
0x8b: {  	s0 =	sand.u32 $0x1, s1  }
0x8c: {  	s16 =	sshll.u32 s0, $0xA;
	s2 =	sadd.s32 s3, s2  }
0x8d: {  	s2 =	sadd.s32 s2, s16  }
0x8e: {  	[smem:$0x3FBF] =	sst s2  }
0x8f: {  	_ = 	snop  }
0x90: {  	(tm) =	ssettm $0x1  }
0x91: {  	s17 =	sld [smem:$0x3FFB];
	_ =	sdelay $0x3  }
0x92: {  	_ =	strace s17  }
0x93: {  	s2 =	sld [smem:$0x3FFC];
	_ =	sdelay $0x3  }
0x94: {  	_ =	strace s2  }
0x95: {  	s2 =	sld [smem:$0x3FFD];
	_ =	sdelay $0x3  }
0x96: {  	_ =	strace s2  }
0x97: {  	_ =	strace $0x8FFFFFFF  }
0x98: {  	s18 =	sld [smem:$0x3FDB];
	_ =	sdelay $0x1  }
0x99: {  	s19 =	simm.s32 $_scs_section_size  }
0x9a: {  	s4 =	simm.s32 $_size__tile_overlayer_lowered;
	s5 =	simm.s32 $_tile_overlayer_lowered  }
0x9b: {  	s22 =	simm.s32 $0x1BFF;
	s21 =	sshll.u32 s5, $0x1;
	s2 =	sadd.s32 s19, s18  }
0x9c: {  	s6 =	simm.s32 $0x0;
	s20 =	sshll.u32 s4, $0x1;
	s4 =	sadd.s32 s21, s2  }
0x9d: {  	[timem:s6], [sflag:s22] =	dma.local [hbm:s4], s20  }
0x9e: {  	_ =	swait.ge [sflag:s22], s20  }
0x9f: {  	s3 =	ssub.s32 $0x0, s20;
	[sflag:s22] =	ssyncset.done $0x0  }
0xa0: {  	[sflag:s22] =	ssyncadd.s32 s3;
	_ =	sdelay $0x1  }
0xa1: {  	s23 =	simm.s32 $0x1B8B  }
0xa2: {  	_ =	swait.ge [sflag:s23], $0x1  }
0xa3: {  	[sflag:s23] =	ssyncset.done $0x0  }
0xa4: {  	s25 =	simm.s32 $0x1B8E;
	s24 =	sld [smem:$0x3FFE];
	[sflag:s23] =	ssyncadd.s32 $0xFFFFFFFF  }
0xa5: {  	s26 =	simm.s32 $execute0_lowered;
	[smem:$0x3FD2] =	sst s25  }
0xa6: {  	s4 =	sshll.u32 s26, $0x1;
	_ =	strace $0x8000004C;
	[dreg:$0x1] =	wrdreg $0xFFFFFFFF  }
0xa7: {  	s28 =	simm.s32 $_size_execute0_lowered;
	s2 =	sadd.s32 s2, s4;
	[dreg:$0x0] =	wrdreg $0x0  }
0xa8: {  	s4 =	sshll.u32 s28, $0x1;
	[dreg:$0x2] =	wrdreg s2  }
0xa9: {  	[dreg:$0x3] =	wrdreg s4  }
0xaa: {  	[dreg:$0x4] =	wrdreg $0xC0  }
0xab: {  	_ =	task [dreg:s6], $0x5FFFF  }
0xac: {  	[dreg:$0x1] =	wrdreg $0xFFFFFFFF  }
0xad: {  	[dreg:$0x0] =	wrdreg $0x60  }
0xae: {  	[dreg:$0x2] =	wrdreg s24  }
0xaf: {  	[dreg:$0x3] =	wrdreg $0xE0000  }
0xb0: {  	[dreg:$0x4] =	wrdreg $0x9  }
0xb1: {  	_ =	task.clear_ibuf [dreg:s6], $0x5FFFF;
	_ =	strace $0x9000004C  }
0xb2: {  	s29 =	simm.s32 $0x9;
	_ =	strace $0x8000004E  }
0xb3: {  	_ =	swait.ge [sflag:s29], $0x1  }
0xb4: {  	[sflag:s29] =	ssyncadd.s32 $0xFFFFFFFF  }
0xb5: {  	_ =	strace $0x9000004E  }
0xb6: {  	_ =	sfence  }
0xb7: {  	s30 =	sld [smem:$0x0];
	_ =	sdelay $0x2  }
0xb8: {  	s31 =	sshll.u32 s1, $0xD;
	s1 =	sshrl.u32 s1, $0x2  }
0xb9: {  	s3 =	sand.u32 $0x4000, s31;
	s1 =	sadd.s32 s1, s30  }
0xba: {  	s0 =	sor.u32 s3, s0;
	s1 =	sshll.u32 s1, $0x11  }
0xbb: {  	s0 =	sor.u32 s1, s0  }
0xbc: {  	s0 =	sadd.s32 $0x8F2B, s0  }
0xbd: {  	[sflag:s0] =	ssyncadd.remote.s32 $0x1  }
0xbe: {  	_ =	sfence.sel $0xFFFF  }
0xbf: {  	[dreg:$0x0] =	wrdreg $0xFFFFFFFF;
	(pc) =	sbr.abs _section_cstart, $3  }
0xc0: {  	[dreg:$0x1] =	wrdreg $0xFFFFFFFF  }
0xc1: {  	_ =	task.clear_ibuf [dreg:s6], $0x2FFFF;
	_ =	strace $0x9FFFFFFF  }
0xc2: {  	(tm) =	ssettm $0x7FFFFFFF  }
0xc3: {  	_ =	shalt  }
tec
execute0_lowered:
.L_overlay_start_1:
0x0: {  	(tag) =	ssettag $0x1  }
0x1: {  	s0 =	srdreg.scid;
	s1 =	rddreg [dreg:$0x0]  }
0x2: {  	s9 =	stileid.u32;
	s2 =	rddreg [dreg:$0x1];
	s3 =	simm.s32 $0x0  }
0x3: {  	s14 =	simm.s32 $0x9;
	s15 =	simm.s32 $0x5000;
	s16 =	simm.s32 $0xA000  }
0x4: {  	s17 =	simm.s32 $0x80;
	s18 =	simm.s32 $0xB000;
	s19 =	simm.s32 $0xD000  }
0x5: {  	s20 =	simm.s32 $0xC000;
	s21 =	simm.s32 $0x1;
	s22 =	simm.s32 $0x3  }
0x6: {  	s23 =	simm.s32 $0x6;
	s24 =	simm.s32 $0x8;
	s4 =	smul.u32 $0x5000, s9  }
0x7: {  	s25 =	simm.s32 $0x2;
	s0 =	sand.u32 $0x1, s0;
	s6 =	smul.u32 $0xA00, s9  }
0x8: {  	s28 =	simm.s32 $0x5;
	s29 =	simm.s32 $0x7;
	s5 =	smul.u32 $0x50000, s0  }
0x9: {  	[smem:$0x7FF] =	sst s3;
	s7 =	smul.u32 $0xA000, s0;
	s0 =	ssub.s32 $0x2, s0  }
0xa: {  	s26 =	smul.u32 $0x14000, s9;
	_ =	strace $0x8000004D;
	s31 =	sshrl.u32 s0, $0x1  }
0xb: {  	s5 =	sadd.s32 s4, s5;
	s4 =	sshrl.u32 s4, $0x3;
	s6 =	sadd.s32 s6, s7  }
0xc: {  	s0 =	ssub.s32 s0, s31;
	s5 =	sshrl.u32 s5, $0x3;
	s30 =	sadd.s32 s4, s1  }
0xd: {  	s4 =	sadd.s32 $0xC0E00, s1;
	s13 =	smax.u32 s0, $0x1;
	s8 =	sadd.s32 s5, s1  }
0xe: {  	s5 =	sshrl.u32 s26, $0x2;
	s1 =	sadd.s32 s6, s1;
	s7 =	sadd.s32 $0x2E00, s30  }
0xf: {  	s26 =	simm.s32 $0x4;
	s5 =	sadd.s32 s5, s2;
	s6 =	sadd.s32 $0x5CE00, s8  }
0x10: {  	s12 =	sadd.s32 $0xD4E00, s1;
	s1 =	simm.s32 $0x0;
	s8 =	sadd.s32 $0x1000, s5  }
0x11: {  	v0 =	vimm.f32 $0.0e+00;
	s9 =	sadd.s32 $0x2000, s5;
	s10 =	sadd.s32 $0x3000, s5;
	s11 =	sadd.s32 $0x4000, s5  }
.LBB2_1:
0x12: {  	[tilespmem:s3], [sflag:$0x9] =	stream.linear.gather [hbm4b:s6+s3], $0x5000, $0x38;
	[tilespmem:$0x13000] =	vst v63  }
0x13: {  	_ =	swait.ge [sflag:s14], $0x5000  }
0x14: {  	[sflag:s14] =	ssyncset.done $0x0  }
0x15: {  	[sflag:s14] =	ssyncadd.s32 $0xFFFFB000  }
0x16: {  	[tilespmem:s15], [sflag:$0x9] =	stream.linear.gather [hbm4b:s7+s3], $0x5000, $0x38;
	[tilespmem:$0x13000] =	vst v63  }
0x17: {  	_ =	swait.ge [sflag:s14], $0x5000  }
0x18: {  	[sflag:s14] =	ssyncset.done $0x0  }
0x19: {  	s0 =	simm.s32 $0x0;
	[sflag:s14] =	ssyncadd.s32 $0xFFFFB000  }
0x1a: {  	[tilespmem:s0+$0xD010] =	vst v0  }
0x1b: {  	[tilespmem:s0+$0xA000] =	vst v0  }
0x1c: {  	[tilespmem:s0+$0xB000] =	vst v0  }
0x1d: {  	[tilespmem:s0+$0xD000] =	vst v0  }
0x1e: {  	s30 =	simm.s32 $0x80;
	[tilespmem:s0+$0xA010] =	vst v0  }
.LBB2_2:
0x1f: {  	p0 =	sne.s32 s30, $0x3F80;
	[tilespmem:s0+$0xB010] =	vst v0;
	s0 =	sshra.s32 s30, $0x2;
	s30 =	sadd.s32 $0x80, s30  }
.Ltmp0:
0x20: {  	[tilespmem:s0+$0xD010] =	vst v0;
	(pc) =	sbr.rel @p0 .LBB2_2-.Ltmp0, $4  }
0x21: {  	[tilespmem:s0+$0xA000] =	vst v0  }
0x22: {  	[tilespmem:s0+$0xB000] =	vst v0  }
0x23: {  	[tilespmem:s0+$0xD000] =	vst v0  }
0x24: {  	[tilespmem:s0+$0xA010] =	vst v0  }
0x25: {  	[tilespmem:s0+$0xB010] =	vst v0  }
0x26: {  	[spmem:s5] =	stream.linear.scatter [tilespmem:s16], [sflag:$0x9], $0x1000, $0x38;
	[tilespmem:$0x13000] =	vst v63  }
0x27: {  	_ =	swait.ge [sflag:s14], $0x1000  }
0x28: {  	[sflag:s14] =	ssyncset.done $0x0  }
0x29: {  	[sflag:s14] =	ssyncadd.s32 $0xFFFFF000  }
0x2a: {  	[spmem:s8] =	stream.linear.scatter [tilespmem:s16], [sflag:$0x9], $0x1000, $0x38;
	[tilespmem:$0x13000] =	vst v63  }
0x2b: {  	_ =	swait.ge [sflag:s14], $0x1000  }
0x2c: {  	[sflag:s14] =	ssyncset.done $0x0  }
0x2d: {  	[sflag:s14] =	ssyncadd.s32 $0xFFFFF000  }
0x2e: {  	[spmem:s9] =	stream.linear.scatter [tilespmem:s16], [sflag:$0x9], $0x1000, $0x38;
	[tilespmem:$0x13000] =	vst v63  }
0x2f: {  	_ =	swait.ge [sflag:s14], $0x1000  }
0x30: {  	[sflag:s14] =	ssyncset.done $0x0  }
0x31: {  	[sflag:s14] =	ssyncadd.s32 $0xFFFFF000  }
0x32: {  	[spmem:s10] =	stream.linear.scatter [tilespmem:s16], [sflag:$0x9], $0x1000, $0x38;
	[tilespmem:$0x13000] =	vst v63  }
0x33: {  	_ =	swait.ge [sflag:s14], $0x1000  }
0x34: {  	[sflag:s14] =	ssyncset.done $0x0  }
0x35: {  	[sflag:s14] =	ssyncadd.s32 $0xFFFFF000  }
0x36: {  	[spmem:s11] =	stream.linear.scatter [tilespmem:s16], [sflag:$0x9], $0x1000, $0x38;
	[tilespmem:$0x13000] =	vst v63  }
0x37: {  	_ =	swait.ge [sflag:s14], $0x1000  }
0x38: {  	[sflag:s14] =	ssyncset.done $0x0  }
0x39: {  	[sflag:s14] =	ssyncadd.s32 $0xFFFFF000  }
0x3a: {  	[bflag:$0x0] =	sbarrier.arrive $0xFFFF  }
0x3b: {  	[spmem:s2] =	stream.indirect.scatter.add.f32 [tilespmem:s18], [sflag:$0x6], $0x20, s15, s17, $0xb8;
	[tilespmem:$0x13000] =	vst v63  }
0x3c: {  	_ = 	snop  }
0x3d: {  	[spmem:s2] =	stream.indirect.scatter.add.f32 [tilespmem:s19], [sflag:$0x8], $0x20, s15, s17, $0xb8;
	[tilespmem:$0x13000] =	vst v63  }
0x3e: {  	s31 =	simm.s32 $0x0  }
0x3f: {  	[tilespmem:s16], [sflag:$0x1] =	stream.indirect.gather [hbm4b:s4+s17], $0x20, s31, s17, $0xb8;
	[tilespmem:$0x13000] =	vst v63  }
0x40: {  	_ = 	snop  }
0x41: {  	[tilespmem:s20], [sflag:$0x3] =	stream.indirect.gather [hbm4b:s4+s17], $0x20, s17, s17, $0xb8;
	[tilespmem:$0x13000] =	vst v63  }
0x42: {  	_ =	swait.ge [sflag:s21], $0x1000  }
0x43: {  	[sflag:s21] =	ssyncset.done $0x0  }
0x44: {  	s31 =	simm.s32 $0x5000;
	[sflag:s21] =	ssyncadd.s32 $0xFFFFF000  }
0x45: {  	[spmem:s2] =	stream.indirect.scatter.add.f32 [tilespmem:s16], [sflag:$0x5], $0x20, s31, s17, $0xb8;
	[tilespmem:$0x13000] =	vst v63  }
0x46: {  	_ =	swait.ge [sflag:s22], $0x1000  }
0x47: {  	[sflag:s22] =	ssyncset.done $0x0  }
0x48: {  	s31 =	simm.s32 $0x5080;
	[sflag:s22] =	ssyncadd.s32 $0xFFFFF000  }
0x49: {  	[spmem:s2] =	stream.indirect.scatter.add.f32 [tilespmem:s20], [sflag:$0x7], $0x20, s31, s17, $0xb8;
	[tilespmem:$0x13000] =	vst v63  }
0x4a: {  	_ =	swait.ge [sflag:s23], $0x1000  }
0x4b: {  	[sflag:s23] =	ssyncset.done $0x0  }
0x4c: {  	s31 =	simm.s32 $0x100;
	[sflag:s23] =	ssyncadd.s32 $0xFFFFF000  }
0x4d: {  	[tilespmem:s18], [sflag:$0x2] =	stream.indirect.gather [hbm4b:s4+s17], $0x20, s31, s17, $0xb8;
	[tilespmem:$0x13000] =	vst v63  }
0x4e: {  	_ =	swait.ge [sflag:s24], $0x1000  }
0x4f: {  	[sflag:s24] =	ssyncset.done $0x0  }
0x50: {  	s31 =	simm.s32 $0x180;
	[sflag:s24] =	ssyncadd.s32 $0xFFFFF000  }
0x51: {  	[tilespmem:s19], [sflag:$0x4] =	stream.indirect.gather [hbm4b:s4+s17], $0x20, s31, s17, $0xb8;
	[tilespmem:$0x13000] =	vst v63  }
0x52: {  	_ =	swait.ge [sflag:s25], $0x1000  }
0x53: {  	[sflag:s25] =	ssyncset.done $0x0  }
0x54: {  	s31 =	simm.s32 $0x5100;
	[sflag:s25] =	ssyncadd.s32 $0xFFFFF000  }
0x55: {  	[spmem:s2] =	stream.indirect.scatter.add.f32 [tilespmem:s18], [sflag:$0x6], $0x20, s31, s17, $0xb8;
	[tilespmem:$0x13000] =	vst v63  }
0x56: {  	_ =	swait.ge [sflag:s26], $0x1000  }
0x57: {  	[sflag:s26] =	ssyncset.done $0x0  }
0x58: {  	s31 =	simm.s32 $0x5180;
	[sflag:s26] =	ssyncadd.s32 $0xFFFFF000  }
0x59: {  	[spmem:s2] =	stream.indirect.scatter.add.f32 [tilespmem:s19], [sflag:$0x8], $0x20, s31, s17, $0xb8;
	[tilespmem:$0x13000] =	vst v63  }
0x5a: {  	_ =	swait.ge [sflag:s28], $0x1000  }
0x5b: {  	[sflag:s28] =	ssyncset.done $0x0  }
0x5c: {  	s31 =	simm.s32 $0x200;
	[sflag:s28] =	ssyncadd.s32 $0xFFFFF000  }
0x5d: {  	[tilespmem:s16], [sflag:$0x1] =	stream.indirect.gather [hbm4b:s4+s17], $0x20, s31, s17, $0xb8;
	[tilespmem:$0x13000] =	vst v63  }
0x5e: {  	_ =	swait.ge [sflag:s29], $0x1000  }
0x5f: {  	[sflag:s29] =	ssyncset.done $0x0  }
0x60: {  	s0 =	simm.s32 $0x800;
	s30 =	simm.s32 $0x280;
	[sflag:s29] =	ssyncadd.s32 $0xFFFFF000  }
.LBB2_4:
0x61: {  	[tilespmem:s20], [sflag:$0x3] =	stream.indirect.gather [hbm4b:s4+s17], $0x20, s30, s17, $0xb8;
	[tilespmem:$0x13000] =	vst v63  }
0x62: {  	s30 =	smov.u32 s0  }
0x63: {  	p0 =	sne.s32 s0, $0x13000;
	s0 =	sadd.s32 $0x800, s0;
	_ =	swait.ge [sflag:s21], $0x1000  }
0x64: {  	s30 =	sshra.s32 s30, $0x2;
	[sflag:s21] =	ssyncset.done $0x0  }
0x65: {  	s31 =	sadd.s32 $0x5000, s30;
	[sflag:s21] =	ssyncadd.s32 $0xFFFFF000  }
0x66: {  	[spmem:s2] =	stream.indirect.scatter.add.f32 [tilespmem:s16], [sflag:$0x5], $0x20, s31, s17, $0xb8;
	[tilespmem:$0x13000] =	vst v63  }
0x67: {  	_ =	swait.ge [sflag:s22], $0x1000  }
0x68: {  	[sflag:s22] =	ssyncset.done $0x0  }
0x69: {  	s31 =	sadd.s32 $0x5080, s30;
	[sflag:s22] =	ssyncadd.s32 $0xFFFFF000  }
0x6a: {  	[spmem:s2] =	stream.indirect.scatter.add.f32 [tilespmem:s20], [sflag:$0x7], $0x20, s31, s17, $0xb8;
	[tilespmem:$0x13000] =	vst v63  }
0x6b: {  	_ =	swait.ge [sflag:s23], $0x1000  }
0x6c: {  	[sflag:s23] =	ssyncset.done $0x0  }
0x6d: {  	s31 =	sadd.s32 $0x100, s30;
	[sflag:s23] =	ssyncadd.s32 $0xFFFFF000  }
0x6e: {  	[tilespmem:s18], [sflag:$0x2] =	stream.indirect.gather [hbm4b:s4+s17], $0x20, s31, s17, $0xb8;
	[tilespmem:$0x13000] =	vst v63  }
0x6f: {  	_ =	swait.ge [sflag:s24], $0x1000  }
0x70: {  	[sflag:s24] =	ssyncset.done $0x0  }
0x71: {  	s31 =	sadd.s32 $0x180, s30;
	[sflag:s24] =	ssyncadd.s32 $0xFFFFF000  }
0x72: {  	[tilespmem:s19], [sflag:$0x4] =	stream.indirect.gather [hbm4b:s4+s17], $0x20, s31, s17, $0xb8;
	[tilespmem:$0x13000] =	vst v63  }
0x73: {  	_ =	swait.ge [sflag:s25], $0x1000  }
0x74: {  	[sflag:s25] =	ssyncset.done $0x0  }
0x75: {  	s31 =	sadd.s32 $0x5100, s30;
	[sflag:s25] =	ssyncadd.s32 $0xFFFFF000  }
0x76: {  	[spmem:s2] =	stream.indirect.scatter.add.f32 [tilespmem:s18], [sflag:$0x6], $0x20, s31, s17, $0xb8;
	[tilespmem:$0x13000] =	vst v63  }
0x77: {  	_ =	swait.ge [sflag:s26], $0x1000  }
0x78: {  	[sflag:s26] =	ssyncset.done $0x0  }
0x79: {  	s31 =	sadd.s32 $0x5180, s30;
	[sflag:s26] =	ssyncadd.s32 $0xFFFFF000  }
0x7a: {  	[spmem:s2] =	stream.indirect.scatter.add.f32 [tilespmem:s19], [sflag:$0x8], $0x20, s31, s17, $0xb8;
	[tilespmem:$0x13000] =	vst v63  }
0x7b: {  	_ =	swait.ge [sflag:s28], $0x1000  }
0x7c: {  	[sflag:s28] =	ssyncset.done $0x0  }
.Ltmp1:
0x7d: {  	s31 =	sadd.s32 $0x200, s30;
	[sflag:s28] =	ssyncadd.s32 $0xFFFFF000;
	(pc) =	sbr.rel @p0 .LBB2_4-.Ltmp1, $4  }
0x7e: {  	[tilespmem:s16], [sflag:$0x1] =	stream.indirect.gather [hbm4b:s4+s17], $0x20, s31, s17, $0xb8;
	[tilespmem:$0x13000] =	vst v63  }
0x7f: {  	_ =	swait.ge [sflag:s29], $0x1000  }
0x80: {  	[sflag:s29] =	ssyncset.done $0x0  }
0x81: {  	s30 =	sadd.s32 $0x280, s30;
	[sflag:s29] =	ssyncadd.s32 $0xFFFFF000  }
0x82: {  	[tilespmem:s20], [sflag:$0x3] =	stream.indirect.gather [hbm4b:s4+s17], $0x20, s30, s17, $0xb8;
	[tilespmem:$0x13000] =	vst v63  }
0x83: {  	_ =	swait.ge [sflag:s21], $0x1000  }
0x84: {  	[sflag:s21] =	ssyncset.done $0x0  }
0x85: {  	s0 =	simm.s32 $0x9E00;
	[sflag:s21] =	ssyncadd.s32 $0xFFFFF000  }
0x86: {  	[spmem:s2] =	stream.indirect.scatter.add.f32 [tilespmem:s16], [sflag:$0x5], $0x20, s0, s17, $0xb8;
	[tilespmem:$0x13000] =	vst v63  }
0x87: {  	_ =	swait.ge [sflag:s22], $0x1000  }
0x88: {  	[sflag:s22] =	ssyncset.done $0x0  }
0x89: {  	s31 =	simm.s32 $0x9E80;
	[sflag:s22] =	ssyncadd.s32 $0xFFFFF000  }
0x8a: {  	[spmem:s2] =	stream.indirect.scatter.add.f32 [tilespmem:s20], [sflag:$0x7], $0x20, s31, s17, $0xb8;
	[tilespmem:$0x13000] =	vst v63  }
0x8b: {  	_ =	swait.ge [sflag:s23], $0x1000  }
0x8c: {  	[sflag:s23] =	ssyncset.done $0x0  }
0x8d: {  	s30 =	simm.s32 $0x4F00;
	[sflag:s23] =	ssyncadd.s32 $0xFFFFF000  }
0x8e: {  	[tilespmem:s18], [sflag:$0x2] =	stream.indirect.gather [hbm4b:s4+s17], $0x20, s30, s17, $0xb8;
	[tilespmem:$0x13000] =	vst v63  }
0x8f: {  	_ =	swait.ge [sflag:s24], $0x1000  }
0x90: {  	[sflag:s24] =	ssyncset.done $0x0  }
0x91: {  	s31 =	simm.s32 $0x4F80;
	[sflag:s24] =	ssyncadd.s32 $0xFFFFF000  }
0x92: {  	[tilespmem:s19], [sflag:$0x4] =	stream.indirect.gather [hbm4b:s4+s17], $0x20, s31, s17, $0xb8;
	[tilespmem:$0x13000] =	vst v63  }
0x93: {  	_ =	swait.ge [sflag:s25], $0x1000  }
0x94: {  	[sflag:s25] =	ssyncset.done $0x0  }
0x95: {  	s30 =	simm.s32 $0x9F00;
	[sflag:s25] =	ssyncadd.s32 $0xFFFFF000  }
0x96: {  	[spmem:s2] =	stream.indirect.scatter.add.f32 [tilespmem:s18], [sflag:$0x6], $0x20, s30, s17, $0xb8;
	[tilespmem:$0x13000] =	vst v63  }
0x97: {  	_ =	swait.ge [sflag:s26], $0x1000  }
0x98: {  	[sflag:s26] =	ssyncset.done $0x0  }
0x99: {  	s31 =	simm.s32 $0x9F80;
	[sflag:s26] =	ssyncadd.s32 $0xFFFFF000  }
0x9a: {  	[spmem:s2] =	stream.indirect.scatter.add.f32 [tilespmem:s19], [sflag:$0x8], $0x20, s31, s17, $0xb8;
	[tilespmem:$0x13000] =	vst v63  }
0x9b: {  	_ =	swait.ge [sflag:s28], $0x1000  }
0x9c: {  	[sflag:s28] =	ssyncset.done $0x0  }
0x9d: {  	[sflag:s28] =	ssyncadd.s32 $0xFFFFF000  }
0x9e: {  	[tilespmem:s16], [sflag:$0x1] =	stream.indirect.gather [hbm4b:s4+s17], $0x20, s3, s17, $0xb8;
	[tilespmem:$0x13000] =	vst v63  }
0x9f: {  	_ =	swait.ge [sflag:s29], $0x1000  }
0xa0: {  	[sflag:s29] =	ssyncset.done $0x0  }
0xa1: {  	[sflag:s29] =	ssyncadd.s32 $0xFFFFF000  }
0xa2: {  	[tilespmem:s20], [sflag:$0x3] =	stream.indirect.gather [hbm4b:s4+s17], $0x20, s17, s17, $0xb8;
	[tilespmem:$0x13000] =	vst v63  }
0xa3: {  	_ =	swait.ge [sflag:s21], $0x1000  }
0xa4: {  	[sflag:s21] =	ssyncset.done $0x0  }
0xa5: {  	[sflag:s21] =	ssyncadd.s32 $0xFFFFF000  }
0xa6: {  	_ =	swait.ge [sflag:s22], $0x1000  }
0xa7: {  	[sflag:s22] =	ssyncset.done $0x0  }
0xa8: {  	[sflag:s22] =	ssyncadd.s32 $0xFFFFF000  }
0xa9: {  	_ =	swait.ge [sflag:s23], $0x1000  }
0xaa: {  	[sflag:s23] =	ssyncset.done $0x0  }
0xab: {  	[sflag:s23] =	ssyncadd.s32 $0xFFFFF000  }
0xac: {  	s30 =	stileid.u32;
	_ =	swait.ge [sflag:s24], $0x1000  }
0xad: {  	s1 =	sadd.s32 $0x1, s1;
	s0 =	sshll.u32 s30, $0x6;
	[sflag:s24] =	ssyncset.done $0x0  }
0xae: {  	p0 =	sne.s32 s1, s13;
	s0 =	sor.u32 $0x1C09, s0;
	[sflag:s24] =	ssyncadd.s32 $0xFFFFF000  }
.Ltmp2:
0xaf: {  	s31 =	sshrl.u32 s5, $0x3;
	[bflag:$0x0] =	sbarrier.arrive $0xFFFF;
	(pc) =	sbr.rel @p0 .LBB2_1-.Ltmp2, $4  }
0xb0: {  	[hbm:s12], [sflag:s0] =	dma.local [spmem:s31], $0xA00  }
0xb1: {  	_ =	swait.ge [sflag:s14], $0xA00  }
0xb2: {  	[sflag:s14] =	ssyncset.done $0x0  }
0xb3: {  	[sflag:s14] =	ssyncadd.s32 $0xFFFFF600  }
0xb4: {  	_ =	sfence.sel $0x180000  }
0xb5: {  	[bflag:$0x0] =	sbarrier.arrive $0xFFFF  }
0xb6: {  	_ =	strace $0x9000004D  }
0xb7: {  	s0 =	stileid.u32;
	[bflag:$0x2] =	sbarrier.arrive $0xFFFF  }
0xb8: {  	p0 =	sne.s32 s0, $0x0;
	s0 =	rddreg [dreg:$0x2]  }
0xb9: {  	s0 =	sadd.s32 @!p0 $0x100000, s0  }
0xba: {  	[sflag:s0] =	ssyncadd.tile.s32 @!p0 $0x1;
	_ =	shalt  }
.Lfunc_end2:
_tile_overlayer_lowered:
.L_overlay_start_2:
0xbb: {  	(tag) =	ssettag $0x2  }
0xbc: {  	s0 =	rddreg [dreg:$0x0];
	s2 =	stileid.u32  }
0xbd: {  	s1 =	rddreg [dreg:$0x1];
	p0 =	sne.s32 s2, $0x0  }
0xbe: {  	s3 =	rddreg [dreg:$0x2];
	[bflag:$0x3] =	sbarrier.arrive $0xFFFF;
	s2 =	simm.s32 @!p0 $0x1C09  }
0xbf: {  	[timem:s3], [sflag:s2] =	dma.local @!p0 [hbm:s0], s1  }
0xc0: {  	s0 =	simm.s32 @!p0 $0x9  }
0xc1: {  	_ =	swait.ge @!p0 [sflag:s0], s1  }
0xc2: {  	s1 =	ssub.s32 @!p0 $0x0, s1;
	[sflag:s0] =	ssyncset.done @!p0 $0x0  }
0xc3: {  	[sflag:s0] =	ssyncadd.s32 @!p0 s1  }
0xc4: {  	[bflag:$0x3] =	sbarrier.arrive $0xFFFF  }
0xc5: {  	_ =	shalt  }

// kernel: kernel.8.cloned.1.call-start
scs
__scs_entry_jumppad:
0x0: {  	(pc) =	sbr.rel $0x88, $3  }
0x1: {  	(tag) =	ssettag $0x0;
	lr =	simm.s32 $0x1  }
0x2: {  	[smem:$0x3F98] =	sst lr;
	_ =	strace $0xD0000000  }
0x3: {  	_ = 	snop  }
0x4: {  	_ = 	snop  }
0x5: {  	_ = 	snop  }
0x6: {  	_ = 	snop  }
0x7: {  	_ = 	snop  }
__scs_overlays_trampoline_lowered:
0x8: {  	[smem:$0x3FA7] =	sst s0  }
0x9: {  	[smem:$0x3FA8] =	sst s1  }
0xa: {  	[smem:$0x3FA9] =	sst s2  }
0xb: {  	[smem:$0x3FAA] =	sst s3  }
0xc: {  	[smem:$0x3FAB] =	sst s4  }
0xd: {  	[smem:$0x3FAC] =	sst s5  }
0xe: {  	[smem:$0x3FAD] =	sst s6  }
0xf: {  	[smem:$0x3FAE] =	sst s7  }
0x10: {  	[smem:$0x3FAF] =	sst s8  }
0x11: {  	[smem:$0x3FB0] =	sst s9;
	s0 =	simm.s32 @!p0 $0x0  }
0x12: {  	s1 =	sld [smem:$0x3F96];
	s0 =	simm.s32 @p0 $0x1  }
0x13: {  	[smem:$0x3FB1] =	sst s0;
	s0 =	simm.s32 @!p1 $0x0  }
0x14: {  	s2 =	sld [smem:$0x3F95];
	s0 =	simm.s32 @p1 $0x1  }
0x15: {  	[smem:$0x3FB2] =	sst s0;
	s0 =	simm.s32 @!p2 $0x0  }
0x16: {  	s3 =	sld [smem:$0x3FDB];
	s0 =	simm.s32 @p2 $0x1  }
0x17: {  	s4 =	simm.s32 $0x1BF5;
	[smem:$0x3FB4] =	sst s0  }
0x18: {  	s0 =	sld [smem:$0x3F97];
	_ =	swait.ge [sflag:s4], $0x0  }
0x19: {  	s7 =	sld [smem:$0x3F98]  }
0x1a: {  	s8 =	sadd.s32 $0xFFFFE003, lr  }
0x1b: {  	s9 =	sadd.s32 $0xFFFFFEF7, lr;
	s5 =	simm.s32 $0xFFFFFFFF;
	p2 =	slt.u32 s8, $0xFFFFF086  }
0x1c: {  	p1 =	slt.u32 s9, $0xF7A;
	s5 =	simm.s32 @!p2 $0x0  }
0x1d: {  	s5 =	simm.s32 @p1 $0x1;
	p0 =	seq.s32 s7, s2  }
0x1e: {  	s7 =	smul.u32 @!p0 $0xF7A, s2;
	p2 =	seq.s32 @!p0 s5, $0x0  }
0x1f: {  	s9 =	smul.u32 $0xF7A, s1;
	s8 =	simm.s32 @!p0 $0x1BF5;
	p2 =	por !p2, p0  }
0x20: {  	[sflag:s8] =	ssyncset.s32 @!p0 $0xFFFFF086;
	s6 =	sadd.s32 @!p0 s3, s7;
	s7 =	simm.s32 @!p0 $0x108  }
0x21: {  	s3 =	sadd.s32 s3, s9;
	s6 =	sadd.s32 @!p0 $0x88, s6;
	s7 =	simm.s32 @p2 $0x1082  }
0x22: {  	[simem:s7], [sflag:s8] =	dma.local @!p0 [hbm:s6], $0xF7A  }
0x23: {  	s9 =	sor.u32 $0xD0000000, s2;
	s6 =	simm.s32 $0x108;
	_ =	swait.ge @!p0 [sflag:s8], $0x0  }
0x24: {  	s3 =	sadd.s32 $0x88, s3;
	s6 =	simm.s32 @!p1 $0x1082;
	[sflag:s4] =	ssyncset.s32 $0xFFFFF086  }
0x25: {  	[simem:s6], [sflag:s4] =	dma.local [hbm:s3], $0xF7A  }
0x26: {  	[smem:$0x3F98] =	sst s1;
	(tag) =	ssettag s2;
	_ =	strace s9  }
0x27: {  	s1 =	sld [smem:$0x3FA8]  }
0x28: {  	s2 =	sld [smem:$0x3FA9]  }
0x29: {  	s4 =	sld [smem:$0x3FAB]  }
0x2a: {  	p0 =	seq.s32 s5, $0x0;
	s5 =	sld [smem:$0x3FAC]  }
0x2b: {  	s6 =	sld [smem:$0x3FAD]  }
0x2c: {  	s7 =	sld [smem:$0x3FAE]  }
0x2d: {  	s3 =	simm.s32 $0x108;
	s8 =	sld [smem:$0x3FAF]  }
0x2e: {  	s3 =	simm.s32 @!p0 $0x1082;
	s9 =	sld [smem:$0x3FB0]  }
0x2f: {  	lr =	sadd.s32 s0, s3;
	s0 =	sld [smem:$0x3FA7]  }
0x30: {  	s3 =	sld [smem:$0x3FAA]  }
0x31: {  	[smem:$0x3FB3] =	sst s10  }
0x32: {  	s10 =	sld [smem:$0x3FB1];
	_ =	sdelay $0x3  }
0x33: {  	p0 =	seq.s32 s10, $0x1;
	s10 =	sld [smem:$0x3FB3];
	_ =	sdelay $0x3  }
0x34: {  	[smem:$0x3FB3] =	sst s10  }
0x35: {  	s10 =	sld [smem:$0x3FB2];
	_ =	sdelay $0x3  }
0x36: {  	p1 =	seq.s32 s10, $0x1;
	s10 =	sld [smem:$0x3FB3];
	_ =	sdelay $0x3  }
0x37: {  	[smem:$0x3FB3] =	sst s10  }
0x38: {  	s10 =	sld [smem:$0x3FB4]  }
0x39: {  	_ = 	snop;
	(pc) =	sbr.ind lr, $3  }
0x3a: {  	_ = 	snop  }
0x3b: {  	_ = 	snop  }
0x3c: {  	p2 =	seq.s32 s10, $0x1;
	s10 =	sld [smem:$0x3FB3]  }
0x3d: {  	_ =	shalt  }
0x3e: {  	_ =	shalt  }
0x3f: {  	_ =	shalt  }
0x40: {  	_ =	shalt  }
0x41: {  	_ =	shalt  }
0x42: {  	_ =	shalt  }
0x43: {  	_ =	shalt  }
0x44: {  	_ =	shalt  }
0x45: {  	_ =	shalt  }
0x46: {  	_ =	shalt  }
0x47: {  	_ =	shalt  }
0x48: {  	_ =	shalt  }
0x49: {  	_ =	shalt  }
0x4a: {  	_ =	shalt  }
0x4b: {  	_ =	shalt  }
0x4c: {  	_ =	shalt  }
0x4d: {  	_ =	shalt  }
0x4e: {  	_ =	shalt  }
0x4f: {  	_ =	shalt  }
0x50: {  	_ =	shalt  }
0x51: {  	_ =	shalt  }
0x52: {  	_ =	shalt  }
0x53: {  	_ =	shalt  }
0x54: {  	_ =	shalt  }
0x55: {  	_ =	shalt  }
0x56: {  	_ =	shalt  }
0x57: {  	_ =	shalt  }
0x58: {  	_ =	shalt  }
0x59: {  	_ =	shalt  }
0x5a: {  	_ =	shalt  }
0x5b: {  	_ =	shalt  }
0x5c: {  	_ =	shalt  }
0x5d: {  	_ =	shalt  }
0x5e: {  	_ =	shalt  }
0x5f: {  	_ =	shalt  }
0x60: {  	_ =	shalt  }
0x61: {  	_ =	shalt  }
0x62: {  	_ =	shalt  }
0x63: {  	_ =	shalt  }
0x64: {  	_ =	shalt  }
0x65: {  	_ =	shalt  }
0x66: {  	_ =	shalt  }
0x67: {  	_ =	shalt  }
0x68: {  	_ =	shalt  }
0x69: {  	_ =	shalt  }
0x6a: {  	_ =	shalt  }
0x6b: {  	_ =	shalt  }
0x6c: {  	_ =	shalt  }
0x6d: {  	_ =	shalt  }
0x6e: {  	_ =	shalt  }
0x6f: {  	_ =	shalt  }
0x70: {  	_ =	shalt  }
0x71: {  	_ =	shalt  }
0x72: {  	_ =	shalt  }
0x73: {  	_ =	shalt  }
0x74: {  	_ =	shalt  }
0x75: {  	_ =	shalt  }
0x76: {  	_ =	shalt  }
0x77: {  	_ =	shalt  }
0x78: {  	_ =	shalt  }
0x79: {  	_ =	shalt  }
0x7a: {  	_ =	shalt  }
0x7b: {  	_ =	shalt  }
0x7c: {  	_ =	shalt  }
0x7d: {  	_ =	shalt  }
0x7e: {  	_ =	shalt  }
0x7f: {  	_ =	shalt  }
0x80: {  	_ =	shalt  }
0x81: {  	_ =	shalt  }
0x82: {  	_ =	shalt  }
0x83: {  	_ =	shalt  }
0x84: {  	_ =	shalt  }
0x85: {  	_ =	shalt  }
0x86: {  	_ =	shalt  }
0x87: {  	_ =	shalt  }
.Lfunc_end0:
.L_simem_size_0:
called_computation_lowered:
.L_overlay_start_0:
0x88: {  	s2 =	sld [smem:$0x3FD9]  }
0x89: {  	s3 =	sld [smem:$0x3FFE];
	_ =	sdelay $0x1  }
0x8a: {  	s1 =	srdreg.scid  }
0x8b: {  	s0 =	sand.u32 $0x1, s1  }
0x8c: {  	s16 =	sshll.u32 s0, $0xA;
	s2 =	sadd.s32 s3, s2  }
0x8d: {  	s2 =	sadd.s32 s2, s16  }
0x8e: {  	[smem:$0x3FBF] =	sst s2  }
0x8f: {  	_ = 	snop  }
0x90: {  	(tm) =	ssettm $0x1  }
0x91: {  	s17 =	sld [smem:$0x3FFB];
	_ =	sdelay $0x3  }
0x92: {  	_ =	strace s17  }
0x93: {  	s2 =	sld [smem:$0x3FFC];
	_ =	sdelay $0x3  }
0x94: {  	_ =	strace s2  }
0x95: {  	s2 =	sld [smem:$0x3FFD];
	_ =	sdelay $0x3  }
0x96: {  	_ =	strace s2  }
0x97: {  	_ =	strace $0x8FFFFFFF  }
0x98: {  	s18 =	sld [smem:$0x3FDB];
	_ =	sdelay $0x1  }
0x99: {  	s19 =	simm.s32 $_scs_section_size  }
0x9a: {  	s4 =	simm.s32 $_size__tile_overlayer_lowered;
	s5 =	simm.s32 $_tile_overlayer_lowered  }
0x9b: {  	s22 =	simm.s32 $0x1BFF;
	s21 =	sshll.u32 s5, $0x1;
	s2 =	sadd.s32 s19, s18  }
0x9c: {  	s6 =	simm.s32 $0x0;
	s20 =	sshll.u32 s4, $0x1;
	s4 =	sadd.s32 s21, s2  }
0x9d: {  	[timem:s6], [sflag:s22] =	dma.local [hbm:s4], s20  }
0x9e: {  	_ =	swait.ge [sflag:s22], s20  }
0x9f: {  	s3 =	ssub.s32 $0x0, s20;
	[sflag:s22] =	ssyncset.done $0x0  }
0xa0: {  	[sflag:s22] =	ssyncadd.s32 s3;
	_ =	sdelay $0x1  }
0xa1: {  	s23 =	simm.s32 $0x1B8B  }
0xa2: {  	_ =	swait.ge [sflag:s23], $0x1  }
0xa3: {  	[sflag:s23] =	ssyncset.done $0x0  }
0xa4: {  	s25 =	simm.s32 $0x1B8E;
	s24 =	sld [smem:$0x3FFE];
	[sflag:s23] =	ssyncadd.s32 $0xFFFFFFFF  }
0xa5: {  	s26 =	simm.s32 $execute0_lowered;
	[smem:$0x3FD2] =	sst s25  }
0xa6: {  	s4 =	sshll.u32 s26, $0x1;
	_ =	strace $0x80000046;
	[dreg:$0x1] =	wrdreg $0xFFFFFFFF  }
0xa7: {  	s28 =	simm.s32 $_size_execute0_lowered;
	s2 =	sadd.s32 s2, s4;
	[dreg:$0x0] =	wrdreg $0x0  }
0xa8: {  	s4 =	sshll.u32 s28, $0x1;
	[dreg:$0x2] =	wrdreg s2  }
0xa9: {  	[dreg:$0x3] =	wrdreg s4  }
0xaa: {  	[dreg:$0x4] =	wrdreg $0xC0  }
0xab: {  	_ =	task [dreg:s6], $0x5FFFF  }
0xac: {  	[dreg:$0x1] =	wrdreg $0xFFFFFFFF  }
0xad: {  	[dreg:$0x0] =	wrdreg $0x60  }
0xae: {  	[dreg:$0x2] =	wrdreg s24  }
0xaf: {  	[dreg:$0x3] =	wrdreg $0xA8000  }
0xb0: {  	[dreg:$0x4] =	wrdreg $0x9  }
0xb1: {  	_ =	task.clear_ibuf [dreg:s6], $0x5FFFF;
	_ =	strace $0x90000046  }
0xb2: {  	s29 =	simm.s32 $0x9;
	_ =	strace $0x80000048  }
0xb3: {  	_ =	swait.ge [sflag:s29], $0x1  }
0xb4: {  	[sflag:s29] =	ssyncadd.s32 $0xFFFFFFFF  }
0xb5: {  	_ =	strace $0x90000048  }
0xb6: {  	_ =	sfence  }
0xb7: {  	s30 =	sld [smem:$0x0];
	_ =	sdelay $0x2  }
0xb8: {  	s31 =	sshll.u32 s1, $0xD;
	s1 =	sshrl.u32 s1, $0x2  }
0xb9: {  	s3 =	sand.u32 $0x4000, s31;
	s1 =	sadd.s32 s1, s30  }
0xba: {  	s0 =	sor.u32 s3, s0;
	s1 =	sshll.u32 s1, $0x11  }
0xbb: {  	s0 =	sor.u32 s1, s0  }
0xbc: {  	s0 =	sadd.s32 $0x8F2B, s0  }
0xbd: {  	[sflag:s0] =	ssyncadd.remote.s32 $0x1  }
0xbe: {  	_ =	sfence.sel $0xFFFF  }
0xbf: {  	[dreg:$0x0] =	wrdreg $0xFFFFFFFF;
	(pc) =	sbr.abs _section_cstart, $3  }
0xc0: {  	[dreg:$0x1] =	wrdreg $0xFFFFFFFF  }
0xc1: {  	_ =	task.clear_ibuf [dreg:s6], $0x2FFFF;
	_ =	strace $0x9FFFFFFF  }
0xc2: {  	(tm) =	ssettm $0x7FFFFFFF  }
0xc3: {  	_ =	shalt  }
tec
execute0_lowered:
.L_overlay_start_1:
0x0: {  	(tag) =	ssettag $0x1  }
0x1: {  	s5 =	rddreg [dreg:$0x0]  }
0x2: {  	s0 =	srdreg.scid;
	s2 =	rddreg [dreg:$0x1]  }
0x3: {  	s3 =	simm.s32 $0x0;
	s12 =	simm.s32 $0x1;
	s13 =	simm.s32 $0x6800  }
0x4: {  	s14 =	simm.s32 $0x80;
	s15 =	simm.s32 $0x2800;
	s4 =	sand.u32 $0x1, s0  }
0x5: {  	s18 =	simm.s32 $0x0;
	s0 =	stileid.u32;
	s7 =	smul.u32 $0x140000, s4  }
0x6: {  	[smem:$0x7FF] =	sst s3;
	s1 =	sshll.u32 s4, $0x4;
	s8 =	smul.u32 $0x14000, s0  }
0x7: {  	s9 =	smul.u32 $0x50000, s0;
	s4 =	ssub.s32 $0x2, s4;
	s16 =	sshll.u32 s0, $0x6  }
0x8: {  	s1 =	sor.u32 s0, s1;
	s31 =	sshrl.u32 s4, $0x1;
	s16 =	sor.u32 $0x1C01, s16  }
0x9: {  	s6 =	smul.u32 $0x500, s1;
	s1 =	rddreg [dreg:$0x2];
	_ =	strace $0x80000047  }
0xa: {  	s7 =	sadd.s32 s8, s7;
	s9 =	sshrl.u32 s9, $0x2;
	s11 =	ssub.s32 s4, s31  }
0xb: {  	s7 =	sshrl.u32 s7, $0x3;
	s4 =	sadd.s32 s9, s2;
	s11 =	smax.u32 s11, $0x1  }
0xc: {  	s6 =	sadd.s32 s6, s5;
	s10 =	sadd.s32 s7, s5;
	s7 =	sadd.s32 $0x8000, s4  }
0xd: {  	s8 =	sadd.s32 $0xC000, s4;
	s9 =	sadd.s32 $0x10000, s4;
	s17 =	sshrl.u32 s4, $0x3  }
0xe: {  	v0 =	vimm.f32 $1.000000000e+00;
	v1 =	vimm.f32 $0.0e+00;
	s5 =	sadd.s32 $0x2E00, s6;
	s6 =	sadd.s32 $0x4000, s4;
	s10 =	sadd.s32 $0xCE00, s10  }
.LBB2_1:
0xf: {  	[tilespmem:s3], [sflag:$0x1] =	stream.linear.gather [hbm4b:s5+s3], $0x2800, $0x38;
	[tilespmem:$0xD000] =	vst v63  }
0x10: {  	_ =	swait.ge [sflag:s12], $0x2800  }
0x11: {  	[sflag:s12] =	ssyncset.done $0x0  }
0x12: {  	s19 =	simm.s32 $0x200;
	s20 =	simm.s32 $0x0;
	[sflag:s12] =	ssyncadd.s32 $0xFFFFD800  }
.LBB2_2:
0x13: {  	p0 =	sne.s32 s19, $0xFE00;
	[tilespmem:s20+$0x2800] =	vst v0;
	s21 =	smov.u32 s19;
	s19 =	sadd.s32 $0x200, s19  }
.Ltmp0:
0x14: {  	[tilespmem:s20+$0x6800] =	vst v1;
	(pc) =	sbr.rel @p0 .LBB2_2-.Ltmp0, $2  }
0x15: {  	_ =	sdelay $0x2  }
0x16: {  	s20 =	sshra.s32 s21, $0x2  }
0x17: {  	[tilespmem:s20+$0x2800] =	vst v0  }
0x18: {  	[tilespmem:s20+$0x6800] =	vst v1  }
0x19: {  	[spmem:s4] =	stream.linear.scatter [tilespmem:s13], [sflag:$0x1], $0x4000, $0x38;
	[tilespmem:$0xD000] =	vst v63  }
0x1a: {  	_ =	swait.ge [sflag:s12], $0x4000  }
0x1b: {  	[sflag:s12] =	ssyncset.done $0x0  }
0x1c: {  	[sflag:s12] =	ssyncadd.s32 $0xFFFFC000  }
0x1d: {  	[spmem:s6] =	stream.linear.scatter [tilespmem:s13], [sflag:$0x1], $0x4000, $0x38;
	[tilespmem:$0xD000] =	vst v63  }
0x1e: {  	_ =	swait.ge [sflag:s12], $0x4000  }
0x1f: {  	[sflag:s12] =	ssyncset.done $0x0  }
0x20: {  	[sflag:s12] =	ssyncadd.s32 $0xFFFFC000  }
0x21: {  	[spmem:s7] =	stream.linear.scatter [tilespmem:s13], [sflag:$0x1], $0x4000, $0x38;
	[tilespmem:$0xD000] =	vst v63  }
0x22: {  	_ =	swait.ge [sflag:s12], $0x4000  }
0x23: {  	[sflag:s12] =	ssyncset.done $0x0  }
0x24: {  	[sflag:s12] =	ssyncadd.s32 $0xFFFFC000  }
0x25: {  	[spmem:s8] =	stream.linear.scatter [tilespmem:s13], [sflag:$0x1], $0x4000, $0x38;
	[tilespmem:$0xD000] =	vst v63  }
0x26: {  	_ =	swait.ge [sflag:s12], $0x4000  }
0x27: {  	[sflag:s12] =	ssyncset.done $0x0  }
0x28: {  	[sflag:s12] =	ssyncadd.s32 $0xFFFFC000  }
0x29: {  	[spmem:s9] =	stream.linear.scatter [tilespmem:s13], [sflag:$0x1], $0x4000, $0x38;
	[tilespmem:$0xD000] =	vst v63  }
0x2a: {  	_ =	swait.ge [sflag:s12], $0x4000  }
0x2b: {  	[sflag:s12] =	ssyncset.done $0x0  }
0x2c: {  	[sflag:s12] =	ssyncadd.s32 $0xFFFFC000  }
0x2d: {  	s19 =	simm.s32 $0x0;
	[bflag:$0x0] =	sbarrier.arrive $0xFFFF  }
0x2e: {  	[spmem:s2] =	stream.indirect.scatter.add.f32 [tilespmem:s15], [sflag:$0x1], $0x10, s19, s14, $0xb8;
	[tilespmem:$0xD000] =	vst v63  }
0x2f: {  	_ =	swait.ge [sflag:s12], $0x800  }
0x30: {  	s19 =	simm.s32 $0x200;
	[sflag:s12] =	ssyncset.done $0x0  }
.LBB2_4:
0x31: {  	s20 =	sshra.s32 s19, $0x2;
	[sflag:s12] =	ssyncadd.s32 $0xFFFFF800;
	p0 =	sne.s32 s19, $0x9E00  }
0x32: {  	[spmem:s2] =	stream.indirect.scatter.add.f32 [tilespmem:s15], [sflag:$0x1], $0x10, s20, s14, $0xb8;
	[tilespmem:$0xD000] =	vst v63  }
.Ltmp1:
0x33: {  	_ = 	snop;
	(pc) =	sbr.rel @p0 .LBB2_4-.Ltmp1, $4  }
0x34: {  	_ = 	snop  }
0x35: {  	s19 =	sadd.s32 $0x200, s19  }
0x36: {  	_ =	swait.ge [sflag:s12], $0x800  }
0x37: {  	[sflag:s12] =	ssyncset.done $0x0  }
0x38: {  	s18 =	sadd.s32 $0x1, s18  }
0x39: {  	[sflag:s12] =	ssyncadd.s32 $0xFFFFF800;
	p0 =	sne.s32 s18, s11  }
.Ltmp2:
0x3a: {  	[bflag:$0x0] =	sbarrier.arrive $0xFFFF;
	(pc) =	sbr.rel @p0 .LBB2_1-.Ltmp2, $4  }
0x3b: {  	[hbm:s10], [sflag:s16] =	dma.local [spmem:s17], $0x2800  }
0x3c: {  	_ =	swait.ge [sflag:s12], $0x2800  }
0x3d: {  	[sflag:s12] =	ssyncset.done $0x0  }
0x3e: {  	[sflag:s12] =	ssyncadd.s32 $0xFFFFD800  }
0x3f: {  	_ =	sfence.sel $0x180000  }
0x40: {  	[bflag:$0x0] =	sbarrier.arrive $0xFFFF  }
0x41: {  	p0 =	sne.s32 s0, $0x0;
	_ =	strace $0x90000047  }
0x42: {  	s0 =	sadd.s32 @!p0 $0x100000, s1;
	[bflag:$0x2] =	sbarrier.arrive $0xFFFF  }
0x43: {  	[sflag:s0] =	ssyncadd.tile.s32 @!p0 $0x1;
	_ =	shalt  }
.Lfunc_end2:
_tile_overlayer_lowered:
.L_overlay_start_2:
0x44: {  	(tag) =	ssettag $0x2  }
0x45: {  	s0 =	rddreg [dreg:$0x0];
	s2 =	stileid.u32  }
0x46: {  	s1 =	rddreg [dreg:$0x1];
	p0 =	sne.s32 s2, $0x0  }
0x47: {  	s3 =	rddreg [dreg:$0x2];
	[bflag:$0x3] =	sbarrier.arrive $0xFFFF;
	s2 =	simm.s32 @!p0 $0x1C01  }
0x48: {  	[timem:s3], [sflag:s2] =	dma.local @!p0 [hbm:s0], s1  }
0x49: {  	s0 =	simm.s32 @!p0 $0x1  }
0x4a: {  	_ =	swait.ge @!p0 [sflag:s0], s1  }
0x4b: {  	s1 =	ssub.s32 @!p0 $0x0, s1;
	[sflag:s0] =	ssyncset.done @!p0 $0x0  }
0x4c: {  	[sflag:s0] =	ssyncadd.s32 @!p0 s1  }
0x4d: {  	[bflag:$0x3] =	sbarrier.arrive $0xFFFF  }
0x4e: {  	_ =	shalt  }

</sc_bundles>
